<compile_context>
chip_gen: v7x
topology: tpu7x:2x2x1
jax: 0.10.2.dev20260603
libtpu: 0.0.44.dev20260713+nightly
codegen_flags: <defaults>
</compile_context>

<pallas_src>
import functools

import jax
import jax.numpy as jnp
from jax import lax
from jax.experimental import pallas as pl
from jax.experimental.pallas import tpu as pltpu
from jax.experimental.pallas import tpu_sc as plsc

N = 10000
E = 160000
NF = 128
ED = 16
D = 128
B = 64

NP = 10240
NC = 2
NS = 16
NW = NC * NS
CH = 128
CPW = 40
EP = NW * CPW * CH
TRASH = NP - N
EB = 1280
ROWB = 2048

_PRECX = lax.Precision.HIGHEST


def _dot(a, b):
    return jnp.dot(a, b, preferred_element_type=jnp.float32)


def _lin0_body(x_ref, w0_ref, b0_ref, wt_ref, out_ref, p_ref):
    h = jnp.maximum(_dot(x_ref[...], w0_ref[...]) + b0_ref[...], 0.0)
    out_ref[...] = h
    p_ref[...] = _dot(h, wt_ref[...])


def _lin0(xp, w0, b0, wt):
    return pl.pallas_call(
        _lin0_body,
        grid=(NP // ROWB,),
        in_specs=[
            pl.BlockSpec((ROWB, NF), lambda i: (i, 0)),
            pl.BlockSpec((NF, D), lambda i: (0, 0)),
            pl.BlockSpec((1, D), lambda i: (0, 0)),
            pl.BlockSpec((D, D), lambda i: (0, 0)),
        ],
        out_specs=[
            pl.BlockSpec((ROWB, D), lambda i: (i, 0)),
            pl.BlockSpec((ROWB, D), lambda i: (i, 0)),
        ],
        out_shape=[
            jax.ShapeDtypeStruct((NP, D), jnp.float32),
            jax.ShapeDtypeStruct((NP, D), jnp.float32),
        ],
    )(xp, w0, b0, wt)


def _eterm_body(ea_ref, wb_ref, b_ref, out_ref):
    out_ref[...] = _dot(ea_ref[...], wb_ref[...]) + b_ref[...]


def _eterm(edge_attr, wb, mb):
    nreal = E // EB
    return pl.pallas_call(
        _eterm_body,
        grid=(EP // EB,),
        in_specs=[
            pl.BlockSpec((EB, ED), lambda i: (jnp.minimum(i, nreal - 1), 0)),
            pl.BlockSpec((ED, D), lambda i: (0, 0)),
            pl.BlockSpec((1, D), lambda i: (0, 0)),
        ],
        out_specs=pl.BlockSpec((EB, D), lambda i: (i, 0)),
        out_shape=jax.ShapeDtypeStruct((EP, D), jnp.float32),
    )(edge_attr, wb, mb)


def _sc_edge_body(p_hbm, et_hbm, idx_hbm, za_hbm, zd_hbm,
                  agg_hbm, deg_hbm,
                  agg_sh, deg_sh, ibuf0, ones_v,
                  pbuf0, ebuf0, gsem0, esem0, ssem0):
    core = lax.axis_index("c")
    sub = lax.axis_index("s")
    w = core * NS + sub
    stripe = NP // NS
    base = sub * stripe

    ibufs = (ibuf0,)
    pbufs = (pbuf0,)
    ebufs = (ebuf0,)
    gsems = (gsem0,)
    esems = (esem0,)
    ssems = (ssem0,)

    pltpu.sync_copy(za_hbm.at[pl.ds(base, stripe)], agg_sh.at[pl.ds(base, stripe)])
    pltpu.sync_copy(zd_hbm.at[pl.ds(base, stripe)], deg_sh.at[pl.ds(base, stripe)])

    def _fill(i, carry):
        ones_v[pl.ds(i * 16, 16)] = jnp.full((16,), 1.0, jnp.float32)
        return carry

    lax.fori_loop(0, CH // 16, _fill, 0)
    plsc.subcore_barrier()

    def _issue_in(j, b):
        pltpu.sync_copy(idx_hbm.at[w, j], ibufs[b])
        pltpu.async_copy(p_hbm.at[ibufs[b].at[0]], pbufs[b], gsems[b])
        pltpu.async_copy(et_hbm.at[pl.ds((w * CPW + j) * CH, CH)], ebufs[b],
                         esems[b])

    def _wait_in(b):
        pltpu.make_async_copy(p_hbm.at[ibufs[b].at[0]], pbufs[b],
                              gsems[b]).wait()
        pltpu.make_async_copy(et_hbm.at[pl.ds(0, CH)], ebufs[b],
                              esems[b]).wait()

    def _issue_out(j, b):
        pltpu.async_copy(pbufs[b], agg_sh.at[ibufs[b].at[1]], ssems[b],
                         add=True)
        pltpu.async_copy(ones_v, deg_sh.at[ibufs[b].at[1]], ssems[b],
                         add=True)

    def _wait_out(b):
        pltpu.make_async_copy(pbufs[b], agg_sh.at[ibufs[b].at[1]],
                              ssems[b]).wait()
        pltpu.make_async_copy(ones_v, deg_sh.at[ibufs[b].at[1]],
                              ssems[b]).wait()

    def _compute(b):
        pb = pbufs[b]
        eb = ebufs[b]

        def _row(r, c2):
            for cc in range(D // 16):
                sl = pl.ds(cc * 16, 16)
                pb[r, sl] = jnp.maximum(pb[r, sl] + eb[r, sl], 0.0)
            return c2

        lax.fori_loop(0, CH, _row, 0)

    def _body(j, carry):
        _issue_in(j, 0)
        _wait_in(0)
        _compute(0)
        _issue_out(j, 0)
        _wait_out(0)
        return carry

    lax.fori_loop(0, CPW, _body, 0)

    plsc.subcore_barrier()
    pltpu.sync_copy(agg_sh.at[pl.ds(base, stripe)],
                    agg_hbm.at[core, pl.ds(base, stripe)])
    pltpu.sync_copy(deg_sh.at[pl.ds(base, stripe)],
                    deg_hbm.at[core, pl.ds(base, stripe)])


_sc_edge_built = None


def _sc_edge(*args):
    global _sc_edge_built
    if _sc_edge_built is None:
        mesh = plsc.VectorSubcoreMesh(core_axis_name="c", subcore_axis_name="s")
        _sc_edge_built = pl.kernel(
            _sc_edge_body,
            out_type=[
                jax.ShapeDtypeStruct((NC, NP, D), jnp.float32),
                jax.ShapeDtypeStruct((NC, NP), jnp.float32),
            ],
            mesh=mesh,
            scratch_types=[
                pltpu.VMEM_SHARED((NP, D), jnp.float32),
                pltpu.VMEM_SHARED((NP,), jnp.float32),
                pltpu.VMEM((2, CH), jnp.int32),
                pltpu.VMEM((CH,), jnp.float32),
                pltpu.VMEM((CH, D), jnp.float32),
                pltpu.VMEM((CH, D), jnp.float32),
                pltpu.SemaphoreType.DMA,
                pltpu.SemaphoreType.DMA,
                pltpu.SemaphoreType.DMA,
            ],
        )
    return _sc_edge_built(*args)


def _gru_body(out_ref, a0_ref, a1_ref, d0_ref, d1_ref,
              wi_ref, wh_ref, bi_ref, bh_ref, wt_ref,
              newout_ref, p_ref):
    deg = jnp.maximum(d0_ref[0] + d1_ref[0], 1.0)
    s = a0_ref[0] + a1_ref[0]
    agg = (s.reshape(ROWB // 128, 128, D) / deg[:, :, None]).reshape(ROWB, D)
    h = out_ref[...]
    gi = _dot(agg, wi_ref[...]) + bi_ref[...]
    gh = _dot(h, wh_ref[...]) + bh_ref[...]
    r = jax.nn.sigmoid(gi[:, 0:D] + gh[:, 0:D])
    z = jax.nn.sigmoid(gi[:, D:2 * D] + gh[:, D:2 * D])
    n = jnp.tanh(gi[:, 2 * D:3 * D] + r * gh[:, 2 * D:3 * D])
    ho = (1.0 - z) * n + z * h
    newout_ref[...] = ho
    p_ref[...] = _dot(ho, wt_ref[...])


def _gru(out, aggp, degr, wi, wh, bi, bh, wt):
    db = ROWB // 128
    return pl.pallas_call(
        _gru_body,
        grid=(NP // ROWB,),
        in_specs=[
            pl.BlockSpec((ROWB, D), lambda i: (i, 0)),
            pl.BlockSpec((1, ROWB, D), lambda i: (0, i, 0)),
            pl.BlockSpec((1, ROWB, D), lambda i: (1, i, 0)),
            pl.BlockSpec((1, db, 128), lambda i: (0, i, 0)),
            pl.BlockSpec((1, db, 128), lambda i: (1, i, 0)),
            pl.BlockSpec((D, 3 * D), lambda i: (0, 0)),
            pl.BlockSpec((D, 3 * D), lambda i: (0, 0)),
            pl.BlockSpec((1, 3 * D), lambda i: (0, 0)),
            pl.BlockSpec((1, 3 * D), lambda i: (0, 0)),
            pl.BlockSpec((D, D), lambda i: (0, 0)),
        ],
        out_specs=[
            pl.BlockSpec((ROWB, D), lambda i: (i, 0)),
            pl.BlockSpec((ROWB, D), lambda i: (i, 0)),
        ],
        out_shape=[
            jax.ShapeDtypeStruct((NP, D), jnp.float32),
            jax.ShapeDtypeStruct((NP, D), jnp.float32),
        ],
    )(out, aggp, aggp, degr, degr, wi, wh, bi, bh, wt)


def _s2s_body(out_ref, batch_ref, wi_ref, wh_ref, b_ref,
              w1_ref, b1_ref, w2_ref, b2_ref, w3_ref, b3_ref, v_ref):
    outv = out_ref[...]
    bidx = batch_ref[...]
    gids = lax.broadcasted_iota(jnp.int32, (1, B), 1)
    oneh = (bidx == gids).astype(jnp.float32)

    def step(t, carry):
        q_star, h, c = carry
        g = _dot(q_star, wi_ref[...]) + _dot(h, wh_ref[...]) + b_ref[...]
        ig = jax.nn.sigmoid(g[:, 0:D])
        fg = jax.nn.sigmoid(g[:, D:2 * D])
        gg = jnp.tanh(g[:, 2 * D:3 * D])
        og = jax.nn.sigmoid(g[:, 3 * D:4 * D])
        c2 = fg * c + ig * gg
        h2 = og * jnp.tanh(c2)
        qb = jnp.dot(oneh, h2, precision=_PRECX,
                     preferred_element_type=jnp.float32)
        e = jnp.sum(outv * qb, axis=1, keepdims=True)
        em = jnp.where(oneh > 0, e, -1e30)
        emax = jnp.max(em, axis=0, keepdims=True)
        emax_n = jnp.sum(oneh * emax, axis=1, keepdims=True)
        a = jnp.exp(e - emax_n)
        den = jnp.sum(oneh * a, axis=0, keepdims=True)
        den_n = jnp.sum(oneh * den, axis=1, keepdims=True)
        wgt = a / jnp.maximum(den_n, 1e-30)
        aw = oneh * wgt
        r_read = lax.dot_general(aw, outv, (((0,), (0,)), ((), ())),
                                 precision=_PRECX,
                                 preferred_element_type=jnp.float32)
        q_star2 = jnp.concatenate([h2, r_read], axis=1)
        return (q_star2, h2, c2)

    init = (jnp.zeros((B, 2 * D), jnp.float32),
            jnp.zeros((B, D), jnp.float32),
            jnp.zeros((B, D), jnp.float32))
    q_star, _, _ = lax.fori_loop(0, 6, step, init)
    v = jnp.maximum(_dot(q_star, w1_ref[...]) + b1_ref[...], 0.0)
    v = jnp.maximum(_dot(v, w2_ref[...]) + b2_ref[...], 0.0)
    v_ref[...] = _dot(v, w3_ref[...]) + b3_ref[...]


def _s2s(out, batchp, wi, wh, b, w1, b1, w2, b2, w3p, b3p):
    return pl.pallas_call(
        _s2s_body,
        out_shape=jax.ShapeDtypeStruct((B, 128), jnp.float32),
    )(out, batchp, wi, wh, b, w1, b1, w2, b2, w3p, b3p)


def kernel(x, edge_index, edge_attr, batch,
           lin0_W, lin0_b, msg_W, msg_b,
           gru_Wi, gru_Wh, gru_bi, gru_bh,
           lstm_Wi, lstm_Wh, lstm_b,
           mlp_W1, mlp_b1, mlp_W2, mlp_b2, mlp_W3, mlp_b3):
    f32 = jnp.float32
    xp = jnp.pad(x, ((0, NP - N), (0, 0)))
    src = edge_index[0].astype(jnp.int32)
    dst = edge_index[1].astype(jnp.int32)
    pad_e = EP - E
    pad_iota = jnp.arange(pad_e, dtype=jnp.int32)
    srcp = jnp.concatenate([src, jnp.zeros((pad_e,), jnp.int32)]).reshape(NW, CPW, CH)
    dstp = jnp.concatenate([dst, N + pad_iota % TRASH]).reshape(NW, CPW, CH)
    idxp = jnp.stack([srcp, dstp], axis=2)
    w_top = msg_W[:D]
    w_bot = msg_W[D:]
    za = jnp.zeros((NP, D), f32)
    zd = jnp.zeros((NP,), f32)

    out, p = _lin0(xp, lin0_W, lin0_b.reshape(1, D), w_top)
    et = _eterm(edge_attr, w_bot, msg_b.reshape(1, D))

    for _ in range(3):
        aggp, degp = _sc_edge(p, et, idxp, za, zd)
        degr = degp.reshape(NC, NP // 128, 128)
        out, p = _gru(out, aggp, degr, gru_Wi, gru_Wh,
                      gru_bi.reshape(1, 3 * D), gru_bh.reshape(1, 3 * D), w_top)

    batchp = jnp.concatenate(
        [batch.astype(jnp.int32), jnp.full((NP - N,), B, jnp.int32)]).reshape(NP, 1)
    w3p = jnp.pad(mlp_W3, ((0, 0), (0, 127)))
    b3p = jnp.pad(mlp_b3.reshape(1, 1), ((0, 0), (0, 127)))
    v = _s2s(out, batchp, lstm_Wi, lstm_Wh, lstm_b.reshape(1, 4 * D),
             mlp_W1, mlp_b1.reshape(1, D), mlp_W2, mlp_b2.reshape(1, D),
             w3p, b3p)
    return v[:, :1]

# --- scband reference (transcript-rebuilt; emitter-appended) ---
"""Pipeline reference for scband-critic-batch-net-30983894073447 (READ-ONLY COPY).

The authoritative reference and input builder live on the scoring server;
editing this copy changes nothing except your own understanding.
"""

import jax, jax.numpy as jnp
import numpy as np

N = 10000
E = 160000
NF = 128
ED = 16
D = 128
B = 64

def setup_inputs(seed: int = 0):
    key = jax.random.key(seed)
    ks = jax.random.split(key, 16)
    s = 0.05
    inp = {}
    inp["x"] = jax.random.normal(ks[0], (N, NF), dtype=jnp.float32)
    inp["edge_index"] = jax.random.randint(ks[1], (2, E), 0, N)
    inp["edge_attr"] = jax.random.normal(ks[2], (E, ED), dtype=jnp.float32)
    inp["batch"] = jnp.sort(jax.random.randint(ks[3], (N,), 0, B))
    inp["lin0_W"] = jax.random.normal(ks[4], (NF, D), dtype=jnp.float32) * s
    inp["lin0_b"] = jnp.zeros((D,), dtype=jnp.float32)
    inp["msg_W"] = jax.random.normal(ks[5], (D + ED, D), dtype=jnp.float32) * s
    inp["msg_b"] = jnp.zeros((D,), dtype=jnp.float32)
    inp["gru_Wi"] = jax.random.normal(ks[6], (D, 3 * D), dtype=jnp.float32) * s
    inp["gru_Wh"] = jax.random.normal(ks[7], (D, 3 * D), dtype=jnp.float32) * s
    inp["gru_bi"] = jnp.zeros((3 * D,), dtype=jnp.float32)
    inp["gru_bh"] = jnp.zeros((3 * D,), dtype=jnp.float32)
    inp["lstm_Wi"] = jax.random.normal(ks[8], (2 * D, 4 * D), dtype=jnp.float32) * s
    inp["lstm_Wh"] = jax.random.normal(ks[9], (D, 4 * D), dtype=jnp.float32) * s
    inp["lstm_b"] = jnp.zeros((4 * D,), dtype=jnp.float32)
    inp["mlp_W1"] = jax.random.normal(ks[10], (2 * D, D), dtype=jnp.float32) * s
    inp["mlp_b1"] = jnp.zeros((D,), dtype=jnp.float32)
    inp["mlp_W2"] = jax.random.normal(ks[11], (D, D), dtype=jnp.float32) * s
    inp["mlp_b2"] = jnp.zeros((D,), dtype=jnp.float32)
    inp["mlp_W3"] = jax.random.normal(ks[12], (D, 1), dtype=jnp.float32) * s
    inp["mlp_b3"] = jnp.zeros((1,), dtype=jnp.float32)
    return inp

def _forward(x, edge_attr, lin0_W, lin0_b, msg_W, msg_b, gru_Wi, gru_Wh, gru_bi, gru_bh, lstm_Wi, lstm_Wh, lstm_b, mlp_W1, mlp_b1, mlp_W2, mlp_b2, mlp_W3, mlp_b3, edge_index, batch):
    src = edge_index[0]
    dst = edge_index[1]
    deg = jnp.maximum(jnp.zeros((N,), dtype=jnp.float32).at[dst].add(1.0), 1.0)
    out = jax.nn.relu(x @ lin0_W + lin0_b)
    for _ in range(3):
        m_in = jnp.concatenate([out[src], edge_attr], axis=1)
        m = jax.nn.relu(m_in @ msg_W + msg_b)
        agg = jnp.zeros((N, D), dtype=jnp.float32).at[dst].add(m) / deg[:, None]
        gi = agg @ gru_Wi + gru_bi
        gh = out @ gru_Wh + gru_bh
        i_r, i_z, i_n = jnp.split(gi, 3, axis=1)
        h_r, h_z, h_n = jnp.split(gh, 3, axis=1)
        r = jax.nn.sigmoid(i_r + h_r)
        z = jax.nn.sigmoid(i_z + h_z)
        n = jnp.tanh(i_n + r * h_n)
        out = (1.0 - z) * n + z * out
    q_star = jnp.zeros((B, 2 * D), dtype=jnp.float32)
    h_l = jnp.zeros((B, D), dtype=jnp.float32)
    c_l = jnp.zeros((B, D), dtype=jnp.float32)
    for _ in range(6):
        g = q_star @ lstm_Wi + h_l @ lstm_Wh + lstm_b
        gi_, gf_, gg_, go_ = jnp.split(g, 4, axis=1)
        c_l = jax.nn.sigmoid(gf_) * c_l + jax.nn.sigmoid(gi_) * jnp.tanh(gg_)
        h_l = jax.nn.sigmoid(go_) * jnp.tanh(c_l)
        q = h_l
        e = jnp.sum(out * q[batch], axis=1)
        e_max = jax.ops.segment_max(e, batch, num_segments=B)
        a = jnp.exp(e - e_max[batch])
        a_den = jax.ops.segment_sum(a, batch, num_segments=B)
        a = a / a_den[batch]
        r_read = jax.ops.segment_sum(a[:, None] * out, batch, num_segments=B)
        q_star = jnp.concatenate([q, r_read], axis=1)
    v = jax.nn.relu(q_star @ mlp_W1 + mlp_b1)
    v = jax.nn.relu(v @ mlp_W2 + mlp_b2)
    v = v @ mlp_W3 + mlp_b3
    return v

def reference(x, edge_index, edge_attr, batch, lin0_W, lin0_b, msg_W, msg_b, gru_Wi, gru_Wh, gru_bi, gru_bh, lstm_Wi, lstm_Wh, lstm_b, mlp_W1, mlp_b1, mlp_W2, mlp_b2, mlp_W3, mlp_b3):
    return _forward(x, edge_attr, lin0_W, lin0_b, msg_W, msg_b, gru_Wi, gru_Wh, gru_bi, gru_bh, lstm_Wi, lstm_Wh, lstm_b, mlp_W1, mlp_b1, mlp_W2, mlp_b2, mlp_W3, mlp_b3, edge_index, batch)

if __name__ == "__main__":
    import jax
    _d = setup_inputs()
    print(jax.jit(kernel)(*tuple(_d.values())))

</pallas_src>

<mosaic_0001>
#map = affine_map<(d0, d1) -> (0, 0)>
#map1 = affine_map<(d0, d1) -> (0, 0, 0, 0)>
#map2 = affine_map<(d0, d1) -> (0)>
#map3 = affine_map<(d0, d1) -> (0, 0, 0)>
module attributes {stable_mosaic.version = 14 : i64} {
  func.func @_sc_edge_body(%arg0: i32, %arg1: i32, %arg2: memref<10240x128xf32, #tpu.memory_space<hbm>>, %arg3: memref<163840x128xf32, #tpu.memory_space<hbm>>, %arg4: memref<32x40x2x128xi32, #tpu.memory_space<hbm>>, %arg5: memref<10240x128xf32, #tpu.memory_space<hbm>>, %arg6: memref<10240xf32, #tpu.memory_space<hbm>>, %arg7: memref<2x10240x128xf32, #tpu.memory_space<hbm>>, %arg8: memref<2x10240xf32, #tpu.memory_space<hbm>>, %arg9: memref<10240x128xf32, #tpu.memory_space<vmem_shared>>, %arg10: memref<10240xf32, #tpu.memory_space<vmem_shared>>, %arg11: memref<2x128xi32, #tpu.memory_space<vmem>>, %arg12: memref<128xf32, #tpu.memory_space<vmem>>, %arg13: memref<128x128xf32, #tpu.memory_space<vmem>>, %arg14: memref<128x128xf32, #tpu.memory_space<vmem>>, %arg15: memref<!tpu.dma_semaphore, #tpu.memory_space<semaphore_mem>>, %arg16: memref<!tpu.dma_semaphore, #tpu.memory_space<semaphore_mem>>, %arg17: memref<!tpu.dma_semaphore, #tpu.memory_space<semaphore_mem>>) attributes {dimension_semantics = [#tpu.dimension_semantics<core_parallel>, #tpu.dimension_semantics<subcore_parallel>], iteration_bounds = array<i64: 2, 16>, scalar_prefetch = 0 : i64, scratch_operands = 9 : i64, tpu.core_type = #tpu.core_type<sc_vector_subcore>, window_params = [{transform_indices = #map}, {transform_indices = #map}, {transform_indices = #map1}, {transform_indices = #map}, {transform_indices = #map2}, {transform_indices = #map3}, {transform_indices = #map}]} {
    %mul3A = arith.constant 16 : i32
    %mul3A_0 = arith.muli %arg0, %mul3A : i32
    %add3A = arith.addi %mul3A_0, %arg1 : i32
    %mul3A_1 = arith.constant 640 : i32
    %mul3A_2 = arith.muli %arg1, %mul3A_1 : i32
    "tpu.region"() ({
      %run_scoped3A = tpu.sem_alloc : memref<!tpu.dma_semaphore, #tpu.memory_space<semaphore_mem>>
      %dma_start3A = arith.constant 0 : i32
      %dma_start3A_15 = tpu.memref_slice %arg9[%mul3A_2, %dma_start3A] : memref<10240x128xf32, #tpu.memory_space<vmem_shared>> -> memref<640x128xf32, #tpu.memory_space<vmem_shared>>
      %dma_start3A_16 = arith.constant 0 : i32
      %dma_start3A_17 = tpu.memref_slice %arg5[%mul3A_2, %dma_start3A_16] : memref<10240x128xf32, #tpu.memory_space<hbm>> -> memref<640x128xf32, #tpu.memory_space<hbm>>
      tpu.enqueue_dma source(%dma_start3A_17 : memref<640x128xf32, #tpu.memory_space<hbm>>) target(%dma_start3A_15 : memref<640x128xf32, #tpu.memory_space<vmem_shared>>) target_semaphore(%run_scoped3A : memref<!tpu.dma_semaphore, #tpu.memory_space<semaphore_mem>>)
      %dma_wait3A = arith.constant 0 : i32
      %dma_wait3A_18 = tpu.memref_slice %arg9[%mul3A_2, %dma_wait3A] : memref<10240x128xf32, #tpu.memory_space<vmem_shared>> -> memref<640x128xf32, #tpu.memory_space<vmem_shared>>
      %dma_wait3A_19 = arith.constant 0 : i32
      %dma_wait3A_20 = tpu.memref_slice %arg5[%mul3A_2, %dma_wait3A_19] : memref<10240x128xf32, #tpu.memory_space<hbm>> -> memref<640x128xf32, #tpu.memory_space<hbm>>
      tpu.wait_dma2 semaphore(%run_scoped3A : memref<!tpu.dma_semaphore, #tpu.memory_space<semaphore_mem>>) src(%dma_wait3A_20 : memref<640x128xf32, #tpu.memory_space<hbm>>) dst(%dma_wait3A_18 : memref<640x128xf32, #tpu.memory_space<vmem_shared>>)
      tpu.yield
    }) : () -> ()
    "tpu.region"() ({
      %run_scoped3A = tpu.sem_alloc : memref<!tpu.dma_semaphore, #tpu.memory_space<semaphore_mem>>
      %dma_start3A = tpu.memref_slice %arg10[%mul3A_2] : memref<10240xf32, #tpu.memory_space<vmem_shared>> -> memref<640xf32, #tpu.memory_space<vmem_shared>>
      %dma_start3A_15 = tpu.memref_slice %arg6[%mul3A_2] : memref<10240xf32, #tpu.memory_space<hbm>> -> memref<640xf32, #tpu.memory_space<hbm>>
      tpu.enqueue_dma source(%dma_start3A_15 : memref<640xf32, #tpu.memory_space<hbm>>) target(%dma_start3A : memref<640xf32, #tpu.memory_space<vmem_shared>>) target_semaphore(%run_scoped3A : memref<!tpu.dma_semaphore, #tpu.memory_space<semaphore_mem>>)
      %dma_wait3A = tpu.memref_slice %arg10[%mul3A_2] : memref<10240xf32, #tpu.memory_space<vmem_shared>> -> memref<640xf32, #tpu.memory_space<vmem_shared>>
      %dma_wait3A_16 = tpu.memref_slice %arg6[%mul3A_2] : memref<10240xf32, #tpu.memory_space<hbm>> -> memref<640xf32, #tpu.memory_space<hbm>>
      tpu.wait_dma2 semaphore(%run_scoped3A : memref<!tpu.dma_semaphore, #tpu.memory_space<semaphore_mem>>) src(%dma_wait3A_16 : memref<640xf32, #tpu.memory_space<hbm>>) dst(%dma_wait3A : memref<640xf32, #tpu.memory_space<vmem_shared>>)
      tpu.yield
    }) : () -> ()
    %scan3A = arith.constant 0 : i32
    %scan3A_3 = arith.constant 0 : i32
    %scan3A_4 = arith.constant 8 : i32
    %scan3A_5 = arith.addi %scan3A_3, %scan3A_4 : i32
    %scan3A_6 = arith.constant 1 : i32
    scf.for %scan3A_15 = %scan3A_3 to %scan3A_5 step %scan3A_6  : i32 {
      %broadcast_in_dim3A = arith.constant 1.000000e+00 : f32
      %broadcast_in_dim3A_16 = vector.broadcast %broadcast_in_dim3A : f32 to vector<16xf32>
      %mul3A_17 = arith.constant 16 : i32
      %mul3A_18 = arith.muli %scan3A_15, %mul3A_17 : i32
      %swap3A = arith.index_cast %mul3A_18 : i32 to index
      %swap3A_19 = tpu.vector_load %arg12[%swap3A] {strides = array<i32>} : memref<128xf32, #tpu.memory_space<vmem>>, vector<16xf32>,
      %swap3A_20 = vector.shape_cast %swap3A_19 : vector<16xf32> to vector<16xf32>
      %swap3A_21 = vector.shape_cast %broadcast_in_dim3A_16 : vector<16xf32> to vector<16xf32>
      tpu.vector_store %arg12[%swap3A], %swap3A_21 {strides = array<i32>} : memref<128xf32, #tpu.memory_space<vmem>>, vector<16xf32>,
    }
    %scan3A_7 = arith.constant 8 : i32
    %barrier3A = arith.constant 0 : index
    tpu.barrier barrier_id(%barrier3A)
    %scan3A_8 = arith.constant 0 : i32
    %scan3A_9 = arith.constant 0 : i32
    %scan3A_10 = arith.constant 40 : i32
    %scan3A_11 = arith.addi %scan3A_9, %scan3A_10 : i32
    %scan3A_12 = arith.constant 1 : i32
    scf.for %scan3A_15 = %scan3A_9 to %scan3A_11 step %scan3A_12  : i32 {
      "tpu.region"() ({
        %run_scoped3A = tpu.sem_alloc : memref<!tpu.dma_semaphore, #tpu.memory_space<semaphore_mem>>
        %dma_start3A_75 = arith.constant 0 : i32
        %dma_start3A_76 = arith.constant 0 : i32
        %dma_start3A_77 = tpu.memref_slice %arg4[%add3A, %scan3A_15, %dma_start3A_75, %dma_start3A_76] : memref<32x40x2x128xi32, #tpu.memory_space<hbm>> -> memref<1x1x2x128xi32, #tpu.memory_space<hbm>>
        %dma_start3A_78 = tpu.memref_squeeze %dma_start3A_77 : memref<1x1x2x128xi32, #tpu.memory_space<hbm>> -> memref<2x128xi32, #tpu.memory_space<hbm>>
        %dma_start3A_79 = arith.constant 0 : i32
        %dma_start3A_80 = arith.constant 0 : i32
        %dma_start3A_81 = tpu.memref_slice %arg4[%add3A, %scan3A_15, %dma_start3A_79, %dma_start3A_80] : memref<32x40x2x128xi32, #tpu.memory_space<hbm>> -> memref<1x1x2x128xi32, #tpu.memory_space<hbm>>
        %dma_start3A_82 = tpu.memref_squeeze %dma_start3A_81 : memref<1x1x2x128xi32, #tpu.memory_space<hbm>> -> memref<2x128xi32, #tpu.memory_space<hbm>>
        tpu.enqueue_dma source(%dma_start3A_82 : memref<2x128xi32, #tpu.memory_space<hbm>>) target(%arg11 : memref<2x128xi32, #tpu.memory_space<vmem>>) target_semaphore(%run_scoped3A : memref<!tpu.dma_semaphore, #tpu.memory_space<semaphore_mem>>)
        %dma_wait3A_83 = arith.constant 0 : i32
        %dma_wait3A_84 = arith.constant 0 : i32
        %dma_wait3A_85 = tpu.memref_slice %arg4[%add3A, %scan3A_15, %dma_wait3A_83, %dma_wait3A_84] : memref<32x40x2x128xi32, #tpu.memory_space<hbm>> -> memref<1x1x2x128xi32, #tpu.memory_space<hbm>>
        %dma_wait3A_86 = tpu.memref_squeeze %dma_wait3A_85 : memref<1x1x2x128xi32, #tpu.memory_space<hbm>> -> memref<2x128xi32, #tpu.memory_space<hbm>>
        %dma_wait3A_87 = arith.constant 0 : i32
        %dma_wait3A_88 = arith.constant 0 : i32
        %dma_wait3A_89 = tpu.memref_slice %arg4[%add3A, %scan3A_15, %dma_wait3A_87, %dma_wait3A_88] : memref<32x40x2x128xi32, #tpu.memory_space<hbm>> -> memref<1x1x2x128xi32, #tpu.memory_space<hbm>>
        %dma_wait3A_90 = tpu.memref_squeeze %dma_wait3A_89 : memref<1x1x2x128xi32, #tpu.memory_space<hbm>> -> memref<2x128xi32, #tpu.memory_space<hbm>>
        tpu.wait_dma2 semaphore(%run_scoped3A : memref<!tpu.dma_semaphore, #tpu.memory_space<semaphore_mem>>) src(%dma_wait3A_90 : memref<2x128xi32, #tpu.memory_space<hbm>>) dst(%arg11 : memref<2x128xi32, #tpu.memory_space<vmem>>)
        tpu.yield
      }) : () -> ()
      %dma_start3A = arith.constant 0 : i32
      %dma_start3A_16 = arith.constant 0 : i32
      %dma_start3A_17 = tpu.memref_slice %arg11[%dma_start3A, %dma_start3A_16] : memref<2x128xi32, #tpu.memory_space<vmem>> -> memref<1x128xi32, #tpu.memory_space<vmem>>
      %dma_start3A_18 = tpu.memref_squeeze %dma_start3A_17 : memref<1x128xi32, #tpu.memory_space<vmem>> -> memref<128xi32, #tpu.memory_space<vmem>>
      %dma_start3A_19 = arith.constant 0 : i32
      %dma_start3A_20 = arith.constant 0 : i32
      %dma_start3A_21 = tpu.memref_slice %arg2[%dma_start3A_19, %dma_start3A_20] : memref<10240x128xf32, #tpu.memory_space<hbm>> -> memref<10240x128xf32, #tpu.memory_space<hbm>>
      tpu.enqueue_indirect_dma source(%dma_start3A_21 : memref<10240x128xf32, #tpu.memory_space<hbm>>) target(%arg13 : memref<128x128xf32, #tpu.memory_space<vmem>>) offsets(%dma_start3A_18 : memref<128xi32, #tpu.memory_space<vmem>>) semaphore(%arg15 : memref<!tpu.dma_semaphore, #tpu.memory_space<semaphore_mem>>)
      %mul3A_22 = arith.constant 40 : i32
      %mul3A_23 = arith.muli %add3A, %mul3A_22 : i32
      %add3A_24 = arith.addi %mul3A_23, %scan3A_15 : i32
      %mul3A_25 = arith.constant 128 : i32
      %mul3A_26 = arith.muli %add3A_24, %mul3A_25 : i32
      %dma_start3A_27 = arith.constant 0 : i32
      %dma_start3A_28 = tpu.memref_slice %arg3[%mul3A_26, %dma_start3A_27] : memref<163840x128xf32, #tpu.memory_space<hbm>> -> memref<128x128xf32, #tpu.memory_space<hbm>>
      %dma_start3A_29 = arith.constant 0 : i32
      %dma_start3A_30 = tpu.memref_slice %arg3[%mul3A_26, %dma_start3A_29] : memref<163840x128xf32, #tpu.memory_space<hbm>> -> memref<128x128xf32, #tpu.memory_space<hbm>>
      tpu.enqueue_dma source(%dma_start3A_30 : memref<128x128xf32, #tpu.memory_space<hbm>>) target(%arg14 : memref<128x128xf32, #tpu.memory_space<vmem>>) target_semaphore(%arg16 : memref<!tpu.dma_semaphore, #tpu.memory_space<semaphore_mem>>)
      %dma_wait3A = arith.constant 0 : i32
      %dma_wait3A_31 = arith.constant 0 : i32
      %dma_wait3A_32 = tpu.memref_slice %arg11[%dma_wait3A, %dma_wait3A_31] : memref<2x128xi32, #tpu.memory_space<vmem>> -> memref<1x128xi32, #tpu.memory_space<vmem>>
      %dma_wait3A_33 = tpu.memref_squeeze %dma_wait3A_32 : memref<1x128xi32, #tpu.memory_space<vmem>> -> memref<128xi32, #tpu.memory_space<vmem>>
      %dma_wait3A_34 = arith.constant 0 : i32
      %dma_wait3A_35 = arith.constant 0 : i32
      %dma_wait3A_36 = tpu.memref_slice %arg2[%dma_wait3A_34, %dma_wait3A_35] : memref<10240x128xf32, #tpu.memory_space<hbm>> -> memref<10240x128xf32, #tpu.memory_space<hbm>>
      tpu.wait_indirect_dma semaphore(%arg15 : memref<!tpu.dma_semaphore, #tpu.memory_space<semaphore_mem>>) src(%dma_wait3A_36 : memref<10240x128xf32, #tpu.memory_space<hbm>>) dst(%arg13 : memref<128x128xf32, #tpu.memory_space<vmem>>)
      %dma_wait3A_37 = arith.constant 0 : i32
      %dma_wait3A_38 = arith.constant 0 : i32
      %dma_wait3A_39 = tpu.memref_slice %arg3[%dma_wait3A_37, %dma_wait3A_38] : memref<163840x128xf32, #tpu.memory_space<hbm>> -> memref<128x128xf32, #tpu.memory_space<hbm>>
      %dma_wait3A_40 = arith.constant 0 : i32
      %dma_wait3A_41 = arith.constant 0 : i32
      %dma_wait3A_42 = tpu.memref_slice %arg3[%dma_wait3A_40, %dma_wait3A_41] : memref<163840x128xf32, #tpu.memory_space<hbm>> -> memref<128x128xf32, #tpu.memory_space<hbm>>
      tpu.wait_dma2 semaphore(%arg16 : memref<!tpu.dma_semaphore, #tpu.memory_space<semaphore_mem>>) src(%dma_wait3A_42 : memref<128x128xf32, #tpu.memory_space<hbm>>) dst(%arg14 : memref<128x128xf32, #tpu.memory_space<vmem>>)
      %scan3A_43 = arith.constant 0 : i32
      %scan3A_44 = arith.constant 0 : i32
      %scan3A_45 = arith.constant 128 : i32
      %scan3A_46 = arith.addi %scan3A_44, %scan3A_45 : i32
      %scan3A_47 = arith.constant 1 : i32
      scf.for %scan3A_75 = %scan3A_44 to %scan3A_46 step %scan3A_47  : i32 {
        %get3A = arith.index_cast %scan3A_75 : i32 to index
        %get3A_76 = arith.constant 0 : index
        %get3A_77 = tpu.vector_load %arg13[%get3A, %get3A_76] {strides = array<i32>} : memref<128x128xf32, #tpu.memory_space<vmem>>, vector<1x16xf32>,
        %get3A_78 = vector.shape_cast %get3A_77 : vector<1x16xf32> to vector<16xf32>
        %get3A_79 = arith.index_cast %scan3A_75 : i32 to index
        %get3A_80 = arith.constant 0 : index
        %get3A_81 = tpu.vector_load %arg14[%get3A_79, %get3A_80] {strides = array<i32>} : memref<128x128xf32, #tpu.memory_space<vmem>>, vector<1x16xf32>,
        %get3A_82 = vector.shape_cast %get3A_81 : vector<1x16xf32> to vector<16xf32>
        %add3A_83 = arith.addf %get3A_78, %get3A_82 : vector<16xf32>
        %max3A = arith.constant 0.000000e+00 : f32
        %max3A_84 = vector.broadcast %max3A : f32 to vector<16xf32>
        %max3A_85 = arith.maximumf %add3A_83, %max3A_84 : vector<16xf32>
        %swap3A = arith.index_cast %scan3A_75 : i32 to index
        %swap3A_86 = arith.constant 0 : index
        %swap3A_87 = tpu.vector_load %arg13[%swap3A, %swap3A_86] {strides = array<i32>} : memref<128x128xf32, #tpu.memory_space<vmem>>, vector<1x16xf32>,
        %swap3A_88 = vector.shape_cast %swap3A_87 : vector<1x16xf32> to vector<16xf32>
        %swap3A_89 = vector.shape_cast %max3A_85 : vector<16xf32> to vector<1x16xf32>
        tpu.vector_store %arg13[%swap3A, %swap3A_86], %swap3A_89 {strides = array<i32>} : memref<128x128xf32, #tpu.memory_space<vmem>>, vector<1x16xf32>,
        %get3A_90 = arith.index_cast %scan3A_75 : i32 to index
        %get3A_91 = arith.constant 16 : index
        %get3A_92 = tpu.vector_load %arg13[%get3A_90, %get3A_91] {strides = array<i32>} : memref<128x128xf32, #tpu.memory_space<vmem>>, vector<1x16xf32>,
        %get3A_93 = vector.shape_cast %get3A_92 : vector<1x16xf32> to vector<16xf32>
        %get3A_94 = arith.index_cast %scan3A_75 : i32 to index
        %get3A_95 = arith.constant 16 : index
        %get3A_96 = tpu.vector_load %arg14[%get3A_94, %get3A_95] {strides = array<i32>} : memref<128x128xf32, #tpu.memory_space<vmem>>, vector<1x16xf32>,
        %get3A_97 = vector.shape_cast %get3A_96 : vector<1x16xf32> to vector<16xf32>
        %add3A_98 = arith.addf %get3A_93, %get3A_97 : vector<16xf32>
        %max3A_99 = arith.constant 0.000000e+00 : f32
        %max3A_100 = vector.broadcast %max3A_99 : f32 to vector<16xf32>
        %max3A_101 = arith.maximumf %add3A_98, %max3A_100 : vector<16xf32>
        %swap3A_102 = arith.index_cast %scan3A_75 : i32 to index
        %swap3A_103 = arith.constant 16 : index
        %swap3A_104 = tpu.vector_load %arg13[%swap3A_102, %swap3A_103] {strides = array<i32>} : memref<128x128xf32, #tpu.memory_space<vmem>>, vector<1x16xf32>,
        %swap3A_105 = vector.shape_cast %swap3A_104 : vector<1x16xf32> to vector<16xf32>
        %swap3A_106 = vector.shape_cast %max3A_101 : vector<16xf32> to vector<1x16xf32>
        tpu.vector_store %arg13[%swap3A_102, %swap3A_103], %swap3A_106 {strides = array<i32>} : memref<128x128xf32, #tpu.memory_space<vmem>>, vector<1x16xf32>,
        %get3A_107 = arith.index_cast %scan3A_75 : i32 to index
        %get3A_108 = arith.constant 32 : index
        %get3A_109 = tpu.vector_load %arg13[%get3A_107, %get3A_108] {strides = array<i32>} : memref<128x128xf32, #tpu.memory_space<vmem>>, vector<1x16xf32>,
        %get3A_110 = vector.shape_cast %get3A_109 : vector<1x16xf32> to vector<16xf32>
        %get3A_111 = arith.index_cast %scan3A_75 : i32 to index
        %get3A_112 = arith.constant 32 : index
        %get3A_113 = tpu.vector_load %arg14[%get3A_111, %get3A_112] {strides = array<i32>} : memref<128x128xf32, #tpu.memory_space<vmem>>, vector<1x16xf32>,
        %get3A_114 = vector.shape_cast %get3A_113 : vector<1x16xf32> to vector<16xf32>
        %add3A_115 = arith.addf %get3A_110, %get3A_114 : vector<16xf32>
        %max3A_116 = arith.constant 0.000000e+00 : f32
        %max3A_117 = vector.broadcast %max3A_116 : f32 to vector<16xf32>
        %max3A_118 = arith.maximumf %add3A_115, %max3A_117 : vector<16xf32>
        %swap3A_119 = arith.index_cast %scan3A_75 : i32 to index
        %swap3A_120 = arith.constant 32 : index
        %swap3A_121 = tpu.vector_load %arg13[%swap3A_119, %swap3A_120] {strides = array<i32>} : memref<128x128xf32, #tpu.memory_space<vmem>>, vector<1x16xf32>,
        %swap3A_122 = vector.shape_cast %swap3A_121 : vector<1x16xf32> to vector<16xf32>
        %swap3A_123 = vector.shape_cast %max3A_118 : vector<16xf32> to vector<1x16xf32>
        tpu.vector_store %arg13[%swap3A_119, %swap3A_120], %swap3A_123 {strides = array<i32>} : memref<128x128xf32, #tpu.memory_space<vmem>>, vector<1x16xf32>,
        %get3A_124 = arith.index_cast %scan3A_75 : i32 to index
        %get3A_125 = arith.constant 48 : index
        %get3A_126 = tpu.vector_load %arg13[%get3A_124, %get3A_125] {strides = array<i32>} : memref<128x128xf32, #tpu.memory_space<vmem>>, vector<1x16xf32>,
        %get3A_127 = vector.shape_cast %get3A_126 : vector<1x16xf32> to vector<16xf32>
        %get3A_128 = arith.index_cast %scan3A_75 : i32 to index
        %get3A_129 = arith.constant 48 : index
        %get3A_130 = tpu.vector_load %arg14[%get3A_128, %get3A_129] {strides = array<i32>} : memref<128x128xf32, #tpu.memory_space<vmem>>, vector<1x16xf32>,
        %get3A_131 = vector.shape_cast %get3A_130 : vector<1x16xf32> to vector<16xf32>
        %add3A_132 = arith.addf %get3A_127, %get3A_131 : vector<16xf32>
        %max3A_133 = arith.constant 0.000000e+00 : f32
        %max3A_134 = vector.broadcast %max3A_133 : f32 to vector<16xf32>
        %max3A_135 = arith.maximumf %add3A_132, %max3A_134 : vector<16xf32>
        %swap3A_136 = arith.index_cast %scan3A_75 : i32 to index
        %swap3A_137 = arith.constant 48 : index
        %swap3A_138 = tpu.vector_load %arg13[%swap3A_136, %swap3A_137] {strides = array<i32>} : memref<128x128xf32, #tpu.memory_space<vmem>>, vector<1x16xf32>,
        %swap3A_139 = vector.shape_cast %swap3A_138 : vector<1x16xf32> to vector<16xf32>
        %swap3A_140 = vector.shape_cast %max3A_135 : vector<16xf32> to vector<1x16xf32>
        tpu.vector_store %arg13[%swap3A_136, %swap3A_137], %swap3A_140 {strides = array<i32>} : memref<128x128xf32, #tpu.memory_space<vmem>>, vector<1x16xf32>,
        %get3A_141 = arith.index_cast %scan3A_75 : i32 to index
        %get3A_142 = arith.constant 64 : index
        %get3A_143 = tpu.vector_load %arg13[%get3A_141, %get3A_142] {strides = array<i32>} : memref<128x128xf32, #tpu.memory_space<vmem>>, vector<1x16xf32>,
        %get3A_144 = vector.shape_cast %get3A_143 : vector<1x16xf32> to vector<16xf32>
        %get3A_145 = arith.index_cast %scan3A_75 : i32 to index
        %get3A_146 = arith.constant 64 : index
        %get3A_147 = tpu.vector_load %arg14[%get3A_145, %get3A_146] {strides = array<i32>} : memref<128x128xf32, #tpu.memory_space<vmem>>, vector<1x16xf32>,
        %get3A_148 = vector.shape_cast %get3A_147 : vector<1x16xf32> to vector<16xf32>
        %add3A_149 = arith.addf %get3A_144, %get3A_148 : vector<16xf32>
        %max3A_150 = arith.constant 0.000000e+00 : f32
        %max3A_151 = vector.broadcast %max3A_150 : f32 to vector<16xf32>
        %max3A_152 = arith.maximumf %add3A_149, %max3A_151 : vector<16xf32>
        %swap3A_153 = arith.index_cast %scan3A_75 : i32 to index
        %swap3A_154 = arith.constant 64 : index
        %swap3A_155 = tpu.vector_load %arg13[%swap3A_153, %swap3A_154] {strides = array<i32>} : memref<128x128xf32, #tpu.memory_space<vmem>>, vector<1x16xf32>,
        %swap3A_156 = vector.shape_cast %swap3A_155 : vector<1x16xf32> to vector<16xf32>
        %swap3A_157 = vector.shape_cast %max3A_152 : vector<16xf32> to vector<1x16xf32>
        tpu.vector_store %arg13[%swap3A_153, %swap3A_154], %swap3A_157 {strides = array<i32>} : memref<128x128xf32, #tpu.memory_space<vmem>>, vector<1x16xf32>,
        %get3A_158 = arith.index_cast %scan3A_75 : i32 to index
        %get3A_159 = arith.constant 80 : index
        %get3A_160 = tpu.vector_load %arg13[%get3A_158, %get3A_159] {strides = array<i32>} : memref<128x128xf32, #tpu.memory_space<vmem>>, vector<1x16xf32>,
        %get3A_161 = vector.shape_cast %get3A_160 : vector<1x16xf32> to vector<16xf32>
        %get3A_162 = arith.index_cast %scan3A_75 : i32 to index
        %get3A_163 = arith.constant 80 : index
        %get3A_164 = tpu.vector_load %arg14[%get3A_162, %get3A_163] {strides = array<i32>} : memref<128x128xf32, #tpu.memory_space<vmem>>, vector<1x16xf32>,
        %get3A_165 = vector.shape_cast %get3A_164 : vector<1x16xf32> to vector<16xf32>
        %add3A_166 = arith.addf %get3A_161, %get3A_165 : vector<16xf32>
        %max3A_167 = arith.constant 0.000000e+00 : f32
        %max3A_168 = vector.broadcast %max3A_167 : f32 to vector<16xf32>
        %max3A_169 = arith.maximumf %add3A_166, %max3A_168 : vector<16xf32>
        %swap3A_170 = arith.index_cast %scan3A_75 : i32 to index
        %swap3A_171 = arith.constant 80 : index
        %swap3A_172 = tpu.vector_load %arg13[%swap3A_170, %swap3A_171] {strides = array<i32>} : memref<128x128xf32, #tpu.memory_space<vmem>>, vector<1x16xf32>,
        %swap3A_173 = vector.shape_cast %swap3A_172 : vector<1x16xf32> to vector<16xf32>
        %swap3A_174 = vector.shape_cast %max3A_169 : vector<16xf32> to vector<1x16xf32>
        tpu.vector_store %arg13[%swap3A_170, %swap3A_171], %swap3A_174 {strides = array<i32>} : memref<128x128xf32, #tpu.memory_space<vmem>>, vector<1x16xf32>,
        %get3A_175 = arith.index_cast %scan3A_75 : i32 to index
        %get3A_176 = arith.constant 96 : index
        %get3A_177 = tpu.vector_load %arg13[%get3A_175, %get3A_176] {strides = array<i32>} : memref<128x128xf32, #tpu.memory_space<vmem>>, vector<1x16xf32>,
        %get3A_178 = vector.shape_cast %get3A_177 : vector<1x16xf32> to vector<16xf32>
        %get3A_179 = arith.index_cast %scan3A_75 : i32 to index
        %get3A_180 = arith.constant 96 : index
        %get3A_181 = tpu.vector_load %arg14[%get3A_179, %get3A_180] {strides = array<i32>} : memref<128x128xf32, #tpu.memory_space<vmem>>, vector<1x16xf32>,
        %get3A_182 = vector.shape_cast %get3A_181 : vector<1x16xf32> to vector<16xf32>
        %add3A_183 = arith.addf %get3A_178, %get3A_182 : vector<16xf32>
        %max3A_184 = arith.constant 0.000000e+00 : f32
        %max3A_185 = vector.broadcast %max3A_184 : f32 to vector<16xf32>
        %max3A_186 = arith.maximumf %add3A_183, %max3A_185 : vector<16xf32>
        %swap3A_187 = arith.index_cast %scan3A_75 : i32 to index
        %swap3A_188 = arith.constant 96 : index
        %swap3A_189 = tpu.vector_load %arg13[%swap3A_187, %swap3A_188] {strides = array<i32>} : memref<128x128xf32, #tpu.memory_space<vmem>>, vector<1x16xf32>,
        %swap3A_190 = vector.shape_cast %swap3A_189 : vector<1x16xf32> to vector<16xf32>
        %swap3A_191 = vector.shape_cast %max3A_186 : vector<16xf32> to vector<1x16xf32>
        tpu.vector_store %arg13[%swap3A_187, %swap3A_188], %swap3A_191 {strides = array<i32>} : memref<128x128xf32, #tpu.memory_space<vmem>>, vector<1x16xf32>,
        %get3A_192 = arith.index_cast %scan3A_75 : i32 to index
        %get3A_193 = arith.constant 112 : index
        %get3A_194 = tpu.vector_load %arg13[%get3A_192, %get3A_193] {strides = array<i32>} : memref<128x128xf32, #tpu.memory_space<vmem>>, vector<1x16xf32>,
        %get3A_195 = vector.shape_cast %get3A_194 : vector<1x16xf32> to vector<16xf32>
        %get3A_196 = arith.index_cast %scan3A_75 : i32 to index
        %get3A_197 = arith.constant 112 : index
        %get3A_198 = tpu.vector_load %arg14[%get3A_196, %get3A_197] {strides = array<i32>} : memref<128x128xf32, #tpu.memory_space<vmem>>, vector<1x16xf32>,
        %get3A_199 = vector.shape_cast %get3A_198 : vector<1x16xf32> to vector<16xf32>
        %add3A_200 = arith.addf %get3A_195, %get3A_199 : vector<16xf32>
        %max3A_201 = arith.constant 0.000000e+00 : f32
        %max3A_202 = vector.broadcast %max3A_201 : f32 to vector<16xf32>
        %max3A_203 = arith.maximumf %add3A_200, %max3A_202 : vector<16xf32>
        %swap3A_204 = arith.index_cast %scan3A_75 : i32 to index
        %swap3A_205 = arith.constant 112 : index
        %swap3A_206 = tpu.vector_load %arg13[%swap3A_204, %swap3A_205] {strides = array<i32>} : memref<128x128xf32, #tpu.memory_space<vmem>>, vector<1x16xf32>,
        %swap3A_207 = vector.shape_cast %swap3A_206 : vector<1x16xf32> to vector<16xf32>
        %swap3A_208 = vector.shape_cast %max3A_203 : vector<16xf32> to vector<1x16xf32>
        tpu.vector_store %arg13[%swap3A_204, %swap3A_205], %swap3A_208 {strides = array<i32>} : memref<128x128xf32, #tpu.memory_space<vmem>>, vector<1x16xf32>,
      }
      %scan3A_48 = arith.constant 128 : i32
      %dma_start3A_49 = arith.constant 1 : i32
      %dma_start3A_50 = arith.constant 0 : i32
      %dma_start3A_51 = tpu.memref_slice %arg11[%dma_start3A_49, %dma_start3A_50] : memref<2x128xi32, #tpu.memory_space<vmem>> -> memref<1x128xi32, #tpu.memory_space<vmem>>
      %dma_start3A_52 = tpu.memref_squeeze %dma_start3A_51 : memref<1x128xi32, #tpu.memory_space<vmem>> -> memref<128xi32, #tpu.memory_space<vmem>>
      %dma_start3A_53 = arith.constant 0 : i32
      %dma_start3A_54 = arith.constant 0 : i32
      %dma_start3A_55 = tpu.memref_slice %arg9[%dma_start3A_53, %dma_start3A_54] : memref<10240x128xf32, #tpu.memory_space<vmem_shared>> -> memref<10240x128xf32, #tpu.memory_space<vmem_shared>>
      tpu.enqueue_indirect_dma source(%arg13 : memref<128x128xf32, #tpu.memory_space<vmem>>) target(%dma_start3A_55 : memref<10240x128xf32, #tpu.memory_space<vmem_shared>>) offsets(%dma_start3A_52 : memref<128xi32, #tpu.memory_space<vmem>>) semaphore(%arg17 : memref<!tpu.dma_semaphore, #tpu.memory_space<semaphore_mem>>) {add = true}
      %dma_start3A_56 = arith.constant 1 : i32
      %dma_start3A_57 = arith.constant 0 : i32
      %dma_start3A_58 = tpu.memref_slice %arg11[%dma_start3A_56, %dma_start3A_57] : memref<2x128xi32, #tpu.memory_space<vmem>> -> memref<1x128xi32, #tpu.memory_space<vmem>>
      %dma_start3A_59 = tpu.memref_squeeze %dma_start3A_58 : memref<1x128xi32, #tpu.memory_space<vmem>> -> memref<128xi32, #tpu.memory_space<vmem>>
      %dma_start3A_60 = arith.constant 0 : i32
      %dma_start3A_61 = tpu.memref_slice %arg10[%dma_start3A_60] : memref<10240xf32, #tpu.memory_space<vmem_shared>> -> memref<10240xf32, #tpu.memory_space<vmem_shared>>
      tpu.enqueue_indirect_dma source(%arg12 : memref<128xf32, #tpu.memory_space<vmem>>) target(%dma_start3A_61 : memref<10240xf32, #tpu.memory_space<vmem_shared>>) offsets(%dma_start3A_59 : memref<128xi32, #tpu.memory_space<vmem>>) semaphore(%arg17 : memref<!tpu.dma_semaphore, #tpu.memory_space<semaphore_mem>>) {add = true}
      %dma_wait3A_62 = arith.constant 1 : i32
      %dma_wait3A_63 = arith.constant 0 : i32
      %dma_wait3A_64 = tpu.memref_slice %arg11[%dma_wait3A_62, %dma_wait3A_63] : memref<2x128xi32, #tpu.memory_space<vmem>> -> memref<1x128xi32, #tpu.memory_space<vmem>>
      %dma_wait3A_65 = tpu.memref_squeeze %dma_wait3A_64 : memref<1x128xi32, #tpu.memory_space<vmem>> -> memref<128xi32, #tpu.memory_space<vmem>>
      %dma_wait3A_66 = arith.constant 0 : i32
      %dma_wait3A_67 = arith.constant 0 : i32
      %dma_wait3A_68 = tpu.memref_slice %arg9[%dma_wait3A_66, %dma_wait3A_67] : memref<10240x128xf32, #tpu.memory_space<vmem_shared>> -> memref<10240x128xf32, #tpu.memory_space<vmem_shared>>
      tpu.wait_indirect_dma semaphore(%arg17 : memref<!tpu.dma_semaphore, #tpu.memory_space<semaphore_mem>>) src(%arg13 : memref<128x128xf32, #tpu.memory_space<vmem>>) dst(%dma_wait3A_68 : memref<10240x128xf32, #tpu.memory_space<vmem_shared>>)
      %dma_wait3A_69 = arith.constant 1 : i32
      %dma_wait3A_70 = arith.constant 0 : i32
      %dma_wait3A_71 = tpu.memref_slice %arg11[%dma_wait3A_69, %dma_wait3A_70] : memref<2x128xi32, #tpu.memory_space<vmem>> -> memref<1x128xi32, #tpu.memory_space<vmem>>
      %dma_wait3A_72 = tpu.memref_squeeze %dma_wait3A_71 : memref<1x128xi32, #tpu.memory_space<vmem>> -> memref<128xi32, #tpu.memory_space<vmem>>
      %dma_wait3A_73 = arith.constant 0 : i32
      %dma_wait3A_74 = tpu.memref_slice %arg10[%dma_wait3A_73] : memref<10240xf32, #tpu.memory_space<vmem_shared>> -> memref<10240xf32, #tpu.memory_space<vmem_shared>>
      tpu.wait_indirect_dma semaphore(%arg17 : memref<!tpu.dma_semaphore, #tpu.memory_space<semaphore_mem>>) src(%arg12 : memref<128xf32, #tpu.memory_space<vmem>>) dst(%dma_wait3A_74 : memref<10240xf32, #tpu.memory_space<vmem_shared>>)
    }
    %scan3A_13 = arith.constant 40 : i32
    %barrier3A_14 = arith.constant 0 : index
    tpu.barrier barrier_id(%barrier3A_14)
    "tpu.region"() ({
      %run_scoped3A = tpu.sem_alloc : memref<!tpu.dma_semaphore, #tpu.memory_space<semaphore_mem>>
      %dma_start3A = arith.constant 0 : i32
      %dma_start3A_15 = tpu.memref_slice %arg7[%arg0, %mul3A_2, %dma_start3A] : memref<2x10240x128xf32, #tpu.memory_space<hbm>> -> memref<1x640x128xf32, #tpu.memory_space<hbm>>
      %dma_start3A_16 = tpu.memref_squeeze %dma_start3A_15 : memref<1x640x128xf32, #tpu.memory_space<hbm>> -> memref<640x128xf32, #tpu.memory_space<hbm>>
      %dma_start3A_17 = arith.constant 0 : i32
      %dma_start3A_18 = tpu.memref_slice %arg9[%mul3A_2, %dma_start3A_17] : memref<10240x128xf32, #tpu.memory_space<vmem_shared>> -> memref<640x128xf32, #tpu.memory_space<vmem_shared>>
      tpu.enqueue_dma source(%dma_start3A_18 : memref<640x128xf32, #tpu.memory_space<vmem_shared>>) target(%dma_start3A_16 : memref<640x128xf32, #tpu.memory_space<hbm>>) target_semaphore(%run_scoped3A : memref<!tpu.dma_semaphore, #tpu.memory_space<semaphore_mem>>)
      %dma_wait3A = arith.constant 0 : i32
      %dma_wait3A_19 = tpu.memref_slice %arg7[%arg0, %mul3A_2, %dma_wait3A] : memref<2x10240x128xf32, #tpu.memory_space<hbm>> -> memref<1x640x128xf32, #tpu.memory_space<hbm>>
      %dma_wait3A_20 = tpu.memref_squeeze %dma_wait3A_19 : memref<1x640x128xf32, #tpu.memory_space<hbm>> -> memref<640x128xf32, #tpu.memory_space<hbm>>
      %dma_wait3A_21 = arith.constant 0 : i32
      %dma_wait3A_22 = tpu.memref_slice %arg9[%mul3A_2, %dma_wait3A_21] : memref<10240x128xf32, #tpu.memory_space<vmem_shared>> -> memref<640x128xf32, #tpu.memory_space<vmem_shared>>
      tpu.wait_dma2 semaphore(%run_scoped3A : memref<!tpu.dma_semaphore, #tpu.memory_space<semaphore_mem>>) src(%dma_wait3A_22 : memref<640x128xf32, #tpu.memory_space<vmem_shared>>) dst(%dma_wait3A_20 : memref<640x128xf32, #tpu.memory_space<hbm>>)
      tpu.yield
    }) : () -> ()
    "tpu.region"() ({
      %run_scoped3A = tpu.sem_alloc : memref<!tpu.dma_semaphore, #tpu.memory_space<semaphore_mem>>
      %dma_start3A = tpu.memref_slice %arg8[%arg0, %mul3A_2] : memref<2x10240xf32, #tpu.memory_space<hbm>> -> memref<1x640xf32, #tpu.memory_space<hbm>>
      %dma_start3A_15 = tpu.memref_squeeze %dma_start3A : memref<1x640xf32, #tpu.memory_space<hbm>> -> memref<640xf32, #tpu.memory_space<hbm>>
      %dma_start3A_16 = tpu.memref_slice %arg10[%mul3A_2] : memref<10240xf32, #tpu.memory_space<vmem_shared>> -> memref<640xf32, #tpu.memory_space<vmem_shared>>
      tpu.enqueue_dma source(%dma_start3A_16 : memref<640xf32, #tpu.memory_space<vmem_shared>>) target(%dma_start3A_15 : memref<640xf32, #tpu.memory_space<hbm>>) target_semaphore(%run_scoped3A : memref<!tpu.dma_semaphore, #tpu.memory_space<semaphore_mem>>)
      %dma_wait3A = tpu.memref_slice %arg8[%arg0, %mul3A_2] : memref<2x10240xf32, #tpu.memory_space<hbm>> -> memref<1x640xf32, #tpu.memory_space<hbm>>
      %dma_wait3A_17 = tpu.memref_squeeze %dma_wait3A : memref<1x640xf32, #tpu.memory_space<hbm>> -> memref<640xf32, #tpu.memory_space<hbm>>
      %dma_wait3A_18 = tpu.memref_slice %arg10[%mul3A_2] : memref<10240xf32, #tpu.memory_space<vmem_shared>> -> memref<640xf32, #tpu.memory_space<vmem_shared>>
      tpu.wait_dma2 semaphore(%run_scoped3A : memref<!tpu.dma_semaphore, #tpu.memory_space<semaphore_mem>>) src(%dma_wait3A_18 : memref<640xf32, #tpu.memory_space<vmem_shared>>) dst(%dma_wait3A_17 : memref<640xf32, #tpu.memory_space<hbm>>)
      tpu.yield
    }) : () -> ()
    return
  }
}

#map = affine_map<(d0, d1) -> (0, 0)>
#map1 = affine_map<(d0, d1) -> (0, 0, 0, 0)>
#map2 = affine_map<(d0, d1) -> (0)>
#map3 = affine_map<(d0, d1) -> (0, 0, 0)>
module attributes {stable_mosaic.version = 14 : i64} {
  func.func @_sc_edge_body(%arg0: i32, %arg1: i32, %arg2: memref<10240x128xf32, #tpu.memory_space<hbm>>, %arg3: memref<163840x128xf32, #tpu.memory_space<hbm>>, %arg4: memref<32x40x2x128xi32, #tpu.memory_space<hbm>>, %arg5: memref<10240x128xf32, #tpu.memory_space<hbm>>, %arg6: memref<10240xf32, #tpu.memory_space<hbm>>, %arg7: memref<2x10240x128xf32, #tpu.memory_space<hbm>>, %arg8: memref<2x10240xf32, #tpu.memory_space<hbm>>, %arg9: memref<10240x128xf32, #tpu.memory_space<vmem_shared>>, %arg10: memref<10240xf32, #tpu.memory_space<vmem_shared>>, %arg11: memref<2x128xi32, #tpu.memory_space<vmem>>, %arg12: memref<128xf32, #tpu.memory_space<vmem>>, %arg13: memref<128x128xf32, #tpu.memory_space<vmem>>, %arg14: memref<128x128xf32, #tpu.memory_space<vmem>>, %arg15: memref<!tpu.dma_semaphore, #tpu.memory_space<semaphore_mem>>, %arg16: memref<!tpu.dma_semaphore, #tpu.memory_space<semaphore_mem>>, %arg17: memref<!tpu.dma_semaphore, #tpu.memory_space<semaphore_mem>>) attributes {dimension_semantics = [#tpu.dimension_semantics<core_parallel>, #tpu.dimension_semantics<subcore_parallel>], iteration_bounds = array<i64: 2, 16>, scalar_prefetch = 0 : i64, scratch_operands = 9 : i64, tpu.core_type = #tpu.core_type<sc_vector_subcore>, window_params = [{transform_indices = #map}, {transform_indices = #map}, {transform_indices = #map1}, {transform_indices = #map}, {transform_indices = #map2}, {transform_indices = #map3}, {transform_indices = #map}]} {
    %mul3A = arith.constant 16 : i32
    %mul3A_0 = arith.muli %arg0, %mul3A : i32
    %add3A = arith.addi %mul3A_0, %arg1 : i32
    %mul3A_1 = arith.constant 640 : i32
    %mul3A_2 = arith.muli %arg1, %mul3A_1 : i32
    "tpu.region"() ({
      %run_scoped3A = tpu.sem_alloc : memref<!tpu.dma_semaphore, #tpu.memory_space<semaphore_mem>>
      %dma_start3A = arith.constant 0 : i32
      %dma_start3A_15 = tpu.memref_slice %arg9[%mul3A_2, %dma_start3A] : memref<10240x128xf32, #tpu.memory_space<vmem_shared>> -> memref<640x128xf32, #tpu.memory_space<vmem_shared>>
      %dma_start3A_16 = arith.constant 0 : i32
      %dma_start3A_17 = tpu.memref_slice %arg5[%mul3A_2, %dma_start3A_16] : memref<10240x128xf32, #tpu.memory_space<hbm>> -> memref<640x128xf32, #tpu.memory_space<hbm>>
      tpu.enqueue_dma source(%dma_start3A_17 : memref<640x128xf32, #tpu.memory_space<hbm>>) target(%dma_start3A_15 : memref<640x128xf32, #tpu.memory_space<vmem_shared>>) target_semaphore(%run_scoped3A : memref<!tpu.dma_semaphore, #tpu.memory_space<semaphore_mem>>)
      %dma_wait3A = arith.constant 0 : i32
      %dma_wait3A_18 = tpu.memref_slice %arg9[%mul3A_2, %dma_wait3A] : memref<10240x128xf32, #tpu.memory_space<vmem_shared>> -> memref<640x128xf32, #tpu.memory_space<vmem_shared>>
      %dma_wait3A_19 = arith.constant 0 : i32
      %dma_wait3A_20 = tpu.memref_slice %arg5[%mul3A_2, %dma_wait3A_19] : memref<10240x128xf32, #tpu.memory_space<hbm>> -> memref<640x128xf32, #tpu.memory_space<hbm>>
      tpu.wait_dma2 semaphore(%run_scoped3A : memref<!tpu.dma_semaphore, #tpu.memory_space<semaphore_mem>>) src(%dma_wait3A_20 : memref<640x128xf32, #tpu.memory_space<hbm>>) dst(%dma_wait3A_18 : memref<640x128xf32, #tpu.memory_space<vmem_shared>>)
      tpu.yield
    }) : () -> ()
    "tpu.region"() ({
      %run_scoped3A = tpu.sem_alloc : memref<!tpu.dma_semaphore, #tpu.memory_space<semaphore_mem>>
      %dma_start3A = tpu.memref_slice %arg10[%mul3A_2] : memref<10240xf32, #tpu.memory_space<vmem_shared>> -> memref<640xf32, #tpu.memory_space<vmem_shared>>
      %dma_start3A_15 = tpu.memref_slice %arg6[%mul3A_2] : memref<10240xf32, #tpu.memory_space<hbm>> -> memref<640xf32, #tpu.memory_space<hbm>>
      tpu.enqueue_dma source(%dma_start3A_15 : memref<640xf32, #tpu.memory_space<hbm>>) target(%dma_start3A : memref<640xf32, #tpu.memory_space<vmem_shared>>) target_semaphore(%run_scoped3A : memref<!tpu.dma_semaphore, #tpu.memory_space<semaphore_mem>>)
      %dma_wait3A = tpu.memref_slice %arg10[%mul3A_2] : memref<10240xf32, #tpu.memory_space<vmem_shared>> -> memref<640xf32, #tpu.memory_space<vmem_shared>>
      %dma_wait3A_16 = tpu.memref_slice %arg6[%mul3A_2] : memref<10240xf32, #tpu.memory_space<hbm>> -> memref<640xf32, #tpu.memory_space<hbm>>
      tpu.wait_dma2 semaphore(%run_scoped3A : memref<!tpu.dma_semaphore, #tpu.memory_space<semaphore_mem>>) src(%dma_wait3A_16 : memref<640xf32, #tpu.memory_space<hbm>>) dst(%dma_wait3A : memref<640xf32, #tpu.memory_space<vmem_shared>>)
      tpu.yield
    }) : () -> ()
    %scan3A = arith.constant 0 : i32
    %scan3A_3 = arith.constant 0 : i32
    %scan3A_4 = arith.constant 8 : i32
    %scan3A_5 = arith.addi %scan3A_3, %scan3A_4 : i32
    %scan3A_6 = arith.constant 1 : i32
    scf.for %scan3A_15 = %scan3A_3 to %scan3A_5 step %scan3A_6  : i32 {
      %broadcast_in_dim3A = arith.constant 1.000000e+00 : f32
      %broadcast_in_dim3A_16 = vector.broadcast %broadcast_in_dim3A : f32 to vector<16xf32>
      %mul3A_17 = arith.constant 16 : i32
      %mul3A_18 = arith.muli %scan3A_15, %mul3A_17 : i32
      %swap3A = arith.index_cast %mul3A_18 : i32 to index
      %swap3A_19 = tpu.vector_load %arg12[%swap3A] {strides = array<i32>} : memref<128xf32, #tpu.memory_space<vmem>>, vector<16xf32>,
      %swap3A_20 = vector.shape_cast %swap3A_19 : vector<16xf32> to vector<16xf32>
      %swap3A_21 = vector.shape_cast %broadcast_in_dim3A_16 : vector<16xf32> to vector<16xf32>
      tpu.vector_store %arg12[%swap3A], %swap3A_21 {strides = array<i32>} : memref<128xf32, #tpu.memory_space<vmem>>, vector<16xf32>,
    }
    %scan3A_7 = arith.constant 8 : i32
    %barrier3A = arith.constant 0 : index
    tpu.barrier barrier_id(%barrier3A)
    %scan3A_8 = arith.constant 0 : i32
    %scan3A_9 = arith.constant 0 : i32
    %scan3A_10 = arith.constant 40 : i32
    %scan3A_11 = arith.addi %scan3A_9, %scan3A_10 : i32
    %scan3A_12 = arith.constant 1 : i32
    scf.for %scan3A_15 = %scan3A_9 to %scan3A_11 step %scan3A_12  : i32 {
      "tpu.region"() ({
        %run_scoped3A = tpu.sem_alloc : memref<!tpu.dma_semaphore, #tpu.memory_space<semaphore_mem>>
        %dma_start3A_75 = arith.constant 0 : i32
        %dma_start3A_76 = arith.constant 0 : i32
        %dma_start3A_77 = tpu.memref_slice %arg4[%add3A, %scan3A_15, %dma_start3A_75, %dma_start3A_76] : memref<32x40x2x128xi32, #tpu.memory_space<hbm>> -> memref<1x1x2x128xi32, #tpu.memory_space<hbm>>
        %dma_start3A_78 = tpu.memref_squeeze %dma_start3A_77 : memref<1x1x2x128xi32, #tpu.memory_space<hbm>> -> memref<2x128xi32, #tpu.memory_space<hbm>>
        %dma_start3A_79 = arith.constant 0 : i32
        %dma_start3A_80 = arith.constant 0 : i32
        %dma_start3A_81 = tpu.memref_slice %arg4[%add3A, %scan3A_15, %dma_start3A_79, %dma_start3A_80] : memref<32x40x2x128xi32, #tpu.memory_space<hbm>> -> memref<1x1x2x128xi32, #tpu.memory_space<hbm>>
        %dma_start3A_82 = tpu.memref_squeeze %dma_start3A_81 : memref<1x1x2x128xi32, #tpu.memory_space<hbm>> -> memref<2x128xi32, #tpu.memory_space<hbm>>
        tpu.enqueue_dma source(%dma_start3A_82 : memref<2x128xi32, #tpu.memory_space<hbm>>) target(%arg11 : memref<2x128xi32, #tpu.memory_space<vmem>>) target_semaphore(%run_scoped3A : memref<!tpu.dma_semaphore, #tpu.memory_space<semaphore_mem>>)
        %dma_wait3A_83 = arith.constant 0 : i32
        %dma_wait3A_84 = arith.constant 0 : i32
        %dma_wait3A_85 = tpu.memref_slice %arg4[%add3A, %scan3A_15, %dma_wait3A_83, %dma_wait3A_84] : memref<32x40x2x128xi32, #tpu.memory_space<hbm>> -> memref<1x1x2x128xi32, #tpu.memory_space<hbm>>
        %dma_wait3A_86 = tpu.memref_squeeze %dma_wait3A_85 : memref<1x1x2x128xi32, #tpu.memory_space<hbm>> -> memref<2x128xi32, #tpu.memory_space<hbm>>
        %dma_wait3A_87 = arith.constant 0 : i32
        %dma_wait3A_88 = arith.constant 0 : i32
        %dma_wait3A_89 = tpu.memref_slice %arg4[%add3A, %scan3A_15, %dma_wait3A_87, %dma_wait3A_88] : memref<32x40x2x128xi32, #tpu.memory_space<hbm>> -> memref<1x1x2x128xi32, #tpu.memory_space<hbm>>
        %dma_wait3A_90 = tpu.memref_squeeze %dma_wait3A_89 : memref<1x1x2x128xi32, #tpu.memory_space<hbm>> -> memref<2x128xi32, #tpu.memory_space<hbm>>
        tpu.wait_dma2 semaphore(%run_scoped3A : memref<!tpu.dma_semaphore, #tpu.memory_space<semaphore_mem>>) src(%dma_wait3A_90 : memref<2x128xi32, #tpu.memory_space<hbm>>) dst(%arg11 : memref<2x128xi32, #tpu.memory_space<vmem>>)
        tpu.yield
      }) : () -> ()
      %dma_start3A = arith.constant 0 : i32
      %dma_start3A_16 = arith.constant 0 : i32
      %dma_start3A_17 = tpu.memref_slice %arg11[%dma_start3A, %dma_start3A_16] : memref<2x128xi32, #tpu.memory_space<vmem>> -> memref<1x128xi32, #tpu.memory_space<vmem>>
      %dma_start3A_18 = tpu.memref_squeeze %dma_start3A_17 : memref<1x128xi32, #tpu.memory_space<vmem>> -> memref<128xi32, #tpu.memory_space<vmem>>
      %dma_start3A_19 = arith.constant 0 : i32
      %dma_start3A_20 = arith.constant 0 : i32
      %dma_start3A_21 = tpu.memref_slice %arg2[%dma_start3A_19, %dma_start3A_20] : memref<10240x128xf32, #tpu.memory_space<hbm>> -> memref<10240x128xf32, #tpu.memory_space<hbm>>
      tpu.enqueue_indirect_dma source(%dma_start3A_21 : memref<10240x128xf32, #tpu.memory_space<hbm>>) target(%arg13 : memref<128x128xf32, #tpu.memory_space<vmem>>) offsets(%dma_start3A_18 : memref<128xi32, #tpu.memory_space<vmem>>) semaphore(%arg15 : memref<!tpu.dma_semaphore, #tpu.memory_space<semaphore_mem>>)
      %mul3A_22 = arith.constant 40 : i32
      %mul3A_23 = arith.muli %add3A, %mul3A_22 : i32
      %add3A_24 = arith.addi %mul3A_23, %scan3A_15 : i32
      %mul3A_25 = arith.constant 128 : i32
      %mul3A_26 = arith.muli %add3A_24, %mul3A_25 : i32
      %dma_start3A_27 = arith.constant 0 : i32
      %dma_start3A_28 = tpu.memref_slice %arg3[%mul3A_26, %dma_start3A_27] : memref<163840x128xf32, #tpu.memory_space<hbm>> -> memref<128x128xf32, #tpu.memory_space<hbm>>
      %dma_start3A_29 = arith.constant 0 : i32
      %dma_start3A_30 = tpu.memref_slice %arg3[%mul3A_26, %dma_start3A_29] : memref<163840x128xf32, #tpu.memory_space<hbm>> -> memref<128x128xf32, #tpu.memory_space<hbm>>
      tpu.enqueue_dma source(%dma_start3A_30 : memref<128x128xf32, #tpu.memory_space<hbm>>) target(%arg14 : memref<128x128xf32, #tpu.memory_space<vmem>>) target_semaphore(%arg16 : memref<!tpu.dma_semaphore, #tpu.memory_space<semaphore_mem>>)
      %dma_wait3A = arith.constant 0 : i32
      %dma_wait3A_31 = arith.constant 0 : i32
      %dma_wait3A_32 = tpu.memref_slice %arg11[%dma_wait3A, %dma_wait3A_31] : memref<2x128xi32, #tpu.memory_space<vmem>> -> memref<1x128xi32, #tpu.memory_space<vmem>>
      %dma_wait3A_33 = tpu.memref_squeeze %dma_wait3A_32 : memref<1x128xi32, #tpu.memory_space<vmem>> -> memref<128xi32, #tpu.memory_space<vmem>>
      %dma_wait3A_34 = arith.constant 0 : i32
      %dma_wait3A_35 = arith.constant 0 : i32
      %dma_wait3A_36 = tpu.memref_slice %arg2[%dma_wait3A_34, %dma_wait3A_35] : memref<10240x128xf32, #tpu.memory_space<hbm>> -> memref<10240x128xf32, #tpu.memory_space<hbm>>
      tpu.wait_indirect_dma semaphore(%arg15 : memref<!tpu.dma_semaphore, #tpu.memory_space<semaphore_mem>>) src(%dma_wait3A_36 : memref<10240x128xf32, #tpu.memory_space<hbm>>) dst(%arg13 : memref<128x128xf32, #tpu.memory_space<vmem>>)
      %dma_wait3A_37 = arith.constant 0 : i32
      %dma_wait3A_38 = arith.constant 0 : i32
      %dma_wait3A_39 = tpu.memref_slice %arg3[%dma_wait3A_37, %dma_wait3A_38] : memref<163840x128xf32, #tpu.memory_space<hbm>> -> memref<128x128xf32, #tpu.memory_space<hbm>>
      %dma_wait3A_40 = arith.constant 0 : i32
      %dma_wait3A_41 = arith.constant 0 : i32
      %dma_wait3A_42 = tpu.memref_slice %arg3[%dma_wait3A_40, %dma_wait3A_41] : memref<163840x128xf32, #tpu.memory_space<hbm>> -> memref<128x128xf32, #tpu.memory_space<hbm>>
      tpu.wait_dma2 semaphore(%arg16 : memref<!tpu.dma_semaphore, #tpu.memory_space<semaphore_mem>>) src(%dma_wait3A_42 : memref<128x128xf32, #tpu.memory_space<hbm>>) dst(%arg14 : memref<128x128xf32, #tpu.memory_space<vmem>>)
      %scan3A_43 = arith.constant 0 : i32
      %scan3A_44 = arith.constant 0 : i32
      %scan3A_45 = arith.constant 128 : i32
      %scan3A_46 = arith.addi %scan3A_44, %scan3A_45 : i32
      %scan3A_47 = arith.constant 1 : i32
      scf.for %scan3A_75 = %scan3A_44 to %scan3A_46 step %scan3A_47  : i32 {
        %get3A = arith.index_cast %scan3A_75 : i32 to index
        %get3A_76 = arith.constant 0 : index
        %get3A_77 = tpu.vector_load %arg13[%get3A, %get3A_76] {strides = array<i32>} : memref<128x128xf32, #tpu.memory_space<vmem>>, vector<1x16xf32>,
        %get3A_78 = vector.shape_cast %get3A_77 : vector<1x16xf32> to vector<16xf32>
        %get3A_79 = arith.index_cast %scan3A_75 : i32 to index
        %get3A_80 = arith.constant 0 : index
        %get3A_81 = tpu.vector_load %arg14[%get3A_79, %get3A_80] {strides = array<i32>} : memref<128x128xf32, #tpu.memory_space<vmem>>, vector<1x16xf32>,
        %get3A_82 = vector.shape_cast %get3A_81 : vector<1x16xf32> to vector<16xf32>
        %add3A_83 = arith.addf %get3A_78, %get3A_82 : vector<16xf32>
        %max3A = arith.constant 0.000000e+00 : f32
        %max3A_84 = vector.broadcast %max3A : f32 to vector<16xf32>
        %max3A_85 = arith.maximumf %add3A_83, %max3A_84 : vector<16xf32>
        %swap3A = arith.index_cast %scan3A_75 : i32 to index
        %swap3A_86 = arith.constant 0 : index
        %swap3A_87 = tpu.vector_load %arg13[%swap3A, %swap3A_86] {strides = array<i32>} : memref<128x128xf32, #tpu.memory_space<vmem>>, vector<1x16xf32>,
        %swap3A_88 = vector.shape_cast %swap3A_87 : vector<1x16xf32> to vector<16xf32>
        %swap3A_89 = vector.shape_cast %max3A_85 : vector<16xf32> to vector<1x16xf32>
        tpu.vector_store %arg13[%swap3A, %swap3A_86], %swap3A_89 {strides = array<i32>} : memref<128x128xf32, #tpu.memory_space<vmem>>, vector<1x16xf32>,
        %get3A_90 = arith.index_cast %scan3A_75 : i32 to index
        %get3A_91 = arith.constant 16 : index
        %get3A_92 = tpu.vector_load %arg13[%get3A_90, %get3A_91] {strides = array<i32>} : memref<128x128xf32, #tpu.memory_space<vmem>>, vector<1x16xf32>,
        %get3A_93 = vector.shape_cast %get3A_92 : vector<1x16xf32> to vector<16xf32>
        %get3A_94 = arith.index_cast %scan3A_75 : i32 to index
        %get3A_95 = arith.constant 16 : index
        %get3A_96 = tpu.vector_load %arg14[%get3A_94, %get3A_95] {strides = array<i32>} : memref<128x128xf32, #tpu.memory_space<vmem>>, vector<1x16xf32>,
        %get3A_97 = vector.shape_cast %get3A_96 : vector<1x16xf32> to vector<16xf32>
        %add3A_98 = arith.addf %get3A_93, %get3A_97 : vector<16xf32>
        %max3A_99 = arith.constant 0.000000e+00 : f32
        %max3A_100 = vector.broadcast %max3A_99 : f32 to vector<16xf32>
        %max3A_101 = arith.maximumf %add3A_98, %max3A_100 : vector<16xf32>
        %swap3A_102 = arith.index_cast %scan3A_75 : i32 to index
        %swap3A_103 = arith.constant 16 : index
        %swap3A_104 = tpu.vector_load %arg13[%swap3A_102, %swap3A_103] {strides = array<i32>} : memref<128x128xf32, #tpu.memory_space<vmem>>, vector<1x16xf32>,
        %swap3A_105 = vector.shape_cast %swap3A_104 : vector<1x16xf32> to vector<16xf32>
        %swap3A_106 = vector.shape_cast %max3A_101 : vector<16xf32> to vector<1x16xf32>
        tpu.vector_store %arg13[%swap3A_102, %swap3A_103], %swap3A_106 {strides = array<i32>} : memref<128x128xf32, #tpu.memory_space<vmem>>, vector<1x16xf32>,
        %get3A_107 = arith.index_cast %scan3A_75 : i32 to index
        %get3A_108 = arith.constant 32 : index
        %get3A_109 = tpu.vector_load %arg13[%get3A_107, %get3A_108] {strides = array<i32>} : memref<128x128xf32, #tpu.memory_space<vmem>>, vector<1x16xf32>,
        %get3A_110 = vector.shape_cast %get3A_109 : vector<1x16xf32> to vector<16xf32>
        %get3A_111 = arith.index_cast %scan3A_75 : i32 to index
        %get3A_112 = arith.constant 32 : index
        %get3A_113 = tpu.vector_load %arg14[%get3A_111, %get3A_112] {strides = array<i32>} : memref<128x128xf32, #tpu.memory_space<vmem>>, vector<1x16xf32>,
        %get3A_114 = vector.shape_cast %get3A_113 : vector<1x16xf32> to vector<16xf32>
        %add3A_115 = arith.addf %get3A_110, %get3A_114 : vector<16xf32>
        %max3A_116 = arith.constant 0.000000e+00 : f32
        %max3A_117 = vector.broadcast %max3A_116 : f32 to vector<16xf32>
        %max3A_118 = arith.maximumf %add3A_115, %max3A_117 : vector<16xf32>
        %swap3A_119 = arith.index_cast %scan3A_75 : i32 to index
        %swap3A_120 = arith.constant 32 : index
        %swap3A_121 = tpu.vector_load %arg13[%swap3A_119, %swap3A_120] {strides = array<i32>} : memref<128x128xf32, #tpu.memory_space<vmem>>, vector<1x16xf32>,
        %swap3A_122 = vector.shape_cast %swap3A_121 : vector<1x16xf32> to vector<16xf32>
        %swap3A_123 = vector.shape_cast %max3A_118 : vector<16xf32> to vector<1x16xf32>
        tpu.vector_store %arg13[%swap3A_119, %swap3A_120], %swap3A_123 {strides = array<i32>} : memref<128x128xf32, #tpu.memory_space<vmem>>, vector<1x16xf32>,
        %get3A_124 = arith.index_cast %scan3A_75 : i32 to index
        %get3A_125 = arith.constant 48 : index
        %get3A_126 = tpu.vector_load %arg13[%get3A_124, %get3A_125] {strides = array<i32>} : memref<128x128xf32, #tpu.memory_space<vmem>>, vector<1x16xf32>,
        %get3A_127 = vector.shape_cast %get3A_126 : vector<1x16xf32> to vector<16xf32>
        %get3A_128 = arith.index_cast %scan3A_75 : i32 to index
        %get3A_129 = arith.constant 48 : index
        %get3A_130 = tpu.vector_load %arg14[%get3A_128, %get3A_129] {strides = array<i32>} : memref<128x128xf32, #tpu.memory_space<vmem>>, vector<1x16xf32>,
        %get3A_131 = vector.shape_cast %get3A_130 : vector<1x16xf32> to vector<16xf32>
        %add3A_132 = arith.addf %get3A_127, %get3A_131 : vector<16xf32>
        %max3A_133 = arith.constant 0.000000e+00 : f32
        %max3A_134 = vector.broadcast %max3A_133 : f32 to vector<16xf32>
        %max3A_135 = arith.maximumf %add3A_132, %max3A_134 : vector<16xf32>
        %swap3A_136 = arith.index_cast %scan3A_75 : i32 to index
        %swap3A_137 = arith.constant 48 : index
        %swap3A_138 = tpu.vector_load %arg13[%swap3A_136, %swap3A_137] {strides = array<i32>} : memref<128x128xf32, #tpu.memory_space<vmem>>, vector<1x16xf32>,
        %swap3A_139 = vector.shape_cast %swap3A_138 : vector<1x16xf32> to vector<16xf32>
        %swap3A_140 = vector.shape_cast %max3A_135 : vector<16xf32> to vector<1x16xf32>
        tpu.vector_store %arg13[%swap3A_136, %swap3A_137], %swap3A_140 {strides = array<i32>} : memref<128x128xf32, #tpu.memory_space<vmem>>, vector<1x16xf32>,
        %get3A_141 = arith.index_cast %scan3A_75 : i32 to index
        %get3A_142 = arith.constant 64 : index
        %get3A_143 = tpu.vector_load %arg13[%get3A_141, %get3A_142] {strides = array<i32>} : memref<128x128xf32, #tpu.memory_space<vmem>>, vector<1x16xf32>,
        %get3A_144 = vector.shape_cast %get3A_143 : vector<1x16xf32> to vector<16xf32>
        %get3A_145 = arith.index_cast %scan3A_75 : i32 to index
        %get3A_146 = arith.constant 64 : index
        %get3A_147 = tpu.vector_load %arg14[%get3A_145, %get3A_146] {strides = array<i32>} : memref<128x128xf32, #tpu.memory_space<vmem>>, vector<1x16xf32>,
        %get3A_148 = vector.shape_cast %get3A_147 : vector<1x16xf32> to vector<16xf32>
        %add3A_149 = arith.addf %get3A_144, %get3A_148 : vector<16xf32>
        %max3A_150 = arith.constant 0.000000e+00 : f32
        %max3A_151 = vector.broadcast %max3A_150 : f32 to vector<16xf32>
        %max3A_152 = arith.maximumf %add3A_149, %max3A_151 : vector<16xf32>
        %swap3A_153 = arith.index_cast %scan3A_75 : i32 to index
        %swap3A_154 = arith.constant 64 : index
        %swap3A_155 = tpu.vector_load %arg13[%swap3A_153, %swap3A_154] {strides = array<i32>} : memref<128x128xf32, #tpu.memory_space<vmem>>, vector<1x16xf32>,
        %swap3A_156 = vector.shape_cast %swap3A_155 : vector<1x16xf32> to vector<16xf32>
        %swap3A_157 = vector.shape_cast %max3A_152 : vector<16xf32> to vector<1x16xf32>
        tpu.vector_store %arg13[%swap3A_153, %swap3A_154], %swap3A_157 {strides = array<i32>} : memref<128x128xf32, #tpu.memory_space<vmem>>, vector<1x16xf32>,
        %get3A_158 = arith.index_cast %scan3A_75 : i32 to index
        %get3A_159 = arith.constant 80 : index
        %get3A_160 = tpu.vector_load %arg13[%get3A_158, %get3A_159] {strides = array<i32>} : memref<128x128xf32, #tpu.memory_space<vmem>>, vector<1x16xf32>,
        %get3A_161 = vector.shape_cast %get3A_160 : vector<1x16xf32> to vector<16xf32>
        %get3A_162 = arith.index_cast %scan3A_75 : i32 to index
        %get3A_163 = arith.constant 80 : index
        %get3A_164 = tpu.vector_load %arg14[%get3A_162, %get3A_163] {strides = array<i32>} : memref<128x128xf32, #tpu.memory_space<vmem>>, vector<1x16xf32>,
        %get3A_165 = vector.shape_cast %get3A_164 : vector<1x16xf32> to vector<16xf32>
        %add3A_166 = arith.addf %get3A_161, %get3A_165 : vector<16xf32>
        %max3A_167 = arith.constant 0.000000e+00 : f32
        %max3A_168 = vector.broadcast %max3A_167 : f32 to vector<16xf32>
        %max3A_169 = arith.maximumf %add3A_166, %max3A_168 : vector<16xf32>
        %swap3A_170 = arith.index_cast %scan3A_75 : i32 to index
        %swap3A_171 = arith.constant 80 : index
        %swap3A_172 = tpu.vector_load %arg13[%swap3A_170, %swap3A_171] {strides = array<i32>} : memref<128x128xf32, #tpu.memory_space<vmem>>, vector<1x16xf32>,
        %swap3A_173 = vector.shape_cast %swap3A_172 : vector<1x16xf32> to vector<16xf32>
        %swap3A_174 = vector.shape_cast %max3A_169 : vector<16xf32> to vector<1x16xf32>
        tpu.vector_store %arg13[%swap3A_170, %swap3A_171], %swap3A_174 {strides = array<i32>} : memref<128x128xf32, #tpu.memory_space<vmem>>, vector<1x16xf32>,
        %get3A_175 = arith.index_cast %scan3A_75 : i32 to index
        %get3A_176 = arith.constant 96 : index
        %get3A_177 = tpu.vector_load %arg13[%get3A_175, %get3A_176] {strides = array<i32>} : memref<128x128xf32, #tpu.memory_space<vmem>>, vector<1x16xf32>,
        %get3A_178 = vector.shape_cast %get3A_177 : vector<1x16xf32> to vector<16xf32>
        %get3A_179 = arith.index_cast %scan3A_75 : i32 to index
        %get3A_180 = arith.constant 96 : index
        %get3A_181 = tpu.vector_load %arg14[%get3A_179, %get3A_180] {strides = array<i32>} : memref<128x128xf32, #tpu.memory_space<vmem>>, vector<1x16xf32>,
        %get3A_182 = vector.shape_cast %get3A_181 : vector<1x16xf32> to vector<16xf32>
        %add3A_183 = arith.addf %get3A_178, %get3A_182 : vector<16xf32>
        %max3A_184 = arith.constant 0.000000e+00 : f32
        %max3A_185 = vector.broadcast %max3A_184 : f32 to vector<16xf32>
        %max3A_186 = arith.maximumf %add3A_183, %max3A_185 : vector<16xf32>
        %swap3A_187 = arith.index_cast %scan3A_75 : i32 to index
        %swap3A_188 = arith.constant 96 : index
        %swap3A_189 = tpu.vector_load %arg13[%swap3A_187, %swap3A_188] {strides = array<i32>} : memref<128x128xf32, #tpu.memory_space<vmem>>, vector<1x16xf32>,
        %swap3A_190 = vector.shape_cast %swap3A_189 : vector<1x16xf32> to vector<16xf32>
        %swap3A_191 = vector.shape_cast %max3A_186 : vector<16xf32> to vector<1x16xf32>
        tpu.vector_store %arg13[%swap3A_187, %swap3A_188], %swap3A_191 {strides = array<i32>} : memref<128x128xf32, #tpu.memory_space<vmem>>, vector<1x16xf32>,
        %get3A_192 = arith.index_cast %scan3A_75 : i32 to index
        %get3A_193 = arith.constant 112 : index
        %get3A_194 = tpu.vector_load %arg13[%get3A_192, %get3A_193] {strides = array<i32>} : memref<128x128xf32, #tpu.memory_space<vmem>>, vector<1x16xf32>,
        %get3A_195 = vector.shape_cast %get3A_194 : vector<1x16xf32> to vector<16xf32>
        %get3A_196 = arith.index_cast %scan3A_75 : i32 to index
        %get3A_197 = arith.constant 112 : index
        %get3A_198 = tpu.vector_load %arg14[%get3A_196, %get3A_197] {strides = array<i32>} : memref<128x128xf32, #tpu.memory_space<vmem>>, vector<1x16xf32>,
        %get3A_199 = vector.shape_cast %get3A_198 : vector<1x16xf32> to vector<16xf32>
        %add3A_200 = arith.addf %get3A_195, %get3A_199 : vector<16xf32>
        %max3A_201 = arith.constant 0.000000e+00 : f32
        %max3A_202 = vector.broadcast %max3A_201 : f32 to vector<16xf32>
        %max3A_203 = arith.maximumf %add3A_200, %max3A_202 : vector<16xf32>
        %swap3A_204 = arith.index_cast %scan3A_75 : i32 to index
        %swap3A_205 = arith.constant 112 : index
        %swap3A_206 = tpu.vector_load %arg13[%swap3A_204, %swap3A_205] {strides = array<i32>} : memref<128x128xf32, #tpu.memory_space<vmem>>, vector<1x16xf32>,
        %swap3A_207 = vector.shape_cast %swap3A_206 : vector<1x16xf32> to vector<16xf32>
        %swap3A_208 = vector.shape_cast %max3A_203 : vector<16xf32> to vector<1x16xf32>
        tpu.vector_store %arg13[%swap3A_204, %swap3A_205], %swap3A_208 {strides = array<i32>} : memref<128x128xf32, #tpu.memory_space<vmem>>, vector<1x16xf32>,
      }
      %scan3A_48 = arith.constant 128 : i32
      %dma_start3A_49 = arith.constant 1 : i32
      %dma_start3A_50 = arith.constant 0 : i32
      %dma_start3A_51 = tpu.memref_slice %arg11[%dma_start3A_49, %dma_start3A_50] : memref<2x128xi32, #tpu.memory_space<vmem>> -> memref<1x128xi32, #tpu.memory_space<vmem>>
      %dma_start3A_52 = tpu.memref_squeeze %dma_start3A_51 : memref<1x128xi32, #tpu.memory_space<vmem>> -> memref<128xi32, #tpu.memory_space<vmem>>
      %dma_start3A_53 = arith.constant 0 : i32
      %dma_start3A_54 = arith.constant 0 : i32
      %dma_start3A_55 = tpu.memref_slice %arg9[%dma_start3A_53, %dma_start3A_54] : memref<10240x128xf32, #tpu.memory_space<vmem_shared>> -> memref<10240x128xf32, #tpu.memory_space<vmem_shared>>
      tpu.enqueue_indirect_dma source(%arg13 : memref<128x128xf32, #tpu.memory_space<vmem>>) target(%dma_start3A_55 : memref<10240x128xf32, #tpu.memory_space<vmem_shared>>) offsets(%dma_start3A_52 : memref<128xi32, #tpu.memory_space<vmem>>) semaphore(%arg17 : memref<!tpu.dma_semaphore, #tpu.memory_space<semaphore_mem>>) {add = true}
      %dma_start3A_56 = arith.constant 1 : i32
      %dma_start3A_57 = arith.constant 0 : i32
      %dma_start3A_58 = tpu.memref_slice %arg11[%dma_start3A_56, %dma_start3A_57] : memref<2x128xi32, #tpu.memory_space<vmem>> -> memref<1x128xi32, #tpu.memory_space<vmem>>
      %dma_start3A_59 = tpu.memref_squeeze %dma_start3A_58 : memref<1x128xi32, #tpu.memory_space<vmem>> -> memref<128xi32, #tpu.memory_space<vmem>>
      %dma_start3A_60 = arith.constant 0 : i32
      %dma_start3A_61 = tpu.memref_slice %arg10[%dma_start3A_60] : memref<10240xf32, #tpu.memory_space<vmem_shared>> -> memref<10240xf32, #tpu.memory_space<vmem_shared>>
      tpu.enqueue_indirect_dma source(%arg12 : memref<128xf32, #tpu.memory_space<vmem>>) target(%dma_start3A_61 : memref<10240xf32, #tpu.memory_space<vmem_shared>>) offsets(%dma_start3A_59 : memref<128xi32, #tpu.memory_space<vmem>>) semaphore(%arg17 : memref<!tpu.dma_semaphore, #tpu.memory_space<semaphore_mem>>) {add = true}
      %dma_wait3A_62 = arith.constant 1 : i32
      %dma_wait3A_63 = arith.constant 0 : i32
      %dma_wait3A_64 = tpu.memref_slice %arg11[%dma_wait3A_62, %dma_wait3A_63] : memref<2x128xi32, #tpu.memory_space<vmem>> -> memref<1x128xi32, #tpu.memory_space<vmem>>
      %dma_wait3A_65 = tpu.memref_squeeze %dma_wait3A_64 : memref<1x128xi32, #tpu.memory_space<vmem>> -> memref<128xi32, #tpu.memory_space<vmem>>
      %dma_wait3A_66 = arith.constant 0 : i32
      %dma_wait3A_67 = arith.constant 0 : i32
      %dma_wait3A_68 = tpu.memref_slice %arg9[%dma_wait3A_66, %dma_wait3A_67] : memref<10240x128xf32, #tpu.memory_space<vmem_shared>> -> memref<10240x128xf32, #tpu.memory_space<vmem_shared>>
      tpu.wait_indirect_dma semaphore(%arg17 : memref<!tpu.dma_semaphore, #tpu.memory_space<semaphore_mem>>) src(%arg13 : memref<128x128xf32, #tpu.memory_space<vmem>>) dst(%dma_wait3A_68 : memref<10240x128xf32, #tpu.memory_space<vmem_shared>>)
      %dma_wait3A_69 = arith.constant 1 : i32
      %dma_wait3A_70 = arith.constant 0 : i32
      %dma_wait3A_71 = tpu.memref_slice %arg11[%dma_wait3A_69, %dma_wait3A_70] : memref<2x128xi32, #tpu.memory_space<vmem>> -> memref<1x128xi32, #tpu.memory_space<vmem>>
      %dma_wait3A_72 = tpu.memref_squeeze %dma_wait3A_71 : memref<1x128xi32, #tpu.memory_space<vmem>> -> memref<128xi32, #tpu.memory_space<vmem>>
      %dma_wait3A_73 = arith.constant 0 : i32
      %dma_wait3A_74 = tpu.memref_slice %arg10[%dma_wait3A_73] : memref<10240xf32, #tpu.memory_space<vmem_shared>> -> memref<10240xf32, #tpu.memory_space<vmem_shared>>
      tpu.wait_indirect_dma semaphore(%arg17 : memref<!tpu.dma_semaphore, #tpu.memory_space<semaphore_mem>>) src(%arg12 : memref<128xf32, #tpu.memory_space<vmem>>) dst(%dma_wait3A_74 : memref<10240xf32, #tpu.memory_space<vmem_shared>>)
    }
    %scan3A_13 = arith.constant 40 : i32
    %barrier3A_14 = arith.constant 0 : index
    tpu.barrier barrier_id(%barrier3A_14)
    "tpu.region"() ({
      %run_scoped3A = tpu.sem_alloc : memref<!tpu.dma_semaphore, #tpu.memory_space<semaphore_mem>>
      %dma_start3A = arith.constant 0 : i32
      %dma_start3A_15 = tpu.memref_slice %arg7[%arg0, %mul3A_2, %dma_start3A] : memref<2x10240x128xf32, #tpu.memory_space<hbm>> -> memref<1x640x128xf32, #tpu.memory_space<hbm>>
      %dma_start3A_16 = tpu.memref_squeeze %dma_start3A_15 : memref<1x640x128xf32, #tpu.memory_space<hbm>> -> memref<640x128xf32, #tpu.memory_space<hbm>>
      %dma_start3A_17 = arith.constant 0 : i32
      %dma_start3A_18 = tpu.memref_slice %arg9[%mul3A_2, %dma_start3A_17] : memref<10240x128xf32, #tpu.memory_space<vmem_shared>> -> memref<640x128xf32, #tpu.memory_space<vmem_shared>>
      tpu.enqueue_dma source(%dma_start3A_18 : memref<640x128xf32, #tpu.memory_space<vmem_shared>>) target(%dma_start3A_16 : memref<640x128xf32, #tpu.memory_space<hbm>>) target_semaphore(%run_scoped3A : memref<!tpu.dma_semaphore, #tpu.memory_space<semaphore_mem>>)
      %dma_wait3A = arith.constant 0 : i32
      %dma_wait3A_19 = tpu.memref_slice %arg7[%arg0, %mul3A_2, %dma_wait3A] : memref<2x10240x128xf32, #tpu.memory_space<hbm>> -> memref<1x640x128xf32, #tpu.memory_space<hbm>>
      %dma_wait3A_20 = tpu.memref_squeeze %dma_wait3A_19 : memref<1x640x128xf32, #tpu.memory_space<hbm>> -> memref<640x128xf32, #tpu.memory_space<hbm>>
      %dma_wait3A_21 = arith.constant 0 : i32
      %dma_wait3A_22 = tpu.memref_slice %arg9[%mul3A_2, %dma_wait3A_21] : memref<10240x128xf32, #tpu.memory_space<vmem_shared>> -> memref<640x128xf32, #tpu.memory_space<vmem_shared>>
      tpu.wait_dma2 semaphore(%run_scoped3A : memref<!tpu.dma_semaphore, #tpu.memory_space<semaphore_mem>>) src(%dma_wait3A_22 : memref<640x128xf32, #tpu.memory_space<vmem_shared>>) dst(%dma_wait3A_20 : memref<640x128xf32, #tpu.memory_space<hbm>>)
      tpu.yield
    }) : () -> ()
    "tpu.region"() ({
      %run_scoped3A = tpu.sem_alloc : memref<!tpu.dma_semaphore, #tpu.memory_space<semaphore_mem>>
      %dma_start3A = tpu.memref_slice %arg8[%arg0, %mul3A_2] : memref<2x10240xf32, #tpu.memory_space<hbm>> -> memref<1x640xf32, #tpu.memory_space<hbm>>
      %dma_start3A_15 = tpu.memref_squeeze %dma_start3A : memref<1x640xf32, #tpu.memory_space<hbm>> -> memref<640xf32, #tpu.memory_space<hbm>>
      %dma_start3A_16 = tpu.memref_slice %arg10[%mul3A_2] : memref<10240xf32, #tpu.memory_space<vmem_shared>> -> memref<640xf32, #tpu.memory_space<vmem_shared>>
      tpu.enqueue_dma source(%dma_start3A_16 : memref<640xf32, #tpu.memory_space<vmem_shared>>) target(%dma_start3A_15 : memref<640xf32, #tpu.memory_space<hbm>>) target_semaphore(%run_scoped3A : memref<!tpu.dma_semaphore, #tpu.memory_space<semaphore_mem>>)
      %dma_wait3A = tpu.memref_slice %arg8[%arg0, %mul3A_2] : memref<2x10240xf32, #tpu.memory_space<hbm>> -> memref<1x640xf32, #tpu.memory_space<hbm>>
      %dma_wait3A_17 = tpu.memref_squeeze %dma_wait3A : memref<1x640xf32, #tpu.memory_space<hbm>> -> memref<640xf32, #tpu.memory_space<hbm>>
      %dma_wait3A_18 = tpu.memref_slice %arg10[%mul3A_2] : memref<10240xf32, #tpu.memory_space<vmem_shared>> -> memref<640xf32, #tpu.memory_space<vmem_shared>>
      tpu.wait_dma2 semaphore(%run_scoped3A : memref<!tpu.dma_semaphore, #tpu.memory_space<semaphore_mem>>) src(%dma_wait3A_18 : memref<640xf32, #tpu.memory_space<vmem_shared>>) dst(%dma_wait3A_17 : memref<640xf32, #tpu.memory_space<hbm>>)
      tpu.yield
    }) : () -> ()
    return
  }
}

#map = affine_map<(d0, d1) -> (0, 0)>
#map1 = affine_map<(d0, d1) -> (0, 0, 0, 0)>
#map2 = affine_map<(d0, d1) -> (0)>
#map3 = affine_map<(d0, d1) -> (0, 0, 0)>
module attributes {stable_mosaic.version = 14 : i64} {
  func.func @_sc_edge_body(%arg0: i32, %arg1: i32, %arg2: memref<10240x128xf32, #tpu.memory_space<hbm>>, %arg3: memref<163840x128xf32, #tpu.memory_space<hbm>>, %arg4: memref<32x40x2x128xi32, #tpu.memory_space<hbm>>, %arg5: memref<10240x128xf32, #tpu.memory_space<hbm>>, %arg6: memref<10240xf32, #tpu.memory_space<hbm>>, %arg7: memref<2x10240x128xf32, #tpu.memory_space<hbm>>, %arg8: memref<2x10240xf32, #tpu.memory_space<hbm>>, %arg9: memref<10240x128xf32, #tpu.memory_space<vmem_shared>>, %arg10: memref<10240xf32, #tpu.memory_space<vmem_shared>>, %arg11: memref<2x128xi32, #tpu.memory_space<vmem>>, %arg12: memref<128xf32, #tpu.memory_space<vmem>>, %arg13: memref<128x128xf32, #tpu.memory_space<vmem>>, %arg14: memref<128x128xf32, #tpu.memory_space<vmem>>, %arg15: memref<!tpu.dma_semaphore, #tpu.memory_space<semaphore_mem>>, %arg16: memref<!tpu.dma_semaphore, #tpu.memory_space<semaphore_mem>>, %arg17: memref<!tpu.dma_semaphore, #tpu.memory_space<semaphore_mem>>) attributes {dimension_semantics = [#tpu.dimension_semantics<core_parallel>, #tpu.dimension_semantics<subcore_parallel>], iteration_bounds = array<i64: 2, 16>, scalar_prefetch = 0 : i64, scratch_operands = 9 : i64, tpu.core_type = #tpu.core_type<sc_vector_subcore>, window_params = [{transform_indices = #map}, {transform_indices = #map}, {transform_indices = #map1}, {transform_indices = #map}, {transform_indices = #map2}, {transform_indices = #map3}, {transform_indices = #map}]} {
    %mul3A = arith.constant 16 : i32
    %mul3A_0 = arith.muli %arg0, %mul3A : i32
    %add3A = arith.addi %mul3A_0, %arg1 : i32
    %mul3A_1 = arith.constant 640 : i32
    %mul3A_2 = arith.muli %arg1, %mul3A_1 : i32
    "tpu.region"() ({
      %run_scoped3A = tpu.sem_alloc : memref<!tpu.dma_semaphore, #tpu.memory_space<semaphore_mem>>
      %dma_start3A = arith.constant 0 : i32
      %dma_start3A_15 = tpu.memref_slice %arg9[%mul3A_2, %dma_start3A] : memref<10240x128xf32, #tpu.memory_space<vmem_shared>> -> memref<640x128xf32, #tpu.memory_space<vmem_shared>>
      %dma_start3A_16 = arith.constant 0 : i32
      %dma_start3A_17 = tpu.memref_slice %arg5[%mul3A_2, %dma_start3A_16] : memref<10240x128xf32, #tpu.memory_space<hbm>> -> memref<640x128xf32, #tpu.memory_space<hbm>>
      tpu.enqueue_dma source(%dma_start3A_17 : memref<640x128xf32, #tpu.memory_space<hbm>>) target(%dma_start3A_15 : memref<640x128xf32, #tpu.memory_space<vmem_shared>>) target_semaphore(%run_scoped3A : memref<!tpu.dma_semaphore, #tpu.memory_space<semaphore_mem>>)
      %dma_wait3A = arith.constant 0 : i32
      %dma_wait3A_18 = tpu.memref_slice %arg9[%mul3A_2, %dma_wait3A] : memref<10240x128xf32, #tpu.memory_space<vmem_shared>> -> memref<640x128xf32, #tpu.memory_space<vmem_shared>>
      %dma_wait3A_19 = arith.constant 0 : i32
      %dma_wait3A_20 = tpu.memref_slice %arg5[%mul3A_2, %dma_wait3A_19] : memref<10240x128xf32, #tpu.memory_space<hbm>> -> memref<640x128xf32, #tpu.memory_space<hbm>>
      tpu.wait_dma2 semaphore(%run_scoped3A : memref<!tpu.dma_semaphore, #tpu.memory_space<semaphore_mem>>) src(%dma_wait3A_20 : memref<640x128xf32, #tpu.memory_space<hbm>>) dst(%dma_wait3A_18 : memref<640x128xf32, #tpu.memory_space<vmem_shared>>)
      tpu.yield
    }) : () -> ()
    "tpu.region"() ({
      %run_scoped3A = tpu.sem_alloc : memref<!tpu.dma_semaphore, #tpu.memory_space<semaphore_mem>>
      %dma_start3A = tpu.memref_slice %arg10[%mul3A_2] : memref<10240xf32, #tpu.memory_space<vmem_shared>> -> memref<640xf32, #tpu.memory_space<vmem_shared>>
      %dma_start3A_15 = tpu.memref_slice %arg6[%mul3A_2] : memref<10240xf32, #tpu.memory_space<hbm>> -> memref<640xf32, #tpu.memory_space<hbm>>
      tpu.enqueue_dma source(%dma_start3A_15 : memref<640xf32, #tpu.memory_space<hbm>>) target(%dma_start3A : memref<640xf32, #tpu.memory_space<vmem_shared>>) target_semaphore(%run_scoped3A : memref<!tpu.dma_semaphore, #tpu.memory_space<semaphore_mem>>)
      %dma_wait3A = tpu.memref_slice %arg10[%mul3A_2] : memref<10240xf32, #tpu.memory_space<vmem_shared>> -> memref<640xf32, #tpu.memory_space<vmem_shared>>
      %dma_wait3A_16 = tpu.memref_slice %arg6[%mul3A_2] : memref<10240xf32, #tpu.memory_space<hbm>> -> memref<640xf32, #tpu.memory_space<hbm>>
      tpu.wait_dma2 semaphore(%run_scoped3A : memref<!tpu.dma_semaphore, #tpu.memory_space<semaphore_mem>>) src(%dma_wait3A_16 : memref<640xf32, #tpu.memory_space<hbm>>) dst(%dma_wait3A : memref<640xf32, #tpu.memory_space<vmem_shared>>)
      tpu.yield
    }) : () -> ()
    %scan3A = arith.constant 0 : i32
    %scan3A_3 = arith.constant 0 : i32
    %scan3A_4 = arith.constant 8 : i32
    %scan3A_5 = arith.addi %scan3A_3, %scan3A_4 : i32
    %scan3A_6 = arith.constant 1 : i32
    scf.for %scan3A_15 = %scan3A_3 to %scan3A_5 step %scan3A_6  : i32 {
      %broadcast_in_dim3A = arith.constant 1.000000e+00 : f32
      %broadcast_in_dim3A_16 = vector.broadcast %broadcast_in_dim3A : f32 to vector<16xf32>
      %mul3A_17 = arith.constant 16 : i32
      %mul3A_18 = arith.muli %scan3A_15, %mul3A_17 : i32
      %swap3A = arith.index_cast %mul3A_18 : i32 to index
      %swap3A_19 = tpu.vector_load %arg12[%swap3A] {strides = array<i32>} : memref<128xf32, #tpu.memory_space<vmem>>, vector<16xf32>,
      %swap3A_20 = vector.shape_cast %swap3A_19 : vector<16xf32> to vector<16xf32>
      %swap3A_21 = vector.shape_cast %broadcast_in_dim3A_16 : vector<16xf32> to vector<16xf32>
      tpu.vector_store %arg12[%swap3A], %swap3A_21 {strides = array<i32>} : memref<128xf32, #tpu.memory_space<vmem>>, vector<16xf32>,
    }
    %scan3A_7 = arith.constant 8 : i32
    %barrier3A = arith.constant 0 : index
    tpu.barrier barrier_id(%barrier3A)
    %scan3A_8 = arith.constant 0 : i32
    %scan3A_9 = arith.constant 0 : i32
    %scan3A_10 = arith.constant 40 : i32
    %scan3A_11 = arith.addi %scan3A_9, %scan3A_10 : i32
    %scan3A_12 = arith.constant 1 : i32
    scf.for %scan3A_15 = %scan3A_9 to %scan3A_11 step %scan3A_12  : i32 {
      "tpu.region"() ({
        %run_scoped3A = tpu.sem_alloc : memref<!tpu.dma_semaphore, #tpu.memory_space<semaphore_mem>>
        %dma_start3A_75 = arith.constant 0 : i32
        %dma_start3A_76 = arith.constant 0 : i32
        %dma_start3A_77 = tpu.memref_slice %arg4[%add3A, %scan3A_15, %dma_start3A_75, %dma_start3A_76] : memref<32x40x2x128xi32, #tpu.memory_space<hbm>> -> memref<1x1x2x128xi32, #tpu.memory_space<hbm>>
        %dma_start3A_78 = tpu.memref_squeeze %dma_start3A_77 : memref<1x1x2x128xi32, #tpu.memory_space<hbm>> -> memref<2x128xi32, #tpu.memory_space<hbm>>
        %dma_start3A_79 = arith.constant 0 : i32
        %dma_start3A_80 = arith.constant 0 : i32
        %dma_start3A_81 = tpu.memref_slice %arg4[%add3A, %scan3A_15, %dma_start3A_79, %dma_start3A_80] : memref<32x40x2x128xi32, #tpu.memory_space<hbm>> -> memref<1x1x2x128xi32, #tpu.memory_space<hbm>>
        %dma_start3A_82 = tpu.memref_squeeze %dma_start3A_81 : memref<1x1x2x128xi32, #tpu.memory_space<hbm>> -> memref<2x128xi32, #tpu.memory_space<hbm>>
        tpu.enqueue_dma source(%dma_start3A_82 : memref<2x128xi32, #tpu.memory_space<hbm>>) target(%arg11 : memref<2x128xi32, #tpu.memory_space<vmem>>) target_semaphore(%run_scoped3A : memref<!tpu.dma_semaphore, #tpu.memory_space<semaphore_mem>>)
        %dma_wait3A_83 = arith.constant 0 : i32
        %dma_wait3A_84 = arith.constant 0 : i32
        %dma_wait3A_85 = tpu.memref_slice %arg4[%add3A, %scan3A_15, %dma_wait3A_83, %dma_wait3A_84] : memref<32x40x2x128xi32, #tpu.memory_space<hbm>> -> memref<1x1x2x128xi32, #tpu.memory_space<hbm>>
        %dma_wait3A_86 = tpu.memref_squeeze %dma_wait3A_85 : memref<1x1x2x128xi32, #tpu.memory_space<hbm>> -> memref<2x128xi32, #tpu.memory_space<hbm>>
        %dma_wait3A_87 = arith.constant 0 : i32
        %dma_wait3A_88 = arith.constant 0 : i32
        %dma_wait3A_89 = tpu.memref_slice %arg4[%add3A, %scan3A_15, %dma_wait3A_87, %dma_wait3A_88] : memref<32x40x2x128xi32, #tpu.memory_space<hbm>> -> memref<1x1x2x128xi32, #tpu.memory_space<hbm>>
        %dma_wait3A_90 = tpu.memref_squeeze %dma_wait3A_89 : memref<1x1x2x128xi32, #tpu.memory_space<hbm>> -> memref<2x128xi32, #tpu.memory_space<hbm>>
        tpu.wait_dma2 semaphore(%run_scoped3A : memref<!tpu.dma_semaphore, #tpu.memory_space<semaphore_mem>>) src(%dma_wait3A_90 : memref<2x128xi32, #tpu.memory_space<hbm>>) dst(%arg11 : memref<2x128xi32, #tpu.memory_space<vmem>>)
        tpu.yield
      }) : () -> ()
      %dma_start3A = arith.constant 0 : i32
      %dma_start3A_16 = arith.constant 0 : i32
      %dma_start3A_17 = tpu.memref_slice %arg11[%dma_start3A, %dma_start3A_16] : memref<2x128xi32, #tpu.memory_space<vmem>> -> memref<1x128xi32, #tpu.memory_space<vmem>>
      %dma_start3A_18 = tpu.memref_squeeze %dma_start3A_17 : memref<1x128xi32, #tpu.memory_space<vmem>> -> memref<128xi32, #tpu.memory_space<vmem>>
      %dma_start3A_19 = arith.constant 0 : i32
      %dma_start3A_20 = arith.constant 0 : i32
      %dma_start3A_21 = tpu.memref_slice %arg2[%dma_start3A_19, %dma_start3A_20] : memref<10240x128xf32, #tpu.memory_space<hbm>> -> memref<10240x128xf32, #tpu.memory_space<hbm>>
      tpu.enqueue_indirect_dma source(%dma_start3A_21 : memref<10240x128xf32, #tpu.memory_space<hbm>>) target(%arg13 : memref<128x128xf32, #tpu.memory_space<vmem>>) offsets(%dma_start3A_18 : memref<128xi32, #tpu.memory_space<vmem>>) semaphore(%arg15 : memref<!tpu.dma_semaphore, #tpu.memory_space<semaphore_mem>>)
      %mul3A_22 = arith.constant 40 : i32
      %mul3A_23 = arith.muli %add3A, %mul3A_22 : i32
      %add3A_24 = arith.addi %mul3A_23, %scan3A_15 : i32
      %mul3A_25 = arith.constant 128 : i32
      %mul3A_26 = arith.muli %add3A_24, %mul3A_25 : i32
      %dma_start3A_27 = arith.constant 0 : i32
      %dma_start3A_28 = tpu.memref_slice %arg3[%mul3A_26, %dma_start3A_27] : memref<163840x128xf32, #tpu.memory_space<hbm>> -> memref<128x128xf32, #tpu.memory_space<hbm>>
      %dma_start3A_29 = arith.constant 0 : i32
      %dma_start3A_30 = tpu.memref_slice %arg3[%mul3A_26, %dma_start3A_29] : memref<163840x128xf32, #tpu.memory_space<hbm>> -> memref<128x128xf32, #tpu.memory_space<hbm>>
      tpu.enqueue_dma source(%dma_start3A_30 : memref<128x128xf32, #tpu.memory_space<hbm>>) target(%arg14 : memref<128x128xf32, #tpu.memory_space<vmem>>) target_semaphore(%arg16 : memref<!tpu.dma_semaphore, #tpu.memory_space<semaphore_mem>>)
      %dma_wait3A = arith.constant 0 : i32
      %dma_wait3A_31 = arith.constant 0 : i32
      %dma_wait3A_32 = tpu.memref_slice %arg11[%dma_wait3A, %dma_wait3A_31] : memref<2x128xi32, #tpu.memory_space<vmem>> -> memref<1x128xi32, #tpu.memory_space<vmem>>
      %dma_wait3A_33 = tpu.memref_squeeze %dma_wait3A_32 : memref<1x128xi32, #tpu.memory_space<vmem>> -> memref<128xi32, #tpu.memory_space<vmem>>
      %dma_wait3A_34 = arith.constant 0 : i32
      %dma_wait3A_35 = arith.constant 0 : i32
      %dma_wait3A_36 = tpu.memref_slice %arg2[%dma_wait3A_34, %dma_wait3A_35] : memref<10240x128xf32, #tpu.memory_space<hbm>> -> memref<10240x128xf32, #tpu.memory_space<hbm>>
      tpu.wait_indirect_dma semaphore(%arg15 : memref<!tpu.dma_semaphore, #tpu.memory_space<semaphore_mem>>) src(%dma_wait3A_36 : memref<10240x128xf32, #tpu.memory_space<hbm>>) dst(%arg13 : memref<128x128xf32, #tpu.memory_space<vmem>>)
      %dma_wait3A_37 = arith.constant 0 : i32
      %dma_wait3A_38 = arith.constant 0 : i32
      %dma_wait3A_39 = tpu.memref_slice %arg3[%dma_wait3A_37, %dma_wait3A_38] : memref<163840x128xf32, #tpu.memory_space<hbm>> -> memref<128x128xf32, #tpu.memory_space<hbm>>
      %dma_wait3A_40 = arith.constant 0 : i32
      %dma_wait3A_41 = arith.constant 0 : i32
      %dma_wait3A_42 = tpu.memref_slice %arg3[%dma_wait3A_40, %dma_wait3A_41] : memref<163840x128xf32, #tpu.memory_space<hbm>> -> memref<128x128xf32, #tpu.memory_space<hbm>>
      tpu.wait_dma2 semaphore(%arg16 : memref<!tpu.dma_semaphore, #tpu.memory_space<semaphore_mem>>) src(%dma_wait3A_42 : memref<128x128xf32, #tpu.memory_space<hbm>>) dst(%arg14 : memref<128x128xf32, #tpu.memory_space<vmem>>)
      %scan3A_43 = arith.constant 0 : i32
      %scan3A_44 = arith.constant 0 : i32
      %scan3A_45 = arith.constant 128 : i32
      %scan3A_46 = arith.addi %scan3A_44, %scan3A_45 : i32
      %scan3A_47 = arith.constant 1 : i32
      scf.for %scan3A_75 = %scan3A_44 to %scan3A_46 step %scan3A_47  : i32 {
        %get3A = arith.index_cast %scan3A_75 : i32 to index
        %get3A_76 = arith.constant 0 : index
        %get3A_77 = tpu.vector_load %arg13[%get3A, %get3A_76] {strides = array<i32>} : memref<128x128xf32, #tpu.memory_space<vmem>>, vector<1x16xf32>,
        %get3A_78 = vector.shape_cast %get3A_77 : vector<1x16xf32> to vector<16xf32>
        %get3A_79 = arith.index_cast %scan3A_75 : i32 to index
        %get3A_80 = arith.constant 0 : index
        %get3A_81 = tpu.vector_load %arg14[%get3A_79, %get3A_80] {strides = array<i32>} : memref<128x128xf32, #tpu.memory_space<vmem>>, vector<1x16xf32>,
        %get3A_82 = vector.shape_cast %get3A_81 : vector<1x16xf32> to vector<16xf32>
        %add3A_83 = arith.addf %get3A_78, %get3A_82 : vector<16xf32>
        %max3A = arith.constant 0.000000e+00 : f32
        %max3A_84 = vector.broadcast %max3A : f32 to vector<16xf32>
        %max3A_85 = arith.maximumf %add3A_83, %max3A_84 : vector<16xf32>
        %swap3A = arith.index_cast %scan3A_75 : i32 to index
        %swap3A_86 = arith.constant 0 : index
        %swap3A_87 = tpu.vector_load %arg13[%swap3A, %swap3A_86] {strides = array<i32>} : memref<128x128xf32, #tpu.memory_space<vmem>>, vector<1x16xf32>,
        %swap3A_88 = vector.shape_cast %swap3A_87 : vector<1x16xf32> to vector<16xf32>
        %swap3A_89 = vector.shape_cast %max3A_85 : vector<16xf32> to vector<1x16xf32>
        tpu.vector_store %arg13[%swap3A, %swap3A_86], %swap3A_89 {strides = array<i32>} : memref<128x128xf32, #tpu.memory_space<vmem>>, vector<1x16xf32>,
        %get3A_90 = arith.index_cast %scan3A_75 : i32 to index
        %get3A_91 = arith.constant 16 : index
        %get3A_92 = tpu.vector_load %arg13[%get3A_90, %get3A_91] {strides = array<i32>} : memref<128x128xf32, #tpu.memory_space<vmem>>, vector<1x16xf32>,
        %get3A_93 = vector.shape_cast %get3A_92 : vector<1x16xf32> to vector<16xf32>
        %get3A_94 = arith.index_cast %scan3A_75 : i32 to index
        %get3A_95 = arith.constant 16 : index
        %get3A_96 = tpu.vector_load %arg14[%get3A_94, %get3A_95] {strides = array<i32>} : memref<128x128xf32, #tpu.memory_space<vmem>>, vector<1x16xf32>,
        %get3A_97 = vector.shape_cast %get3A_96 : vector<1x16xf32> to vector<16xf32>
        %add3A_98 = arith.addf %get3A_93, %get3A_97 : vector<16xf32>
        %max3A_99 = arith.constant 0.000000e+00 : f32
        %max3A_100 = vector.broadcast %max3A_99 : f32 to vector<16xf32>
        %max3A_101 = arith.maximumf %add3A_98, %max3A_100 : vector<16xf32>
        %swap3A_102 = arith.index_cast %scan3A_75 : i32 to index
        %swap3A_103 = arith.constant 16 : index
        %swap3A_104 = tpu.vector_load %arg13[%swap3A_102, %swap3A_103] {strides = array<i32>} : memref<128x128xf32, #tpu.memory_space<vmem>>, vector<1x16xf32>,
        %swap3A_105 = vector.shape_cast %swap3A_104 : vector<1x16xf32> to vector<16xf32>
        %swap3A_106 = vector.shape_cast %max3A_101 : vector<16xf32> to vector<1x16xf32>
        tpu.vector_store %arg13[%swap3A_102, %swap3A_103], %swap3A_106 {strides = array<i32>} : memref<128x128xf32, #tpu.memory_space<vmem>>, vector<1x16xf32>,
        %get3A_107 = arith.index_cast %scan3A_75 : i32 to index
        %get3A_108 = arith.constant 32 : index
        %get3A_109 = tpu.vector_load %arg13[%get3A_107, %get3A_108] {strides = array<i32>} : memref<128x128xf32, #tpu.memory_space<vmem>>, vector<1x16xf32>,
        %get3A_110 = vector.shape_cast %get3A_109 : vector<1x16xf32> to vector<16xf32>
        %get3A_111 = arith.index_cast %scan3A_75 : i32 to index
        %get3A_112 = arith.constant 32 : index
        %get3A_113 = tpu.vector_load %arg14[%get3A_111, %get3A_112] {strides = array<i32>} : memref<128x128xf32, #tpu.memory_space<vmem>>, vector<1x16xf32>,
        %get3A_114 = vector.shape_cast %get3A_113 : vector<1x16xf32> to vector<16xf32>
        %add3A_115 = arith.addf %get3A_110, %get3A_114 : vector<16xf32>
        %max3A_116 = arith.constant 0.000000e+00 : f32
        %max3A_117 = vector.broadcast %max3A_116 : f32 to vector<16xf32>
        %max3A_118 = arith.maximumf %add3A_115, %max3A_117 : vector<16xf32>
        %swap3A_119 = arith.index_cast %scan3A_75 : i32 to index
        %swap3A_120 = arith.constant 32 : index
        %swap3A_121 = tpu.vector_load %arg13[%swap3A_119, %swap3A_120] {strides = array<i32>} : memref<128x128xf32, #tpu.memory_space<vmem>>, vector<1x16xf32>,
        %swap3A_122 = vector.shape_cast %swap3A_121 : vector<1x16xf32> to vector<16xf32>
        %swap3A_123 = vector.shape_cast %max3A_118 : vector<16xf32> to vector<1x16xf32>
        tpu.vector_store %arg13[%swap3A_119, %swap3A_120], %swap3A_123 {strides = array<i32>} : memref<128x128xf32, #tpu.memory_space<vmem>>, vector<1x16xf32>,
        %get3A_124 = arith.index_cast %scan3A_75 : i32 to index
        %get3A_125 = arith.constant 48 : index
        %get3A_126 = tpu.vector_load %arg13[%get3A_124, %get3A_125] {strides = array<i32>} : memref<128x128xf32, #tpu.memory_space<vmem>>, vector<1x16xf32>,
        %get3A_127 = vector.shape_cast %get3A_126 : vector<1x16xf32> to vector<16xf32>
        %get3A_128 = arith.index_cast %scan3A_75 : i32 to index
        %get3A_129 = arith.constant 48 : index
        %get3A_130 = tpu.vector_load %arg14[%get3A_128, %get3A_129] {strides = array<i32>} : memref<128x128xf32, #tpu.memory_space<vmem>>, vector<1x16xf32>,
        %get3A_131 = vector.shape_cast %get3A_130 : vector<1x16xf32> to vector<16xf32>
        %add3A_132 = arith.addf %get3A_127, %get3A_131 : vector<16xf32>
        %max3A_133 = arith.constant 0.000000e+00 : f32
        %max3A_134 = vector.broadcast %max3A_133 : f32 to vector<16xf32>
        %max3A_135 = arith.maximumf %add3A_132, %max3A_134 : vector<16xf32>
        %swap3A_136 = arith.index_cast %scan3A_75 : i32 to index
        %swap3A_137 = arith.constant 48 : index
        %swap3A_138 = tpu.vector_load %arg13[%swap3A_136, %swap3A_137] {strides = array<i32>} : memref<128x128xf32, #tpu.memory_space<vmem>>, vector<1x16xf32>,
        %swap3A_139 = vector.shape_cast %swap3A_138 : vector<1x16xf32> to vector<16xf32>
        %swap3A_140 = vector.shape_cast %max3A_135 : vector<16xf32> to vector<1x16xf32>
        tpu.vector_store %arg13[%swap3A_136, %swap3A_137], %swap3A_140 {strides = array<i32>} : memref<128x128xf32, #tpu.memory_space<vmem>>, vector<1x16xf32>,
        %get3A_141 = arith.index_cast %scan3A_75 : i32 to index
        %get3A_142 = arith.constant 64 : index
        %get3A_143 = tpu.vector_load %arg13[%get3A_141, %get3A_142] {strides = array<i32>} : memref<128x128xf32, #tpu.memory_space<vmem>>, vector<1x16xf32>,
        %get3A_144 = vector.shape_cast %get3A_143 : vector<1x16xf32> to vector<16xf32>
        %get3A_145 = arith.index_cast %scan3A_75 : i32 to index
        %get3A_146 = arith.constant 64 : index
        %get3A_147 = tpu.vector_load %arg14[%get3A_145, %get3A_146] {strides = array<i32>} : memref<128x128xf32, #tpu.memory_space<vmem>>, vector<1x16xf32>,
        %get3A_148 = vector.shape_cast %get3A_147 : vector<1x16xf32> to vector<16xf32>
        %add3A_149 = arith.addf %get3A_144, %get3A_148 : vector<16xf32>
        %max3A_150 = arith.constant 0.000000e+00 : f32
        %max3A_151 = vector.broadcast %max3A_150 : f32 to vector<16xf32>
        %max3A_152 = arith.maximumf %add3A_149, %max3A_151 : vector<16xf32>
        %swap3A_153 = arith.index_cast %scan3A_75 : i32 to index
        %swap3A_154 = arith.constant 64 : index
        %swap3A_155 = tpu.vector_load %arg13[%swap3A_153, %swap3A_154] {strides = array<i32>} : memref<128x128xf32, #tpu.memory_space<vmem>>, vector<1x16xf32>,
        %swap3A_156 = vector.shape_cast %swap3A_155 : vector<1x16xf32> to vector<16xf32>
        %swap3A_157 = vector.shape_cast %max3A_152 : vector<16xf32> to vector<1x16xf32>
        tpu.vector_store %arg13[%swap3A_153, %swap3A_154], %swap3A_157 {strides = array<i32>} : memref<128x128xf32, #tpu.memory_space<vmem>>, vector<1x16xf32>,
        %get3A_158 = arith.index_cast %scan3A_75 : i32 to index
        %get3A_159 = arith.constant 80 : index
        %get3A_160 = tpu.vector_load %arg13[%get3A_158, %get3A_159] {strides = array<i32>} : memref<128x128xf32, #tpu.memory_space<vmem>>, vector<1x16xf32>,
        %get3A_161 = vector.shape_cast %get3A_160 : vector<1x16xf32> to vector<16xf32>
        %get3A_162 = arith.index_cast %scan3A_75 : i32 to index
        %get3A_163 = arith.constant 80 : index
        %get3A_164 = tpu.vector_load %arg14[%get3A_162, %get3A_163] {strides = array<i32>} : memref<128x128xf32, #tpu.memory_space<vmem>>, vector<1x16xf32>,
        %get3A_165 = vector.shape_cast %get3A_164 : vector<1x16xf32> to vector<16xf32>
        %add3A_166 = arith.addf %get3A_161, %get3A_165 : vector<16xf32>
        %max3A_167 = arith.constant 0.000000e+00 : f32
        %max3A_168 = vector.broadcast %max3A_167 : f32 to vector<16xf32>
        %max3A_169 = arith.maximumf %add3A_166, %max3A_168 : vector<16xf32>
        %swap3A_170 = arith.index_cast %scan3A_75 : i32 to index
        %swap3A_171 = arith.constant 80 : index
        %swap3A_172 = tpu.vector_load %arg13[%swap3A_170, %swap3A_171] {strides = array<i32>} : memref<128x128xf32, #tpu.memory_space<vmem>>, vector<1x16xf32>,
        %swap3A_173 = vector.shape_cast %swap3A_172 : vector<1x16xf32> to vector<16xf32>
        %swap3A_174 = vector.shape_cast %max3A_169 : vector<16xf32> to vector<1x16xf32>
        tpu.vector_store %arg13[%swap3A_170, %swap3A_171], %swap3A_174 {strides = array<i32>} : memref<128x128xf32, #tpu.memory_space<vmem>>, vector<1x16xf32>,
        %get3A_175 = arith.index_cast %scan3A_75 : i32 to index
        %get3A_176 = arith.constant 96 : index
        %get3A_177 = tpu.vector_load %arg13[%get3A_175, %get3A_176] {strides = array<i32>} : memref<128x128xf32, #tpu.memory_space<vmem>>, vector<1x16xf32>,
        %get3A_178 = vector.shape_cast %get3A_177 : vector<1x16xf32> to vector<16xf32>
        %get3A_179 = arith.index_cast %scan3A_75 : i32 to index
        %get3A_180 = arith.constant 96 : index
        %get3A_181 = tpu.vector_load %arg14[%get3A_179, %get3A_180] {strides = array<i32>} : memref<128x128xf32, #tpu.memory_space<vmem>>, vector<1x16xf32>,
        %get3A_182 = vector.shape_cast %get3A_181 : vector<1x16xf32> to vector<16xf32>
        %add3A_183 = arith.addf %get3A_178, %get3A_182 : vector<16xf32>
        %max3A_184 = arith.constant 0.000000e+00 : f32
        %max3A_185 = vector.broadcast %max3A_184 : f32 to vector<16xf32>
        %max3A_186 = arith.maximumf %add3A_183, %max3A_185 : vector<16xf32>
        %swap3A_187 = arith.index_cast %scan3A_75 : i32 to index
        %swap3A_188 = arith.constant 96 : index
        %swap3A_189 = tpu.vector_load %arg13[%swap3A_187, %swap3A_188] {strides = array<i32>} : memref<128x128xf32, #tpu.memory_space<vmem>>, vector<1x16xf32>,
        %swap3A_190 = vector.shape_cast %swap3A_189 : vector<1x16xf32> to vector<16xf32>
        %swap3A_191 = vector.shape_cast %max3A_186 : vector<16xf32> to vector<1x16xf32>
        tpu.vector_store %arg13[%swap3A_187, %swap3A_188], %swap3A_191 {strides = array<i32>} : memref<128x128xf32, #tpu.memory_space<vmem>>, vector<1x16xf32>,
        %get3A_192 = arith.index_cast %scan3A_75 : i32 to index
        %get3A_193 = arith.constant 112 : index
        %get3A_194 = tpu.vector_load %arg13[%get3A_192, %get3A_193] {strides = array<i32>} : memref<128x128xf32, #tpu.memory_space<vmem>>, vector<1x16xf32>,
        %get3A_195 = vector.shape_cast %get3A_194 : vector<1x16xf32> to vector<16xf32>
        %get3A_196 = arith.index_cast %scan3A_75 : i32 to index
        %get3A_197 = arith.constant 112 : index
        %get3A_198 = tpu.vector_load %arg14[%get3A_196, %get3A_197] {strides = array<i32>} : memref<128x128xf32, #tpu.memory_space<vmem>>, vector<1x16xf32>,
        %get3A_199 = vector.shape_cast %get3A_198 : vector<1x16xf32> to vector<16xf32>
        %add3A_200 = arith.addf %get3A_195, %get3A_199 : vector<16xf32>
        %max3A_201 = arith.constant 0.000000e+00 : f32
        %max3A_202 = vector.broadcast %max3A_201 : f32 to vector<16xf32>
        %max3A_203 = arith.maximumf %add3A_200, %max3A_202 : vector<16xf32>
        %swap3A_204 = arith.index_cast %scan3A_75 : i32 to index
        %swap3A_205 = arith.constant 112 : index
        %swap3A_206 = tpu.vector_load %arg13[%swap3A_204, %swap3A_205] {strides = array<i32>} : memref<128x128xf32, #tpu.memory_space<vmem>>, vector<1x16xf32>,
        %swap3A_207 = vector.shape_cast %swap3A_206 : vector<1x16xf32> to vector<16xf32>
        %swap3A_208 = vector.shape_cast %max3A_203 : vector<16xf32> to vector<1x16xf32>
        tpu.vector_store %arg13[%swap3A_204, %swap3A_205], %swap3A_208 {strides = array<i32>} : memref<128x128xf32, #tpu.memory_space<vmem>>, vector<1x16xf32>,
      }
      %scan3A_48 = arith.constant 128 : i32
      %dma_start3A_49 = arith.constant 1 : i32
      %dma_start3A_50 = arith.constant 0 : i32
      %dma_start3A_51 = tpu.memref_slice %arg11[%dma_start3A_49, %dma_start3A_50] : memref<2x128xi32, #tpu.memory_space<vmem>> -> memref<1x128xi32, #tpu.memory_space<vmem>>
      %dma_start3A_52 = tpu.memref_squeeze %dma_start3A_51 : memref<1x128xi32, #tpu.memory_space<vmem>> -> memref<128xi32, #tpu.memory_space<vmem>>
      %dma_start3A_53 = arith.constant 0 : i32
      %dma_start3A_54 = arith.constant 0 : i32
      %dma_start3A_55 = tpu.memref_slice %arg9[%dma_start3A_53, %dma_start3A_54] : memref<10240x128xf32, #tpu.memory_space<vmem_shared>> -> memref<10240x128xf32, #tpu.memory_space<vmem_shared>>
      tpu.enqueue_indirect_dma source(%arg13 : memref<128x128xf32, #tpu.memory_space<vmem>>) target(%dma_start3A_55 : memref<10240x128xf32, #tpu.memory_space<vmem_shared>>) offsets(%dma_start3A_52 : memref<128xi32, #tpu.memory_space<vmem>>) semaphore(%arg17 : memref<!tpu.dma_semaphore, #tpu.memory_space<semaphore_mem>>) {add = true}
      %dma_start3A_56 = arith.constant 1 : i32
      %dma_start3A_57 = arith.constant 0 : i32
      %dma_start3A_58 = tpu.memref_slice %arg11[%dma_start3A_56, %dma_start3A_57] : memref<2x128xi32, #tpu.memory_space<vmem>> -> memref<1x128xi32, #tpu.memory_space<vmem>>
      %dma_start3A_59 = tpu.memref_squeeze %dma_start3A_58 : memref<1x128xi32, #tpu.memory_space<vmem>> -> memref<128xi32, #tpu.memory_space<vmem>>
      %dma_start3A_60 = arith.constant 0 : i32
      %dma_start3A_61 = tpu.memref_slice %arg10[%dma_start3A_60] : memref<10240xf32, #tpu.memory_space<vmem_shared>> -> memref<10240xf32, #tpu.memory_space<vmem_shared>>
      tpu.enqueue_indirect_dma source(%arg12 : memref<128xf32, #tpu.memory_space<vmem>>) target(%dma_start3A_61 : memref<10240xf32, #tpu.memory_space<vmem_shared>>) offsets(%dma_start3A_59 : memref<128xi32, #tpu.memory_space<vmem>>) semaphore(%arg17 : memref<!tpu.dma_semaphore, #tpu.memory_space<semaphore_mem>>) {add = true}
      %dma_wait3A_62 = arith.constant 1 : i32
      %dma_wait3A_63 = arith.constant 0 : i32
      %dma_wait3A_64 = tpu.memref_slice %arg11[%dma_wait3A_62, %dma_wait3A_63] : memref<2x128xi32, #tpu.memory_space<vmem>> -> memref<1x128xi32, #tpu.memory_space<vmem>>
      %dma_wait3A_65 = tpu.memref_squeeze %dma_wait3A_64 : memref<1x128xi32, #tpu.memory_space<vmem>> -> memref<128xi32, #tpu.memory_space<vmem>>
      %dma_wait3A_66 = arith.constant 0 : i32
      %dma_wait3A_67 = arith.constant 0 : i32
      %dma_wait3A_68 = tpu.memref_slice %arg9[%dma_wait3A_66, %dma_wait3A_67] : memref<10240x128xf32, #tpu.memory_space<vmem_shared>> -> memref<10240x128xf32, #tpu.memory_space<vmem_shared>>
      tpu.wait_indirect_dma semaphore(%arg17 : memref<!tpu.dma_semaphore, #tpu.memory_space<semaphore_mem>>) src(%arg13 : memref<128x128xf32, #tpu.memory_space<vmem>>) dst(%dma_wait3A_68 : memref<10240x128xf32, #tpu.memory_space<vmem_shared>>)
      %dma_wait3A_69 = arith.constant 1 : i32
      %dma_wait3A_70 = arith.constant 0 : i32
      %dma_wait3A_71 = tpu.memref_slice %arg11[%dma_wait3A_69, %dma_wait3A_70] : memref<2x128xi32, #tpu.memory_space<vmem>> -> memref<1x128xi32, #tpu.memory_space<vmem>>
      %dma_wait3A_72 = tpu.memref_squeeze %dma_wait3A_71 : memref<1x128xi32, #tpu.memory_space<vmem>> -> memref<128xi32, #tpu.memory_space<vmem>>
      %dma_wait3A_73 = arith.constant 0 : i32
      %dma_wait3A_74 = tpu.memref_slice %arg10[%dma_wait3A_73] : memref<10240xf32, #tpu.memory_space<vmem_shared>> -> memref<10240xf32, #tpu.memory_space<vmem_shared>>
      tpu.wait_indirect_dma semaphore(%arg17 : memref<!tpu.dma_semaphore, #tpu.memory_space<semaphore_mem>>) src(%arg12 : memref<128xf32, #tpu.memory_space<vmem>>) dst(%dma_wait3A_74 : memref<10240xf32, #tpu.memory_space<vmem_shared>>)
    }
    %scan3A_13 = arith.constant 40 : i32
    %barrier3A_14 = arith.constant 0 : index
    tpu.barrier barrier_id(%barrier3A_14)
    "tpu.region"() ({
      %run_scoped3A = tpu.sem_alloc : memref<!tpu.dma_semaphore, #tpu.memory_space<semaphore_mem>>
      %dma_start3A = arith.constant 0 : i32
      %dma_start3A_15 = tpu.memref_slice %arg7[%arg0, %mul3A_2, %dma_start3A] : memref<2x10240x128xf32, #tpu.memory_space<hbm>> -> memref<1x640x128xf32, #tpu.memory_space<hbm>>
      %dma_start3A_16 = tpu.memref_squeeze %dma_start3A_15 : memref<1x640x128xf32, #tpu.memory_space<hbm>> -> memref<640x128xf32, #tpu.memory_space<hbm>>
      %dma_start3A_17 = arith.constant 0 : i32
      %dma_start3A_18 = tpu.memref_slice %arg9[%mul3A_2, %dma_start3A_17] : memref<10240x128xf32, #tpu.memory_space<vmem_shared>> -> memref<640x128xf32, #tpu.memory_space<vmem_shared>>
      tpu.enqueue_dma source(%dma_start3A_18 : memref<640x128xf32, #tpu.memory_space<vmem_shared>>) target(%dma_start3A_16 : memref<640x128xf32, #tpu.memory_space<hbm>>) target_semaphore(%run_scoped3A : memref<!tpu.dma_semaphore, #tpu.memory_space<semaphore_mem>>)
      %dma_wait3A = arith.constant 0 : i32
      %dma_wait3A_19 = tpu.memref_slice %arg7[%arg0, %mul3A_2, %dma_wait3A] : memref<2x10240x128xf32, #tpu.memory_space<hbm>> -> memref<1x640x128xf32, #tpu.memory_space<hbm>>
      %dma_wait3A_20 = tpu.memref_squeeze %dma_wait3A_19 : memref<1x640x128xf32, #tpu.memory_space<hbm>> -> memref<640x128xf32, #tpu.memory_space<hbm>>
      %dma_wait3A_21 = arith.constant 0 : i32
      %dma_wait3A_22 = tpu.memref_slice %arg9[%mul3A_2, %dma_wait3A_21] : memref<10240x128xf32, #tpu.memory_space<vmem_shared>> -> memref<640x128xf32, #tpu.memory_space<vmem_shared>>
      tpu.wait_dma2 semaphore(%run_scoped3A : memref<!tpu.dma_semaphore, #tpu.memory_space<semaphore_mem>>) src(%dma_wait3A_22 : memref<640x128xf32, #tpu.memory_space<vmem_shared>>) dst(%dma_wait3A_20 : memref<640x128xf32, #tpu.memory_space<hbm>>)
      tpu.yield
    }) : () -> ()
    "tpu.region"() ({
      %run_scoped3A = tpu.sem_alloc : memref<!tpu.dma_semaphore, #tpu.memory_space<semaphore_mem>>
      %dma_start3A = tpu.memref_slice %arg8[%arg0, %mul3A_2] : memref<2x10240xf32, #tpu.memory_space<hbm>> -> memref<1x640xf32, #tpu.memory_space<hbm>>
      %dma_start3A_15 = tpu.memref_squeeze %dma_start3A : memref<1x640xf32, #tpu.memory_space<hbm>> -> memref<640xf32, #tpu.memory_space<hbm>>
      %dma_start3A_16 = tpu.memref_slice %arg10[%mul3A_2] : memref<10240xf32, #tpu.memory_space<vmem_shared>> -> memref<640xf32, #tpu.memory_space<vmem_shared>>
      tpu.enqueue_dma source(%dma_start3A_16 : memref<640xf32, #tpu.memory_space<vmem_shared>>) target(%dma_start3A_15 : memref<640xf32, #tpu.memory_space<hbm>>) target_semaphore(%run_scoped3A : memref<!tpu.dma_semaphore, #tpu.memory_space<semaphore_mem>>)
      %dma_wait3A = tpu.memref_slice %arg8[%arg0, %mul3A_2] : memref<2x10240xf32, #tpu.memory_space<hbm>> -> memref<1x640xf32, #tpu.memory_space<hbm>>
      %dma_wait3A_17 = tpu.memref_squeeze %dma_wait3A : memref<1x640xf32, #tpu.memory_space<hbm>> -> memref<640xf32, #tpu.memory_space<hbm>>
      %dma_wait3A_18 = tpu.memref_slice %arg10[%mul3A_2] : memref<10240xf32, #tpu.memory_space<vmem_shared>> -> memref<640xf32, #tpu.memory_space<vmem_shared>>
      tpu.wait_dma2 semaphore(%run_scoped3A : memref<!tpu.dma_semaphore, #tpu.memory_space<semaphore_mem>>) src(%dma_wait3A_18 : memref<640xf32, #tpu.memory_space<vmem_shared>>) dst(%dma_wait3A_17 : memref<640xf32, #tpu.memory_space<hbm>>)
      tpu.yield
    }) : () -> ()
    return
  }
}

module attributes {stable_mosaic.version = 14 : i64} {
  func.func @_eterm_body(%arg0: i32, %arg1: memref<1280x16xf32, #tpu.memory_space<vmem>>, %arg2: memref<16x128xf32, #tpu.memory_space<vmem>>, %arg3: memref<1x128xf32, #tpu.memory_space<vmem>>, %arg4: memref<1280x128xf32, #tpu.memory_space<vmem>>) attributes {dimension_semantics = [#tpu.dimension_semantics<arbitrary>], iteration_bounds = array<i64: 128>, scalar_prefetch = 0 : i64, scratch_operands = 0 : i64, tpu.core_type = #tpu.core_type<tc>, window_params = [{transform_indices = @transform_0, window_bounds = array<i64: 1280, 16>}, {pipeline_mode = #tpu.pipeline_mode<synchronous>, transform_indices = @transform_1, window_bounds = array<i64: 16, 128>}, {pipeline_mode = #tpu.pipeline_mode<synchronous>, transform_indices = @transform_2, window_bounds = array<i64: 1, 128>}, {transform_indices = @transform_3, window_bounds = array<i64: 1280, 128>}]} {
    %get3A = arith.constant 0 : index
    %get3A_0 = arith.constant 0 : index
    %get3A_1 = vector.load %arg1[%get3A, %get3A_0] : memref<1280x16xf32, #tpu.memory_space<vmem>>, vector<1280x16xf32>
    %get3A_2 = arith.constant 0 : index
    %get3A_3 = arith.constant 0 : index
    %get3A_4 = vector.load %arg2[%get3A_2, %get3A_3] : memref<16x128xf32, #tpu.memory_space<vmem>>, vector<16x128xf32>
    %dot_general3A = arith.constant dense<0.000000e+00> : vector<1280x128xf32>
    %dot_general3A_5 = tpu.matmul %get3A_1, %get3A_4, %dot_general3A {dimension_numbers = #tpu.dot_dimension_numbers<[1], [0], [0], [1], [0, 0, 1, 1], [], []>, transpose_lhs_hint = false} : vector<1280x16xf32>, vector<16x128xf32>, vector<1280x128xf32> -> vector<1280x128xf32>
    %get3A_6 = arith.constant 0 : index
    %get3A_7 = arith.constant 0 : index
    %get3A_8 = vector.load %arg3[%get3A_6, %get3A_7] : memref<1x128xf32, #tpu.memory_space<vmem>>, vector<1x128xf32>
    %add3A = vector.broadcast %get3A_8 : vector<1x128xf32> to vector<1280x128xf32>
    %add3A_9 = arith.addf %dot_general3A_5, %add3A : vector<1280x128xf32>
    %swap3A = arith.constant 0 : index
    %swap3A_10 = arith.constant 0 : index
    %swap3A_11 = vector.load %arg4[%swap3A, %swap3A_10] : memref<1280x128xf32, #tpu.memory_space<vmem>>, vector<1280x128xf32>
    tpu.vector_store %arg4[%swap3A, %swap3A_10], %add3A_9 {strides = array<i32>} : memref<1280x128xf32, #tpu.memory_space<vmem>>, vector<1280x128xf32>,
    return
  }
  func.func @transform_0(%arg0: i32) -> (i32, i32) {
    %min3A = arith.constant 124 : i32
    %min3A_0 = arith.minsi %arg0, %min3A : i32
    %c0_i32 = arith.constant 0 : i32
    %c0_i32_1 = arith.constant 0 : i32
    return %min3A_0, %c0_i32 : i32, i32
  }
  func.func @transform_1(%arg0: i32) -> (i32, i32) {
    %c0_i32 = arith.constant 0 : i32
    %c0_i32_0 = arith.constant 0 : i32
    %c0_i32_1 = arith.constant 0 : i32
    return %c0_i32, %c0_i32_0 : i32, i32
  }
  func.func @transform_2(%arg0: i32) -> (i32, i32) {
    %c0_i32 = arith.constant 0 : i32
    %c0_i32_0 = arith.constant 0 : i32
    %c0_i32_1 = arith.constant 0 : i32
    return %c0_i32, %c0_i32_0 : i32, i32
  }
  func.func @transform_3(%arg0: i32) -> (i32, i32) {
    %c0_i32 = arith.constant 0 : i32
    %c0_i32_0 = arith.constant 0 : i32
    return %arg0, %c0_i32 : i32, i32
  }
}

module attributes {stable_mosaic.version = 14 : i64} {
  func.func @_lin0_body(%arg0: i32, %arg1: memref<2048x128xf32, #tpu.memory_space<vmem>>, %arg2: memref<128x128xf32, #tpu.memory_space<vmem>>, %arg3: memref<1x128xf32, #tpu.memory_space<vmem>>, %arg4: memref<128x128xf32, #tpu.memory_space<vmem>>, %arg5: memref<2048x128xf32, #tpu.memory_space<vmem>>, %arg6: memref<2048x128xf32, #tpu.memory_space<vmem>>) attributes {dimension_semantics = [#tpu.dimension_semantics<arbitrary>], iteration_bounds = array<i64: 5>, scalar_prefetch = 0 : i64, scratch_operands = 0 : i64, tpu.core_type = #tpu.core_type<tc>, window_params = [{transform_indices = @transform_0, window_bounds = array<i64: 2048, 128>}, {pipeline_mode = #tpu.pipeline_mode<synchronous>, transform_indices = @transform_1, window_bounds = array<i64: 128, 128>}, {pipeline_mode = #tpu.pipeline_mode<synchronous>, transform_indices = @transform_2, window_bounds = array<i64: 1, 128>}, {pipeline_mode = #tpu.pipeline_mode<synchronous>, transform_indices = @transform_3, window_bounds = array<i64: 128, 128>}, {transform_indices = @transform_4, window_bounds = array<i64: 2048, 128>}, {transform_indices = @transform_5, window_bounds = array<i64: 2048, 128>}]} {
    %get3A = arith.constant 0 : index
    %get3A_0 = arith.constant 0 : index
    %get3A_1 = vector.load %arg1[%get3A, %get3A_0] : memref<2048x128xf32, #tpu.memory_space<vmem>>, vector<2048x128xf32>
    %get3A_2 = arith.constant 0 : index
    %get3A_3 = arith.constant 0 : index
    %get3A_4 = vector.load %arg2[%get3A_2, %get3A_3] : memref<128x128xf32, #tpu.memory_space<vmem>>, vector<128x128xf32>
    %dot_general3A = arith.constant dense<0.000000e+00> : vector<2048x128xf32>
    %dot_general3A_5 = tpu.matmul %get3A_1, %get3A_4, %dot_general3A {dimension_numbers = #tpu.dot_dimension_numbers<[1], [0], [0], [1], [0, 0, 1, 1], [], []>, transpose_lhs_hint = false} : vector<2048x128xf32>, vector<128x128xf32>, vector<2048x128xf32> -> vector<2048x128xf32>
    %get3A_6 = arith.constant 0 : index
    %get3A_7 = arith.constant 0 : index
    %get3A_8 = vector.load %arg3[%get3A_6, %get3A_7] : memref<1x128xf32, #tpu.memory_space<vmem>>, vector<1x128xf32>
    %add3A = vector.broadcast %get3A_8 : vector<1x128xf32> to vector<2048x128xf32>
    %add3A_9 = arith.addf %dot_general3A_5, %add3A : vector<2048x128xf32>
    %max3A = arith.constant 0.000000e+00 : f32
    %max3A_10 = vector.broadcast %max3A : f32 to vector<2048x128xf32>
    %max3A_11 = arith.maximumf %add3A_9, %max3A_10 : vector<2048x128xf32>
    %swap3A = arith.constant 0 : index
    %swap3A_12 = arith.constant 0 : index
    %swap3A_13 = vector.load %arg5[%swap3A, %swap3A_12] : memref<2048x128xf32, #tpu.memory_space<vmem>>, vector<2048x128xf32>
    tpu.vector_store %arg5[%swap3A, %swap3A_12], %max3A_11 {strides = array<i32>} : memref<2048x128xf32, #tpu.memory_space<vmem>>, vector<2048x128xf32>,
    %get3A_14 = arith.constant 0 : index
    %get3A_15 = arith.constant 0 : index
    %get3A_16 = vector.load %arg4[%get3A_14, %get3A_15] : memref<128x128xf32, #tpu.memory_space<vmem>>, vector<128x128xf32>
    %dot_general3A_17 = arith.constant dense<0.000000e+00> : vector<2048x128xf32>
    %dot_general3A_18 = tpu.matmul %max3A_11, %get3A_16, %dot_general3A_17 {dimension_numbers = #tpu.dot_dimension_numbers<[1], [0], [0], [1], [0, 0, 1, 1], [], []>, transpose_lhs_hint = false} : vector<2048x128xf32>, vector<128x128xf32>, vector<2048x128xf32> -> vector<2048x128xf32>
    %swap3A_19 = arith.constant 0 : index
    %swap3A_20 = arith.constant 0 : index
    %swap3A_21 = vector.load %arg6[%swap3A_19, %swap3A_20] : memref<2048x128xf32, #tpu.memory_space<vmem>>, vector<2048x128xf32>
    tpu.vector_store %arg6[%swap3A_19, %swap3A_20], %dot_general3A_18 {strides = array<i32>} : memref<2048x128xf32, #tpu.memory_space<vmem>>, vector<2048x128xf32>,
    return
  }
  func.func @transform_0(%arg0: i32) -> (i32, i32) {
    %c0_i32 = arith.constant 0 : i32
    %c0_i32_0 = arith.constant 0 : i32
    return %arg0, %c0_i32 : i32, i32
  }
  func.func @transform_1(%arg0: i32) -> (i32, i32) {
    %c0_i32 = arith.constant 0 : i32
    %c0_i32_0 = arith.constant 0 : i32
    %c0_i32_1 = arith.constant 0 : i32
    return %c0_i32, %c0_i32_0 : i32, i32
  }
  func.func @transform_2(%arg0: i32) -> (i32, i32) {
    %c0_i32 = arith.constant 0 : i32
    %c0_i32_0 = arith.constant 0 : i32
    %c0_i32_1 = arith.constant 0 : i32
    return %c0_i32, %c0_i32_0 : i32, i32
  }
  func.func @transform_3(%arg0: i32) -> (i32, i32) {
    %c0_i32 = arith.constant 0 : i32
    %c0_i32_0 = arith.constant 0 : i32
    %c0_i32_1 = arith.constant 0 : i32
    return %c0_i32, %c0_i32_0 : i32, i32
  }
  func.func @transform_4(%arg0: i32) -> (i32, i32) {
    %c0_i32 = arith.constant 0 : i32
    %c0_i32_0 = arith.constant 0 : i32
    return %arg0, %c0_i32 : i32, i32
  }
  func.func @transform_5(%arg0: i32) -> (i32, i32) {
    %c0_i32 = arith.constant 0 : i32
    %c0_i32_0 = arith.constant 0 : i32
    return %arg0, %c0_i32 : i32, i32
  }
}

module attributes {stable_mosaic.version = 14 : i64} {
  func.func @_gru_body(%arg0: i32, %arg1: memref<2048x128xf32, #tpu.memory_space<vmem>>, %arg2: memref<1x2048x128xf32, #tpu.memory_space<vmem>>, %arg3: memref<1x2048x128xf32, #tpu.memory_space<vmem>>, %arg4: memref<1x16x128xf32, #tpu.memory_space<vmem>>, %arg5: memref<1x16x128xf32, #tpu.memory_space<vmem>>, %arg6: memref<128x384xf32, #tpu.memory_space<vmem>>, %arg7: memref<128x384xf32, #tpu.memory_space<vmem>>, %arg8: memref<1x384xf32, #tpu.memory_space<vmem>>, %arg9: memref<1x384xf32, #tpu.memory_space<vmem>>, %arg10: memref<128x128xf32, #tpu.memory_space<vmem>>, %arg11: memref<2048x128xf32, #tpu.memory_space<vmem>>, %arg12: memref<2048x128xf32, #tpu.memory_space<vmem>>) attributes {dimension_semantics = [#tpu.dimension_semantics<arbitrary>], iteration_bounds = array<i64: 5>, scalar_prefetch = 0 : i64, scratch_operands = 0 : i64, tpu.core_type = #tpu.core_type<tc>, window_params = [{transform_indices = @transform_0, window_bounds = array<i64: 2048, 128>}, {transform_indices = @transform_1, window_bounds = array<i64: 1, 2048, 128>}, {transform_indices = @transform_2, window_bounds = array<i64: 1, 2048, 128>}, {transform_indices = @transform_3, window_bounds = array<i64: 1, 16, 128>}, {transform_indices = @transform_4, window_bounds = array<i64: 1, 16, 128>}, {pipeline_mode = #tpu.pipeline_mode<synchronous>, transform_indices = @transform_5, window_bounds = array<i64: 128, 384>}, {pipeline_mode = #tpu.pipeline_mode<synchronous>, transform_indices = @transform_6, window_bounds = array<i64: 128, 384>}, {pipeline_mode = #tpu.pipeline_mode<synchronous>, transform_indices = @transform_7, window_bounds = array<i64: 1, 384>}, {pipeline_mode = #tpu.pipeline_mode<synchronous>, transform_indices = @transform_8, window_bounds = array<i64: 1, 384>}, {pipeline_mode = #tpu.pipeline_mode<synchronous>, transform_indices = @transform_9, window_bounds = array<i64: 128, 128>}, {transform_indices = @transform_10, window_bounds = array<i64: 2048, 128>}, {transform_indices = @transform_11, window_bounds = array<i64: 2048, 128>}]} {
    %get3A = arith.constant 0 : index
    %get3A_0 = arith.constant 0 : index
    %get3A_1 = arith.constant 0 : index
    %get3A_2 = vector.load %arg4[%get3A, %get3A_0, %get3A_1] : memref<1x16x128xf32, #tpu.memory_space<vmem>>, vector<1x16x128xf32>
    %get3A_3 = vector.shape_cast %get3A_2 : vector<1x16x128xf32> to vector<16x128xf32>
    %get3A_4 = arith.constant 0 : index
    %get3A_5 = arith.constant 0 : index
    %get3A_6 = arith.constant 0 : index
    %get3A_7 = vector.load %arg5[%get3A_4, %get3A_5, %get3A_6] : memref<1x16x128xf32, #tpu.memory_space<vmem>>, vector<1x16x128xf32>
    %get3A_8 = vector.shape_cast %get3A_7 : vector<1x16x128xf32> to vector<16x128xf32>
    %add3A = arith.addf %get3A_3, %get3A_8 : vector<16x128xf32>
    %max3A = arith.constant 1.000000e+00 : f32
    %max3A_9 = vector.broadcast %max3A : f32 to vector<16x128xf32>
    %max3A_10 = arith.maximumf %add3A, %max3A_9 : vector<16x128xf32>
    %get3A_11 = arith.constant 0 : index
    %get3A_12 = arith.constant 0 : index
    %get3A_13 = arith.constant 0 : index
    %get3A_14 = vector.load %arg2[%get3A_11, %get3A_12, %get3A_13] : memref<1x2048x128xf32, #tpu.memory_space<vmem>>, vector<1x2048x128xf32>
    %get3A_15 = vector.shape_cast %get3A_14 : vector<1x2048x128xf32> to vector<2048x128xf32>
    %get3A_16 = arith.constant 0 : index
    %get3A_17 = arith.constant 0 : index
    %get3A_18 = arith.constant 0 : index
    %get3A_19 = vector.load %arg3[%get3A_16, %get3A_17, %get3A_18] : memref<1x2048x128xf32, #tpu.memory_space<vmem>>, vector<1x2048x128xf32>
    %get3A_20 = vector.shape_cast %get3A_19 : vector<1x2048x128xf32> to vector<2048x128xf32>
    %add3A_21 = arith.addf %get3A_15, %get3A_20 : vector<2048x128xf32>
    %reshape3A = vector.shape_cast %add3A_21 : vector<2048x128xf32> to vector<16x128x128xf32>
    %broadcast_in_dim3A = vector.shape_cast %max3A_10 : vector<16x128xf32> to vector<16x128x1xf32>
    %div3A = vector.broadcast %broadcast_in_dim3A : vector<16x128x1xf32> to vector<16x128x128xf32>
    %div3A_22 = arith.divf %reshape3A, %div3A : vector<16x128x128xf32>
    %reshape3A_23 = vector.shape_cast %div3A_22 : vector<16x128x128xf32> to vector<2048x128xf32>
    %get3A_24 = arith.constant 0 : index
    %get3A_25 = arith.constant 0 : index
    %get3A_26 = vector.load %arg1[%get3A_24, %get3A_25] : memref<2048x128xf32, #tpu.memory_space<vmem>>, vector<2048x128xf32>
    %get3A_27 = arith.constant 0 : index
    %get3A_28 = arith.constant 0 : index
    %get3A_29 = vector.load %arg6[%get3A_27, %get3A_28] : memref<128x384xf32, #tpu.memory_space<vmem>>, vector<128x384xf32>
    %dot_general3A = arith.constant dense<0.000000e+00> : vector<2048x384xf32>
    %dot_general3A_30 = tpu.matmul %reshape3A_23, %get3A_29, %dot_general3A {dimension_numbers = #tpu.dot_dimension_numbers<[1], [0], [0], [1], [0, 0, 1, 1], [], []>, transpose_lhs_hint = false} : vector<2048x128xf32>, vector<128x384xf32>, vector<2048x384xf32> -> vector<2048x384xf32>
    %get3A_31 = arith.constant 0 : index
    %get3A_32 = arith.constant 0 : index
    %get3A_33 = vector.load %arg8[%get3A_31, %get3A_32] : memref<1x384xf32, #tpu.memory_space<vmem>>, vector<1x384xf32>
    %add3A_34 = vector.broadcast %get3A_33 : vector<1x384xf32> to vector<2048x384xf32>
    %add3A_35 = arith.addf %dot_general3A_30, %add3A_34 : vector<2048x384xf32>
    %get3A_36 = arith.constant 0 : index
    %get3A_37 = arith.constant 0 : index
    %get3A_38 = vector.load %arg7[%get3A_36, %get3A_37] : memref<128x384xf32, #tpu.memory_space<vmem>>, vector<128x384xf32>
    %dot_general3A_39 = arith.constant dense<0.000000e+00> : vector<2048x384xf32>
    %dot_general3A_40 = tpu.matmul %get3A_26, %get3A_38, %dot_general3A_39 {dimension_numbers = #tpu.dot_dimension_numbers<[1], [0], [0], [1], [0, 0, 1, 1], [], []>, transpose_lhs_hint = false} : vector<2048x128xf32>, vector<128x384xf32>, vector<2048x384xf32> -> vector<2048x384xf32>
    %get3A_41 = arith.constant 0 : index
    %get3A_42 = arith.constant 0 : index
    %get3A_43 = vector.load %arg9[%get3A_41, %get3A_42] : memref<1x384xf32, #tpu.memory_space<vmem>>, vector<1x384xf32>
    %add3A_44 = vector.broadcast %get3A_43 : vector<1x384xf32> to vector<2048x384xf32>
    %add3A_45 = arith.addf %dot_general3A_40, %add3A_44 : vector<2048x384xf32>
    %slice3A = vector.extract_strided_slice %add3A_35 {offsets = [0, 0], sizes = [2048, 128], strides = [1, 1]} : vector<2048x384xf32> to vector<2048x128xf32>
    %slice3A_46 = vector.extract_strided_slice %add3A_45 {offsets = [0, 0], sizes = [2048, 128], strides = [1, 1]} : vector<2048x384xf32> to vector<2048x128xf32>
    %add3A_47 = arith.addf %slice3A, %slice3A_46 : vector<2048x128xf32>
    %logistic3A = arith.negf %add3A_47 : vector<2048x128xf32>
    %logistic3A_48 = math.exp %logistic3A : vector<2048x128xf32>
    %logistic3A_49 = arith.constant 1.000000e+00 : f32
    %logistic3A_50 = vector.broadcast %logistic3A_49 : f32 to vector<2048x128xf32>
    %logistic3A_51 = arith.addf %logistic3A_50, %logistic3A_48 : vector<2048x128xf32>
    %logistic3A_52 = arith.divf %logistic3A_50, %logistic3A_51 : vector<2048x128xf32>
    %slice3A_53 = vector.extract_strided_slice %add3A_35 {offsets = [0, 128], sizes = [2048, 128], strides = [1, 1]} : vector<2048x384xf32> to vector<2048x128xf32>
    %slice3A_54 = vector.extract_strided_slice %add3A_45 {offsets = [0, 128], sizes = [2048, 128], strides = [1, 1]} : vector<2048x384xf32> to vector<2048x128xf32>
    %add3A_55 = arith.addf %slice3A_53, %slice3A_54 : vector<2048x128xf32>
    %logistic3A_56 = arith.negf %add3A_55 : vector<2048x128xf32>
    %logistic3A_57 = math.exp %logistic3A_56 : vector<2048x128xf32>
    %logistic3A_58 = arith.constant 1.000000e+00 : f32
    %logistic3A_59 = vector.broadcast %logistic3A_58 : f32 to vector<2048x128xf32>
    %logistic3A_60 = arith.addf %logistic3A_59, %logistic3A_57 : vector<2048x128xf32>
    %logistic3A_61 = arith.divf %logistic3A_59, %logistic3A_60 : vector<2048x128xf32>
    %slice3A_62 = vector.extract_strided_slice %add3A_35 {offsets = [0, 256], sizes = [2048, 128], strides = [1, 1]} : vector<2048x384xf32> to vector<2048x128xf32>
    %slice3A_63 = vector.extract_strided_slice %add3A_45 {offsets = [0, 256], sizes = [2048, 128], strides = [1, 1]} : vector<2048x384xf32> to vector<2048x128xf32>
    %mul3A = arith.mulf %logistic3A_52, %slice3A_63 : vector<2048x128xf32>
    %add3A_64 = arith.addf %slice3A_62, %mul3A : vector<2048x128xf32>
    %tanh3A = math.tanh %add3A_64 : vector<2048x128xf32>
    %sub3A = arith.constant 1.000000e+00 : f32
    %sub3A_65 = vector.broadcast %sub3A : f32 to vector<2048x128xf32>
    %sub3A_66 = arith.subf %sub3A_65, %logistic3A_61 : vector<2048x128xf32>
    %mul3A_67 = arith.mulf %sub3A_66, %tanh3A : vector<2048x128xf32>
    %mul3A_68 = arith.mulf %logistic3A_61, %get3A_26 : vector<2048x128xf32>
    %add3A_69 = arith.addf %mul3A_67, %mul3A_68 : vector<2048x128xf32>
    %swap3A = arith.constant 0 : index
    %swap3A_70 = arith.constant 0 : index
    %swap3A_71 = vector.load %arg11[%swap3A, %swap3A_70] : memref<2048x128xf32, #tpu.memory_space<vmem>>, vector<2048x128xf32>
    tpu.vector_store %arg11[%swap3A, %swap3A_70], %add3A_69 {strides = array<i32>} : memref<2048x128xf32, #tpu.memory_space<vmem>>, vector<2048x128xf32>,
    %get3A_72 = arith.constant 0 : index
    %get3A_73 = arith.constant 0 : index
    %get3A_74 = vector.load %arg10[%get3A_72, %get3A_73] : memref<128x128xf32, #tpu.memory_space<vmem>>, vector<128x128xf32>
    %dot_general3A_75 = arith.constant dense<0.000000e+00> : vector<2048x128xf32>
    %dot_general3A_76 = tpu.matmul %add3A_69, %get3A_74, %dot_general3A_75 {dimension_numbers = #tpu.dot_dimension_numbers<[1], [0], [0], [1], [0, 0, 1, 1], [], []>, transpose_lhs_hint = false} : vector<2048x128xf32>, vector<128x128xf32>, vector<2048x128xf32> -> vector<2048x128xf32>
    %swap3A_77 = arith.constant 0 : index
    %swap3A_78 = arith.constant 0 : index
    %swap3A_79 = vector.load %arg12[%swap3A_77, %swap3A_78] : memref<2048x128xf32, #tpu.memory_space<vmem>>, vector<2048x128xf32>
    tpu.vector_store %arg12[%swap3A_77, %swap3A_78], %dot_general3A_76 {strides = array<i32>} : memref<2048x128xf32, #tpu.memory_space<vmem>>, vector<2048x128xf32>,
    return
  }
  func.func @transform_0(%arg0: i32) -> (i32, i32) {
    %c0_i32 = arith.constant 0 : i32
    %c0_i32_0 = arith.constant 0 : i32
    return %arg0, %c0_i32 : i32, i32
  }
  func.func @transform_1(%arg0: i32) -> (i32, i32, i32) {
    %c0_i32 = arith.constant 0 : i32
    %c0_i32_0 = arith.constant 0 : i32
    %c0_i32_1 = arith.constant 0 : i32
    return %c0_i32, %arg0, %c0_i32_0 : i32, i32, i32
  }
  func.func @transform_2(%arg0: i32) -> (i32, i32, i32) {
    %c1_i32 = arith.constant 1 : i32
    %c0_i32 = arith.constant 0 : i32
    %c0_i32_0 = arith.constant 0 : i32
    return %c1_i32, %arg0, %c0_i32 : i32, i32, i32
  }
  func.func @transform_3(%arg0: i32) -> (i32, i32, i32) {
    %c0_i32 = arith.constant 0 : i32
    %c0_i32_0 = arith.constant 0 : i32
    %c0_i32_1 = arith.constant 0 : i32
    return %c0_i32, %arg0, %c0_i32_0 : i32, i32, i32
  }
  func.func @transform_4(%arg0: i32) -> (i32, i32, i32) {
    %c1_i32 = arith.constant 1 : i32
    %c0_i32 = arith.constant 0 : i32
    %c0_i32_0 = arith.constant 0 : i32
    return %c1_i32, %arg0, %c0_i32 : i32, i32, i32
  }
  func.func @transform_5(%arg0: i32) -> (i32, i32) {
    %c0_i32 = arith.constant 0 : i32
    %c0_i32_0 = arith.constant 0 : i32
    %c0_i32_1 = arith.constant 0 : i32
    return %c0_i32, %c0_i32_0 : i32, i32
  }
  func.func @transform_6(%arg0: i32) -> (i32, i32) {
    %c0_i32 = arith.constant 0 : i32
    %c0_i32_0 = arith.constant 0 : i32
    %c0_i32_1 = arith.constant 0 : i32
    return %c0_i32, %c0_i32_0 : i32, i32
  }
  func.func @transform_7(%arg0: i32) -> (i32, i32) {
    %c0_i32 = arith.constant 0 : i32
    %c0_i32_0 = arith.constant 0 : i32
    %c0_i32_1 = arith.constant 0 : i32
    return %c0_i32, %c0_i32_0 : i32, i32
  }
  func.func @transform_8(%arg0: i32) -> (i32, i32) {
    %c0_i32 = arith.constant 0 : i32
    %c0_i32_0 = arith.constant 0 : i32
    %c0_i32_1 = arith.constant 0 : i32
    return %c0_i32, %c0_i32_0 : i32, i32
  }
  func.func @transform_9(%arg0: i32) -> (i32, i32) {
    %c0_i32 = arith.constant 0 : i32
    %c0_i32_0 = arith.constant 0 : i32
    %c0_i32_1 = arith.constant 0 : i32
    return %c0_i32, %c0_i32_0 : i32, i32
  }
  func.func @transform_10(%arg0: i32) -> (i32, i32) {
    %c0_i32 = arith.constant 0 : i32
    %c0_i32_0 = arith.constant 0 : i32
    return %arg0, %c0_i32 : i32, i32
  }
  func.func @transform_11(%arg0: i32) -> (i32, i32) {
    %c0_i32 = arith.constant 0 : i32
    %c0_i32_0 = arith.constant 0 : i32
    return %arg0, %c0_i32 : i32, i32
  }
}

module attributes {stable_mosaic.version = 14 : i64} {
  func.func @_gru_body(%arg0: i32, %arg1: memref<2048x128xf32, #tpu.memory_space<vmem>>, %arg2: memref<1x2048x128xf32, #tpu.memory_space<vmem>>, %arg3: memref<1x2048x128xf32, #tpu.memory_space<vmem>>, %arg4: memref<1x16x128xf32, #tpu.memory_space<vmem>>, %arg5: memref<1x16x128xf32, #tpu.memory_space<vmem>>, %arg6: memref<128x384xf32, #tpu.memory_space<vmem>>, %arg7: memref<128x384xf32, #tpu.memory_space<vmem>>, %arg8: memref<1x384xf32, #tpu.memory_space<vmem>>, %arg9: memref<1x384xf32, #tpu.memory_space<vmem>>, %arg10: memref<128x128xf32, #tpu.memory_space<vmem>>, %arg11: memref<2048x128xf32, #tpu.memory_space<vmem>>, %arg12: memref<2048x128xf32, #tpu.memory_space<vmem>>) attributes {dimension_semantics = [#tpu.dimension_semantics<arbitrary>], iteration_bounds = array<i64: 5>, scalar_prefetch = 0 : i64, scratch_operands = 0 : i64, tpu.core_type = #tpu.core_type<tc>, window_params = [{transform_indices = @transform_0, window_bounds = array<i64: 2048, 128>}, {transform_indices = @transform_1, window_bounds = array<i64: 1, 2048, 128>}, {transform_indices = @transform_2, window_bounds = array<i64: 1, 2048, 128>}, {transform_indices = @transform_3, window_bounds = array<i64: 1, 16, 128>}, {transform_indices = @transform_4, window_bounds = array<i64: 1, 16, 128>}, {pipeline_mode = #tpu.pipeline_mode<synchronous>, transform_indices = @transform_5, window_bounds = array<i64: 128, 384>}, {pipeline_mode = #tpu.pipeline_mode<synchronous>, transform_indices = @transform_6, window_bounds = array<i64: 128, 384>}, {pipeline_mode = #tpu.pipeline_mode<synchronous>, transform_indices = @transform_7, window_bounds = array<i64: 1, 384>}, {pipeline_mode = #tpu.pipeline_mode<synchronous>, transform_indices = @transform_8, window_bounds = array<i64: 1, 384>}, {pipeline_mode = #tpu.pipeline_mode<synchronous>, transform_indices = @transform_9, window_bounds = array<i64: 128, 128>}, {transform_indices = @transform_10, window_bounds = array<i64: 2048, 128>}, {transform_indices = @transform_11, window_bounds = array<i64: 2048, 128>}]} {
    %get3A = arith.constant 0 : index
    %get3A_0 = arith.constant 0 : index
    %get3A_1 = arith.constant 0 : index
    %get3A_2 = vector.load %arg4[%get3A, %get3A_0, %get3A_1] : memref<1x16x128xf32, #tpu.memory_space<vmem>>, vector<1x16x128xf32>
    %get3A_3 = vector.shape_cast %get3A_2 : vector<1x16x128xf32> to vector<16x128xf32>
    %get3A_4 = arith.constant 0 : index
    %get3A_5 = arith.constant 0 : index
    %get3A_6 = arith.constant 0 : index
    %get3A_7 = vector.load %arg5[%get3A_4, %get3A_5, %get3A_6] : memref<1x16x128xf32, #tpu.memory_space<vmem>>, vector<1x16x128xf32>
    %get3A_8 = vector.shape_cast %get3A_7 : vector<1x16x128xf32> to vector<16x128xf32>
    %add3A = arith.addf %get3A_3, %get3A_8 : vector<16x128xf32>
    %max3A = arith.constant 1.000000e+00 : f32
    %max3A_9 = vector.broadcast %max3A : f32 to vector<16x128xf32>
    %max3A_10 = arith.maximumf %add3A, %max3A_9 : vector<16x128xf32>
    %get3A_11 = arith.constant 0 : index
    %get3A_12 = arith.constant 0 : index
    %get3A_13 = arith.constant 0 : index
    %get3A_14 = vector.load %arg2[%get3A_11, %get3A_12, %get3A_13] : memref<1x2048x128xf32, #tpu.memory_space<vmem>>, vector<1x2048x128xf32>
    %get3A_15 = vector.shape_cast %get3A_14 : vector<1x2048x128xf32> to vector<2048x128xf32>
    %get3A_16 = arith.constant 0 : index
    %get3A_17 = arith.constant 0 : index
    %get3A_18 = arith.constant 0 : index
    %get3A_19 = vector.load %arg3[%get3A_16, %get3A_17, %get3A_18] : memref<1x2048x128xf32, #tpu.memory_space<vmem>>, vector<1x2048x128xf32>
    %get3A_20 = vector.shape_cast %get3A_19 : vector<1x2048x128xf32> to vector<2048x128xf32>
    %add3A_21 = arith.addf %get3A_15, %get3A_20 : vector<2048x128xf32>
    %reshape3A = vector.shape_cast %add3A_21 : vector<2048x128xf32> to vector<16x128x128xf32>
    %broadcast_in_dim3A = vector.shape_cast %max3A_10 : vector<16x128xf32> to vector<16x128x1xf32>
    %div3A = vector.broadcast %broadcast_in_dim3A : vector<16x128x1xf32> to vector<16x128x128xf32>
    %div3A_22 = arith.divf %reshape3A, %div3A : vector<16x128x128xf32>
    %reshape3A_23 = vector.shape_cast %div3A_22 : vector<16x128x128xf32> to vector<2048x128xf32>
    %get3A_24 = arith.constant 0 : index
    %get3A_25 = arith.constant 0 : index
    %get3A_26 = vector.load %arg1[%get3A_24, %get3A_25] : memref<2048x128xf32, #tpu.memory_space<vmem>>, vector<2048x128xf32>
    %get3A_27 = arith.constant 0 : index
    %get3A_28 = arith.constant 0 : index
    %get3A_29 = vector.load %arg6[%get3A_27, %get3A_28] : memref<128x384xf32, #tpu.memory_space<vmem>>, vector<128x384xf32>
    %dot_general3A = arith.constant dense<0.000000e+00> : vector<2048x384xf32>
    %dot_general3A_30 = tpu.matmul %reshape3A_23, %get3A_29, %dot_general3A {dimension_numbers = #tpu.dot_dimension_numbers<[1], [0], [0], [1], [0, 0, 1, 1], [], []>, transpose_lhs_hint = false} : vector<2048x128xf32>, vector<128x384xf32>, vector<2048x384xf32> -> vector<2048x384xf32>
    %get3A_31 = arith.constant 0 : index
    %get3A_32 = arith.constant 0 : index
    %get3A_33 = vector.load %arg8[%get3A_31, %get3A_32] : memref<1x384xf32, #tpu.memory_space<vmem>>, vector<1x384xf32>
    %add3A_34 = vector.broadcast %get3A_33 : vector<1x384xf32> to vector<2048x384xf32>
    %add3A_35 = arith.addf %dot_general3A_30, %add3A_34 : vector<2048x384xf32>
    %get3A_36 = arith.constant 0 : index
    %get3A_37 = arith.constant 0 : index
    %get3A_38 = vector.load %arg7[%get3A_36, %get3A_37] : memref<128x384xf32, #tpu.memory_space<vmem>>, vector<128x384xf32>
    %dot_general3A_39 = arith.constant dense<0.000000e+00> : vector<2048x384xf32>
    %dot_general3A_40 = tpu.matmul %get3A_26, %get3A_38, %dot_general3A_39 {dimension_numbers = #tpu.dot_dimension_numbers<[1], [0], [0], [1], [0, 0, 1, 1], [], []>, transpose_lhs_hint = false} : vector<2048x128xf32>, vector<128x384xf32>, vector<2048x384xf32> -> vector<2048x384xf32>
    %get3A_41 = arith.constant 0 : index
    %get3A_42 = arith.constant 0 : index
    %get3A_43 = vector.load %arg9[%get3A_41, %get3A_42] : memref<1x384xf32, #tpu.memory_space<vmem>>, vector<1x384xf32>
    %add3A_44 = vector.broadcast %get3A_43 : vector<1x384xf32> to vector<2048x384xf32>
    %add3A_45 = arith.addf %dot_general3A_40, %add3A_44 : vector<2048x384xf32>
    %slice3A = vector.extract_strided_slice %add3A_35 {offsets = [0, 0], sizes = [2048, 128], strides = [1, 1]} : vector<2048x384xf32> to vector<2048x128xf32>
    %slice3A_46 = vector.extract_strided_slice %add3A_45 {offsets = [0, 0], sizes = [2048, 128], strides = [1, 1]} : vector<2048x384xf32> to vector<2048x128xf32>
    %add3A_47 = arith.addf %slice3A, %slice3A_46 : vector<2048x128xf32>
    %logistic3A = arith.negf %add3A_47 : vector<2048x128xf32>
    %logistic3A_48 = math.exp %logistic3A : vector<2048x128xf32>
    %logistic3A_49 = arith.constant 1.000000e+00 : f32
    %logistic3A_50 = vector.broadcast %logistic3A_49 : f32 to vector<2048x128xf32>
    %logistic3A_51 = arith.addf %logistic3A_50, %logistic3A_48 : vector<2048x128xf32>
    %logistic3A_52 = arith.divf %logistic3A_50, %logistic3A_51 : vector<2048x128xf32>
    %slice3A_53 = vector.extract_strided_slice %add3A_35 {offsets = [0, 128], sizes = [2048, 128], strides = [1, 1]} : vector<2048x384xf32> to vector<2048x128xf32>
    %slice3A_54 = vector.extract_strided_slice %add3A_45 {offsets = [0, 128], sizes = [2048, 128], strides = [1, 1]} : vector<2048x384xf32> to vector<2048x128xf32>
    %add3A_55 = arith.addf %slice3A_53, %slice3A_54 : vector<2048x128xf32>
    %logistic3A_56 = arith.negf %add3A_55 : vector<2048x128xf32>
    %logistic3A_57 = math.exp %logistic3A_56 : vector<2048x128xf32>
    %logistic3A_58 = arith.constant 1.000000e+00 : f32
    %logistic3A_59 = vector.broadcast %logistic3A_58 : f32 to vector<2048x128xf32>
    %logistic3A_60 = arith.addf %logistic3A_59, %logistic3A_57 : vector<2048x128xf32>
    %logistic3A_61 = arith.divf %logistic3A_59, %logistic3A_60 : vector<2048x128xf32>
    %slice3A_62 = vector.extract_strided_slice %add3A_35 {offsets = [0, 256], sizes = [2048, 128], strides = [1, 1]} : vector<2048x384xf32> to vector<2048x128xf32>
    %slice3A_63 = vector.extract_strided_slice %add3A_45 {offsets = [0, 256], sizes = [2048, 128], strides = [1, 1]} : vector<2048x384xf32> to vector<2048x128xf32>
    %mul3A = arith.mulf %logistic3A_52, %slice3A_63 : vector<2048x128xf32>
    %add3A_64 = arith.addf %slice3A_62, %mul3A : vector<2048x128xf32>
    %tanh3A = math.tanh %add3A_64 : vector<2048x128xf32>
    %sub3A = arith.constant 1.000000e+00 : f32
    %sub3A_65 = vector.broadcast %sub3A : f32 to vector<2048x128xf32>
    %sub3A_66 = arith.subf %sub3A_65, %logistic3A_61 : vector<2048x128xf32>
    %mul3A_67 = arith.mulf %sub3A_66, %tanh3A : vector<2048x128xf32>
    %mul3A_68 = arith.mulf %logistic3A_61, %get3A_26 : vector<2048x128xf32>
    %add3A_69 = arith.addf %mul3A_67, %mul3A_68 : vector<2048x128xf32>
    %swap3A = arith.constant 0 : index
    %swap3A_70 = arith.constant 0 : index
    %swap3A_71 = vector.load %arg11[%swap3A, %swap3A_70] : memref<2048x128xf32, #tpu.memory_space<vmem>>, vector<2048x128xf32>
    tpu.vector_store %arg11[%swap3A, %swap3A_70], %add3A_69 {strides = array<i32>} : memref<2048x128xf32, #tpu.memory_space<vmem>>, vector<2048x128xf32>,
    %get3A_72 = arith.constant 0 : index
    %get3A_73 = arith.constant 0 : index
    %get3A_74 = vector.load %arg10[%get3A_72, %get3A_73] : memref<128x128xf32, #tpu.memory_space<vmem>>, vector<128x128xf32>
    %dot_general3A_75 = arith.constant dense<0.000000e+00> : vector<2048x128xf32>
    %dot_general3A_76 = tpu.matmul %add3A_69, %get3A_74, %dot_general3A_75 {dimension_numbers = #tpu.dot_dimension_numbers<[1], [0], [0], [1], [0, 0, 1, 1], [], []>, transpose_lhs_hint = false} : vector<2048x128xf32>, vector<128x128xf32>, vector<2048x128xf32> -> vector<2048x128xf32>
    %swap3A_77 = arith.constant 0 : index
    %swap3A_78 = arith.constant 0 : index
    %swap3A_79 = vector.load %arg12[%swap3A_77, %swap3A_78] : memref<2048x128xf32, #tpu.memory_space<vmem>>, vector<2048x128xf32>
    tpu.vector_store %arg12[%swap3A_77, %swap3A_78], %dot_general3A_76 {strides = array<i32>} : memref<2048x128xf32, #tpu.memory_space<vmem>>, vector<2048x128xf32>,
    return
  }
  func.func @transform_0(%arg0: i32) -> (i32, i32) {
    %c0_i32 = arith.constant 0 : i32
    %c0_i32_0 = arith.constant 0 : i32
    return %arg0, %c0_i32 : i32, i32
  }
  func.func @transform_1(%arg0: i32) -> (i32, i32, i32) {
    %c0_i32 = arith.constant 0 : i32
    %c0_i32_0 = arith.constant 0 : i32
    %c0_i32_1 = arith.constant 0 : i32
    return %c0_i32, %arg0, %c0_i32_0 : i32, i32, i32
  }
  func.func @transform_2(%arg0: i32) -> (i32, i32, i32) {
    %c1_i32 = arith.constant 1 : i32
    %c0_i32 = arith.constant 0 : i32
    %c0_i32_0 = arith.constant 0 : i32
    return %c1_i32, %arg0, %c0_i32 : i32, i32, i32
  }
  func.func @transform_3(%arg0: i32) -> (i32, i32, i32) {
    %c0_i32 = arith.constant 0 : i32
    %c0_i32_0 = arith.constant 0 : i32
    %c0_i32_1 = arith.constant 0 : i32
    return %c0_i32, %arg0, %c0_i32_0 : i32, i32, i32
  }
  func.func @transform_4(%arg0: i32) -> (i32, i32, i32) {
    %c1_i32 = arith.constant 1 : i32
    %c0_i32 = arith.constant 0 : i32
    %c0_i32_0 = arith.constant 0 : i32
    return %c1_i32, %arg0, %c0_i32 : i32, i32, i32
  }
  func.func @transform_5(%arg0: i32) -> (i32, i32) {
    %c0_i32 = arith.constant 0 : i32
    %c0_i32_0 = arith.constant 0 : i32
    %c0_i32_1 = arith.constant 0 : i32
    return %c0_i32, %c0_i32_0 : i32, i32
  }
  func.func @transform_6(%arg0: i32) -> (i32, i32) {
    %c0_i32 = arith.constant 0 : i32
    %c0_i32_0 = arith.constant 0 : i32
    %c0_i32_1 = arith.constant 0 : i32
    return %c0_i32, %c0_i32_0 : i32, i32
  }
  func.func @transform_7(%arg0: i32) -> (i32, i32) {
    %c0_i32 = arith.constant 0 : i32
    %c0_i32_0 = arith.constant 0 : i32
    %c0_i32_1 = arith.constant 0 : i32
    return %c0_i32, %c0_i32_0 : i32, i32
  }
  func.func @transform_8(%arg0: i32) -> (i32, i32) {
    %c0_i32 = arith.constant 0 : i32
    %c0_i32_0 = arith.constant 0 : i32
    %c0_i32_1 = arith.constant 0 : i32
    return %c0_i32, %c0_i32_0 : i32, i32
  }
  func.func @transform_9(%arg0: i32) -> (i32, i32) {
    %c0_i32 = arith.constant 0 : i32
    %c0_i32_0 = arith.constant 0 : i32
    %c0_i32_1 = arith.constant 0 : i32
    return %c0_i32, %c0_i32_0 : i32, i32
  }
  func.func @transform_10(%arg0: i32) -> (i32, i32) {
    %c0_i32 = arith.constant 0 : i32
    %c0_i32_0 = arith.constant 0 : i32
    return %arg0, %c0_i32 : i32, i32
  }
  func.func @transform_11(%arg0: i32) -> (i32, i32) {
    %c0_i32 = arith.constant 0 : i32
    %c0_i32_0 = arith.constant 0 : i32
    return %arg0, %c0_i32 : i32, i32
  }
}

module attributes {stable_mosaic.version = 14 : i64} {
  func.func @_s2s_body(%arg0: memref<10240x128xf32, #tpu.memory_space<vmem>>, %arg1: memref<10240x1xi32, #tpu.memory_space<vmem>>, %arg2: memref<256x512xf32, #tpu.memory_space<vmem>>, %arg3: memref<128x512xf32, #tpu.memory_space<vmem>>, %arg4: memref<1x512xf32, #tpu.memory_space<vmem>>, %arg5: memref<256x128xf32, #tpu.memory_space<vmem>>, %arg6: memref<1x128xf32, #tpu.memory_space<vmem>>, %arg7: memref<128x128xf32, #tpu.memory_space<vmem>>, %arg8: memref<1x128xf32, #tpu.memory_space<vmem>>, %arg9: memref<128x128xf32, #tpu.memory_space<vmem>>, %arg10: memref<1x128xf32, #tpu.memory_space<vmem>>, %arg11: memref<64x128xf32, #tpu.memory_space<vmem>>) attributes {dimension_semantics = [], scalar_prefetch = 0 : i64, scratch_operands = 0 : i64, tpu.core_type = #tpu.core_type<tc>} {
    %get3A = arith.constant 0 : index
    %get3A_0 = arith.constant 0 : index
    %get3A_1 = vector.load %arg0[%get3A, %get3A_0] : memref<10240x128xf32, #tpu.memory_space<vmem>>, vector<10240x128xf32>
    %get3A_2 = arith.constant 0 : index
    %get3A_3 = arith.constant 0 : index
    %get3A_4 = vector.load %arg1[%get3A_2, %get3A_3] : memref<10240x1xi32, #tpu.memory_space<vmem>>, vector<10240x1xi32>
    %iota3A = tpu.iota {dimensions = array<i32: 1>} : vector<1x64xi32>
    %eq3A = vector.broadcast %get3A_4 : vector<10240x1xi32> to vector<10240x64xi32>
    %eq3A_5 = vector.broadcast %iota3A : vector<1x64xi32> to vector<10240x64xi32>
    %eq3A_6 = arith.cmpi eq, %eq3A, %eq3A_5 : vector<10240x64xi32>
    %convert_element_type3A = arith.extui %eq3A_6 : vector<10240x64xi1> to vector<10240x64xi32>
    %convert_element_type3A_7 = arith.sitofp %convert_element_type3A : vector<10240x64xi32> to vector<10240x64xf32>
    %broadcast_in_dim3A = arith.constant 0.000000e+00 : f32
    %broadcast_in_dim3A_8 = vector.broadcast %broadcast_in_dim3A : f32 to vector<64x256xf32>
    %broadcast_in_dim3A_9 = arith.constant 0.000000e+00 : f32
    %broadcast_in_dim3A_10 = vector.broadcast %broadcast_in_dim3A_9 : f32 to vector<64x128xf32>
    %broadcast_in_dim3A_11 = arith.constant 0.000000e+00 : f32
    %broadcast_in_dim3A_12 = vector.broadcast %broadcast_in_dim3A_11 : f32 to vector<64x128xf32>
    %scan3A = arith.constant 0 : i32
    %scan3A_13 = arith.constant 6 : i32
    %scan3A_14 = arith.addi %scan3A, %scan3A_13 : i32
    %scan3A_15 = arith.constant 1 : i32
    %scan3A_16:3 = scf.for %scan3A_52 = %scan3A to %scan3A_14 step %scan3A_15 iter_args(%scan3A_53 = %broadcast_in_dim3A_8, %scan3A_54 = %broadcast_in_dim3A_10, %scan3A_55 = %broadcast_in_dim3A_12) -> (vector<64x256xf32>, vector<64x128xf32>, vector<64x128xf32>)  : i32 {
      %get3A_56 = arith.constant 0 : index
      %get3A_57 = arith.constant 0 : index
      %get3A_58 = vector.load %arg2[%get3A_56, %get3A_57] : memref<256x512xf32, #tpu.memory_space<vmem>>, vector<256x512xf32>
      %dot_general3A_59 = arith.constant dense<0.000000e+00> : vector<64x512xf32>
      %dot_general3A_60 = tpu.matmul %scan3A_53, %get3A_58, %dot_general3A_59 {dimension_numbers = #tpu.dot_dimension_numbers<[1], [0], [0], [1], [0, 0, 1, 1], [], []>, transpose_lhs_hint = false} : vector<64x256xf32>, vector<256x512xf32>, vector<64x512xf32> -> vector<64x512xf32>
      %get3A_61 = arith.constant 0 : index
      %get3A_62 = arith.constant 0 : index
      %get3A_63 = vector.load %arg3[%get3A_61, %get3A_62] : memref<128x512xf32, #tpu.memory_space<vmem>>, vector<128x512xf32>
      %dot_general3A_64 = arith.constant dense<0.000000e+00> : vector<64x512xf32>
      %dot_general3A_65 = tpu.matmul %scan3A_54, %get3A_63, %dot_general3A_64 {dimension_numbers = #tpu.dot_dimension_numbers<[1], [0], [0], [1], [0, 0, 1, 1], [], []>, transpose_lhs_hint = false} : vector<64x128xf32>, vector<128x512xf32>, vector<64x512xf32> -> vector<64x512xf32>
      %add3A_66 = arith.addf %dot_general3A_60, %dot_general3A_65 : vector<64x512xf32>
      %get3A_67 = arith.constant 0 : index
      %get3A_68 = arith.constant 0 : index
      %get3A_69 = vector.load %arg4[%get3A_67, %get3A_68] : memref<1x512xf32, #tpu.memory_space<vmem>>, vector<1x512xf32>
      %add3A_70 = vector.broadcast %get3A_69 : vector<1x512xf32> to vector<64x512xf32>
      %add3A_71 = arith.addf %add3A_66, %add3A_70 : vector<64x512xf32>
      %slice3A = vector.extract_strided_slice %add3A_71 {offsets = [0, 0], sizes = [64, 128], strides = [1, 1]} : vector<64x512xf32> to vector<64x128xf32>
      %logistic3A = arith.negf %slice3A : vector<64x128xf32>
      %logistic3A_72 = math.exp %logistic3A : vector<64x128xf32>
      %logistic3A_73 = arith.constant 1.000000e+00 : f32
      %logistic3A_74 = vector.broadcast %logistic3A_73 : f32 to vector<64x128xf32>
      %logistic3A_75 = arith.addf %logistic3A_74, %logistic3A_72 : vector<64x128xf32>
      %logistic3A_76 = arith.divf %logistic3A_74, %logistic3A_75 : vector<64x128xf32>
      %slice3A_77 = vector.extract_strided_slice %add3A_71 {offsets = [0, 128], sizes = [64, 128], strides = [1, 1]} : vector<64x512xf32> to vector<64x128xf32>
      %logistic3A_78 = arith.negf %slice3A_77 : vector<64x128xf32>
      %logistic3A_79 = math.exp %logistic3A_78 : vector<64x128xf32>
      %logistic3A_80 = arith.constant 1.000000e+00 : f32
      %logistic3A_81 = vector.broadcast %logistic3A_80 : f32 to vector<64x128xf32>
      %logistic3A_82 = arith.addf %logistic3A_81, %logistic3A_79 : vector<64x128xf32>
      %logistic3A_83 = arith.divf %logistic3A_81, %logistic3A_82 : vector<64x128xf32>
      %slice3A_84 = vector.extract_strided_slice %add3A_71 {offsets = [0, 256], sizes = [64, 128], strides = [1, 1]} : vector<64x512xf32> to vector<64x128xf32>
      %tanh3A = math.tanh %slice3A_84 : vector<64x128xf32>
      %slice3A_85 = vector.extract_strided_slice %add3A_71 {offsets = [0, 384], sizes = [64, 128], strides = [1, 1]} : vector<64x512xf32> to vector<64x128xf32>
      %logistic3A_86 = arith.negf %slice3A_85 : vector<64x128xf32>
      %logistic3A_87 = math.exp %logistic3A_86 : vector<64x128xf32>
      %logistic3A_88 = arith.constant 1.000000e+00 : f32
      %logistic3A_89 = vector.broadcast %logistic3A_88 : f32 to vector<64x128xf32>
      %logistic3A_90 = arith.addf %logistic3A_89, %logistic3A_87 : vector<64x128xf32>
      %logistic3A_91 = arith.divf %logistic3A_89, %logistic3A_90 : vector<64x128xf32>
      %mul3A = arith.mulf %logistic3A_83, %scan3A_55 : vector<64x128xf32>
      %mul3A_92 = arith.mulf %logistic3A_76, %tanh3A : vector<64x128xf32>
      %add3A_93 = arith.addf %mul3A, %mul3A_92 : vector<64x128xf32>
      %tanh3A_94 = math.tanh %add3A_93 : vector<64x128xf32>
      %mul3A_95 = arith.mulf %logistic3A_91, %tanh3A_94 : vector<64x128xf32>
      %dot_general3A_96 = arith.constant dense<0.000000e+00> : vector<10240x128xf32>
      %dot_general3A_97 = tpu.matmul %convert_element_type3A_7, %mul3A_95, %dot_general3A_96 {dimension_numbers = #tpu.dot_dimension_numbers<[1], [0], [0], [1], [0, 0, 1, 1], [], []>, precision = #tpu.contract_precision<fp32>, transpose_lhs_hint = false} : vector<10240x64xf32>, vector<64x128xf32>, vector<10240x128xf32> -> vector<10240x128xf32>
      %mul3A_98 = arith.mulf %get3A_1, %dot_general3A_97 : vector<10240x128xf32>
      %reduce_sum3A = arith.constant dense<0.000000e+00> : vector<10240xf32>
      %reduce_sum3A_99 = vector.multi_reduction <add>, %mul3A_98, %reduce_sum3A [1] : vector<10240x128xf32> to vector<10240xf32>
      %broadcast_in_dim3A_100 = vector.shape_cast %reduce_sum3A_99 : vector<10240xf32> to vector<10240x1xf32>
      %gt3A = arith.constant 0.000000e+00 : f32
      %gt3A_101 = vector.broadcast %gt3A : f32 to vector<10240x64xf32>
      %gt3A_102 = arith.cmpf ogt, %convert_element_type3A_7, %gt3A_101 : vector<10240x64xf32>
      %jit3A = arith.constant -1.000000e+30 : f32
      %broadcast_in_dim3A_103 = vector.shape_cast %broadcast_in_dim3A_100 : vector<10240x1xf32> to vector<10240x1xf32>
      %broadcast_in_dim3A_104 = vector.broadcast %broadcast_in_dim3A_103 : vector<10240x1xf32> to vector<10240x64xf32>
      %broadcast_in_dim3A_105 = vector.broadcast %jit3A : f32 to vector<10240x64xf32>
      %select_n3A = arith.select %gt3A_102, %broadcast_in_dim3A_104, %broadcast_in_dim3A_105 : vector<10240x64xi1>, vector<10240x64xf32>
      %reduce_max3A = arith.constant dense<0xFF800000> : vector<64xf32>
      %reduce_max3A_106 = vector.multi_reduction <maximumf>, %select_n3A, %reduce_max3A [0] : vector<10240x64xf32> to vector<64xf32>
      %broadcast_in_dim3A_107 = vector.shape_cast %reduce_max3A_106 : vector<64xf32> to vector<1x64xf32>
      %mul3A_108 = vector.broadcast %broadcast_in_dim3A_107 : vector<1x64xf32> to vector<10240x64xf32>
      %mul3A_109 = arith.mulf %convert_element_type3A_7, %mul3A_108 : vector<10240x64xf32>
      %reduce_sum3A_110 = arith.constant dense<0.000000e+00> : vector<10240xf32>
      %reduce_sum3A_111 = vector.multi_reduction <add>, %mul3A_109, %reduce_sum3A_110 [1] : vector<10240x64xf32> to vector<10240xf32>
      %broadcast_in_dim3A_112 = vector.shape_cast %reduce_sum3A_111 : vector<10240xf32> to vector<10240x1xf32>
      %sub3A = arith.subf %broadcast_in_dim3A_100, %broadcast_in_dim3A_112 : vector<10240x1xf32>
      %exp3A = math.exp %sub3A : vector<10240x1xf32>
      %mul3A_113 = vector.broadcast %exp3A : vector<10240x1xf32> to vector<10240x64xf32>
      %mul3A_114 = arith.mulf %convert_element_type3A_7, %mul3A_113 : vector<10240x64xf32>
      %reduce_sum3A_115 = arith.constant dense<0.000000e+00> : vector<64xf32>
      %reduce_sum3A_116 = vector.multi_reduction <add>, %mul3A_114, %reduce_sum3A_115 [0] : vector<10240x64xf32> to vector<64xf32>
      %broadcast_in_dim3A_117 = vector.shape_cast %reduce_sum3A_116 : vector<64xf32> to vector<1x64xf32>
      %mul3A_118 = vector.broadcast %broadcast_in_dim3A_117 : vector<1x64xf32> to vector<10240x64xf32>
      %mul3A_119 = arith.mulf %convert_element_type3A_7, %mul3A_118 : vector<10240x64xf32>
      %reduce_sum3A_120 = arith.constant dense<0.000000e+00> : vector<10240xf32>
      %reduce_sum3A_121 = vector.multi_reduction <add>, %mul3A_119, %reduce_sum3A_120 [1] : vector<10240x64xf32> to vector<10240xf32>
      %broadcast_in_dim3A_122 = vector.shape_cast %reduce_sum3A_121 : vector<10240xf32> to vector<10240x1xf32>
      %max3A_123 = arith.constant 1.000000e-30 : f32
      %max3A_124 = vector.broadcast %max3A_123 : f32 to vector<10240x1xf32>
      %max3A_125 = arith.maximumf %broadcast_in_dim3A_122, %max3A_124 : vector<10240x1xf32>
      %div3A = arith.divf %exp3A, %max3A_125 : vector<10240x1xf32>
      %mul3A_126 = vector.broadcast %div3A : vector<10240x1xf32> to vector<10240x64xf32>
      %mul3A_127 = arith.mulf %convert_element_type3A_7, %mul3A_126 : vector<10240x64xf32>
      %dot_general3A_128 = arith.constant dense<0.000000e+00> : vector<64x128xf32>
      %dot_general3A_129 = tpu.matmul %mul3A_127, %get3A_1, %dot_general3A_128 {dimension_numbers = #tpu.dot_dimension_numbers<[0], [0], [1], [1], [0, 1, 1, 1], [], []>, precision = #tpu.contract_precision<fp32>, transpose_lhs_hint = false} : vector<10240x64xf32>, vector<10240x128xf32>, vector<64x128xf32> -> vector<64x128xf32>
      %concatenate3A = tpu.concatenate %mul3A_95, %dot_general3A_129 in 1 : vector<64x128xf32>, vector<64x128xf32> -> vector<64x256xf32>
      scf.yield %concatenate3A, %mul3A_95, %add3A_93 : vector<64x256xf32>, vector<64x128xf32>, vector<64x128xf32>
    }
    %get3A_17 = arith.constant 0 : index
    %get3A_18 = arith.constant 0 : index
    %get3A_19 = vector.load %arg5[%get3A_17, %get3A_18] : memref<256x128xf32, #tpu.memory_space<vmem>>, vector<256x128xf32>
    %dot_general3A = arith.constant dense<0.000000e+00> : vector<64x128xf32>
    %dot_general3A_20 = tpu.matmul %scan3A_16#0, %get3A_19, %dot_general3A {dimension_numbers = #tpu.dot_dimension_numbers<[1], [0], [0], [1], [0, 0, 1, 1], [], []>, transpose_lhs_hint = false} : vector<64x256xf32>, vector<256x128xf32>, vector<64x128xf32> -> vector<64x128xf32>
    %get3A_21 = arith.constant 0 : index
    %get3A_22 = arith.constant 0 : index
    %get3A_23 = vector.load %arg6[%get3A_21, %get3A_22] : memref<1x128xf32, #tpu.memory_space<vmem>>, vector<1x128xf32>
    %add3A = vector.broadcast %get3A_23 : vector<1x128xf32> to vector<64x128xf32>
    %add3A_24 = arith.addf %dot_general3A_20, %add3A : vector<64x128xf32>
    %max3A = arith.constant 0.000000e+00 : f32
    %max3A_25 = vector.broadcast %max3A : f32 to vector<64x128xf32>
    %max3A_26 = arith.maximumf %add3A_24, %max3A_25 : vector<64x128xf32>
    %get3A_27 = arith.constant 0 : index
    %get3A_28 = arith.constant 0 : index
    %get3A_29 = vector.load %arg7[%get3A_27, %get3A_28] : memref<128x128xf32, #tpu.memory_space<vmem>>, vector<128x128xf32>
    %dot_general3A_30 = arith.constant dense<0.000000e+00> : vector<64x128xf32>
    %dot_general3A_31 = tpu.matmul %max3A_26, %get3A_29, %dot_general3A_30 {dimension_numbers = #tpu.dot_dimension_numbers<[1], [0], [0], [1], [0, 0, 1, 1], [], []>, transpose_lhs_hint = false} : vector<64x128xf32>, vector<128x128xf32>, vector<64x128xf32> -> vector<64x128xf32>
    %get3A_32 = arith.constant 0 : index
    %get3A_33 = arith.constant 0 : index
    %get3A_34 = vector.load %arg8[%get3A_32, %get3A_33] : memref<1x128xf32, #tpu.memory_space<vmem>>, vector<1x128xf32>
    %add3A_35 = vector.broadcast %get3A_34 : vector<1x128xf32> to vector<64x128xf32>
    %add3A_36 = arith.addf %dot_general3A_31, %add3A_35 : vector<64x128xf32>
    %max3A_37 = arith.constant 0.000000e+00 : f32
    %max3A_38 = vector.broadcast %max3A_37 : f32 to vector<64x128xf32>
    %max3A_39 = arith.maximumf %add3A_36, %max3A_38 : vector<64x128xf32>
    %get3A_40 = arith.constant 0 : index
    %get3A_41 = arith.constant 0 : index
    %get3A_42 = vector.load %arg9[%get3A_40, %get3A_41] : memref<128x128xf32, #tpu.memory_space<vmem>>, vector<128x128xf32>
    %dot_general3A_43 = arith.constant dense<0.000000e+00> : vector<64x128xf32>
    %dot_general3A_44 = tpu.matmul %max3A_39, %get3A_42, %dot_general3A_43 {dimension_numbers = #tpu.dot_dimension_numbers<[1], [0], [0], [1], [0, 0, 1, 1], [], []>, transpose_lhs_hint = false} : vector<64x128xf32>, vector<128x128xf32>, vector<64x128xf32> -> vector<64x128xf32>
    %get3A_45 = arith.constant 0 : index
    %get3A_46 = arith.constant 0 : index
    %get3A_47 = vector.load %arg10[%get3A_45, %get3A_46] : memref<1x128xf32, #tpu.memory_space<vmem>>, vector<1x128xf32>
    %add3A_48 = vector.broadcast %get3A_47 : vector<1x128xf32> to vector<64x128xf32>
    %add3A_49 = arith.addf %dot_general3A_44, %add3A_48 : vector<64x128xf32>
    %swap3A = arith.constant 0 : index
    %swap3A_50 = arith.constant 0 : index
    %swap3A_51 = vector.load %arg11[%swap3A, %swap3A_50] : memref<64x128xf32, #tpu.memory_space<vmem>>, vector<64x128xf32>
    tpu.vector_store %arg11[%swap3A, %swap3A_50], %add3A_49 {strides = array<i32>} : memref<64x128xf32, #tpu.memory_space<vmem>>, vector<64x128xf32>,
    return
  }
}

</mosaic_0001>

<sc_bundles>
// kernel: kernel.11.cloned.1.call-start
scs
__scs_entry_jumppad:
0x0: {  	(pc) =	sbr.rel $0x88, $3  }
0x1: {  	(tag) =	ssettag $0x0;
	lr =	simm.s32 $0x1  }
0x2: {  	[smem:$0x3F8C] =	sst lr;
	_ =	strace $0xD0000000  }
0x3: {  	_ = 	snop  }
0x4: {  	_ = 	snop  }
0x5: {  	_ = 	snop  }
0x6: {  	_ = 	snop  }
0x7: {  	_ = 	snop  }
__scs_overlays_trampoline_lowered:
0x8: {  	[smem:$0x3F9B] =	sst s0  }
0x9: {  	[smem:$0x3F9C] =	sst s1  }
0xa: {  	[smem:$0x3F9D] =	sst s2  }
0xb: {  	[smem:$0x3F9E] =	sst s3  }
0xc: {  	[smem:$0x3F9F] =	sst s4  }
0xd: {  	[smem:$0x3FA0] =	sst s5  }
0xe: {  	[smem:$0x3FA1] =	sst s6  }
0xf: {  	[smem:$0x3FA2] =	sst s7  }
0x10: {  	[smem:$0x3FA3] =	sst s8  }
0x11: {  	[smem:$0x3FA4] =	sst s9;
	s0 =	simm.s32 @!p0 $0x0  }
0x12: {  	s1 =	sld [smem:$0x3F8A];
	s0 =	simm.s32 @p0 $0x1  }
0x13: {  	[smem:$0x3FA5] =	sst s0;
	s0 =	simm.s32 @!p1 $0x0  }
0x14: {  	s2 =	sld [smem:$0x3F89];
	s0 =	simm.s32 @p1 $0x1  }
0x15: {  	[smem:$0x3FA6] =	sst s0;
	s0 =	simm.s32 @!p2 $0x0  }
0x16: {  	s3 =	sld [smem:$0x3FDB];
	s0 =	simm.s32 @p2 $0x1  }
0x17: {  	s4 =	simm.s32 $0x1BF5;
	[smem:$0x3FA8] =	sst s0  }
0x18: {  	s0 =	sld [smem:$0x3F8B];
	_ =	swait.ge [sflag:s4], $0x0  }
0x19: {  	s7 =	sld [smem:$0x3F8C]  }
0x1a: {  	s8 =	sadd.s32 $0xFFFFE003, lr  }
0x1b: {  	s9 =	sadd.s32 $0xFFFFFEF7, lr;
	s5 =	simm.s32 $0xFFFFFFFF;
	p2 =	slt.u32 s8, $0xFFFFF086  }
0x1c: {  	p1 =	slt.u32 s9, $0xF7A;
	s5 =	simm.s32 @!p2 $0x0  }
0x1d: {  	s5 =	simm.s32 @p1 $0x1;
	p0 =	seq.s32 s7, s2  }
0x1e: {  	s7 =	smul.u32 @!p0 $0xF7A, s2;
	p2 =	seq.s32 @!p0 s5, $0x0  }
0x1f: {  	s9 =	smul.u32 $0xF7A, s1;
	s8 =	simm.s32 @!p0 $0x1BF5;
	p2 =	por !p2, p0  }
0x20: {  	[sflag:s8] =	ssyncset.s32 @!p0 $0xFFFFF086;
	s6 =	sadd.s32 @!p0 s3, s7;
	s7 =	simm.s32 @!p0 $0x108  }
0x21: {  	s3 =	sadd.s32 s3, s9;
	s6 =	sadd.s32 @!p0 $0x88, s6;
	s7 =	simm.s32 @p2 $0x1082  }
0x22: {  	[simem:s7], [sflag:s8] =	dma.local @!p0 [hbm:s6], $0xF7A  }
0x23: {  	s9 =	sor.u32 $0xD0000000, s2;
	s6 =	simm.s32 $0x108;
	_ =	swait.ge @!p0 [sflag:s8], $0x0  }
0x24: {  	s3 =	sadd.s32 $0x88, s3;
	s6 =	simm.s32 @!p1 $0x1082;
	[sflag:s4] =	ssyncset.s32 $0xFFFFF086  }
0x25: {  	[simem:s6], [sflag:s4] =	dma.local [hbm:s3], $0xF7A  }
0x26: {  	[smem:$0x3F8C] =	sst s1;
	(tag) =	ssettag s2;
	_ =	strace s9  }
0x27: {  	s1 =	sld [smem:$0x3F9C]  }
0x28: {  	s2 =	sld [smem:$0x3F9D]  }
0x29: {  	s4 =	sld [smem:$0x3F9F]  }
0x2a: {  	p0 =	seq.s32 s5, $0x0;
	s5 =	sld [smem:$0x3FA0]  }
0x2b: {  	s6 =	sld [smem:$0x3FA1]  }
0x2c: {  	s7 =	sld [smem:$0x3FA2]  }
0x2d: {  	s3 =	simm.s32 $0x108;
	s8 =	sld [smem:$0x3FA3]  }
0x2e: {  	s3 =	simm.s32 @!p0 $0x1082;
	s9 =	sld [smem:$0x3FA4]  }
0x2f: {  	lr =	sadd.s32 s0, s3;
	s0 =	sld [smem:$0x3F9B]  }
0x30: {  	s3 =	sld [smem:$0x3F9E]  }
0x31: {  	[smem:$0x3FA7] =	sst s10  }
0x32: {  	s10 =	sld [smem:$0x3FA5];
	_ =	sdelay $0x3  }
0x33: {  	p0 =	seq.s32 s10, $0x1;
	s10 =	sld [smem:$0x3FA7];
	_ =	sdelay $0x3  }
0x34: {  	[smem:$0x3FA7] =	sst s10  }
0x35: {  	s10 =	sld [smem:$0x3FA6];
	_ =	sdelay $0x3  }
0x36: {  	p1 =	seq.s32 s10, $0x1;
	s10 =	sld [smem:$0x3FA7];
	_ =	sdelay $0x3  }
0x37: {  	[smem:$0x3FA7] =	sst s10  }
0x38: {  	s10 =	sld [smem:$0x3FA8]  }
0x39: {  	_ = 	snop;
	(pc) =	sbr.ind lr, $3  }
0x3a: {  	_ = 	snop  }
0x3b: {  	_ = 	snop  }
0x3c: {  	p2 =	seq.s32 s10, $0x1;
	s10 =	sld [smem:$0x3FA7]  }
0x3d: {  	_ =	shalt  }
0x3e: {  	_ =	shalt  }
0x3f: {  	_ =	shalt  }
0x40: {  	_ =	shalt  }
0x41: {  	_ =	shalt  }
0x42: {  	_ =	shalt  }
0x43: {  	_ =	shalt  }
0x44: {  	_ =	shalt  }
0x45: {  	_ =	shalt  }
0x46: {  	_ =	shalt  }
0x47: {  	_ =	shalt  }
0x48: {  	_ =	shalt  }
0x49: {  	_ =	shalt  }
0x4a: {  	_ =	shalt  }
0x4b: {  	_ =	shalt  }
0x4c: {  	_ =	shalt  }
0x4d: {  	_ =	shalt  }
0x4e: {  	_ =	shalt  }
0x4f: {  	_ =	shalt  }
0x50: {  	_ =	shalt  }
0x51: {  	_ =	shalt  }
0x52: {  	_ =	shalt  }
0x53: {  	_ =	shalt  }
0x54: {  	_ =	shalt  }
0x55: {  	_ =	shalt  }
0x56: {  	_ =	shalt  }
0x57: {  	_ =	shalt  }
0x58: {  	_ =	shalt  }
0x59: {  	_ =	shalt  }
0x5a: {  	_ =	shalt  }
0x5b: {  	_ =	shalt  }
0x5c: {  	_ =	shalt  }
0x5d: {  	_ =	shalt  }
0x5e: {  	_ =	shalt  }
0x5f: {  	_ =	shalt  }
0x60: {  	_ =	shalt  }
0x61: {  	_ =	shalt  }
0x62: {  	_ =	shalt  }
0x63: {  	_ =	shalt  }
0x64: {  	_ =	shalt  }
0x65: {  	_ =	shalt  }
0x66: {  	_ =	shalt  }
0x67: {  	_ =	shalt  }
0x68: {  	_ =	shalt  }
0x69: {  	_ =	shalt  }
0x6a: {  	_ =	shalt  }
0x6b: {  	_ =	shalt  }
0x6c: {  	_ =	shalt  }
0x6d: {  	_ =	shalt  }
0x6e: {  	_ =	shalt  }
0x6f: {  	_ =	shalt  }
0x70: {  	_ =	shalt  }
0x71: {  	_ =	shalt  }
0x72: {  	_ =	shalt  }
0x73: {  	_ =	shalt  }
0x74: {  	_ =	shalt  }
0x75: {  	_ =	shalt  }
0x76: {  	_ =	shalt  }
0x77: {  	_ =	shalt  }
0x78: {  	_ =	shalt  }
0x79: {  	_ =	shalt  }
0x7a: {  	_ =	shalt  }
0x7b: {  	_ =	shalt  }
0x7c: {  	_ =	shalt  }
0x7d: {  	_ =	shalt  }
0x7e: {  	_ =	shalt  }
0x7f: {  	_ =	shalt  }
0x80: {  	_ =	shalt  }
0x81: {  	_ =	shalt  }
0x82: {  	_ =	shalt  }
0x83: {  	_ =	shalt  }
0x84: {  	_ =	shalt  }
0x85: {  	_ =	shalt  }
0x86: {  	_ =	shalt  }
0x87: {  	_ =	shalt  }
.Lfunc_end0:
.L_simem_size_0:
called_computation_lowered:
.L_overlay_start_0:
0x88: {  	s2 =	sld [smem:$0x3FD9]  }
0x89: {  	s3 =	sld [smem:$0x3FFE];
	_ =	sdelay $0x1  }
0x8a: {  	s1 =	srdreg.scid  }
0x8b: {  	s0 =	sand.u32 $0x1, s1  }
0x8c: {  	s16 =	sshll.u32 s0, $0xA;
	s2 =	sadd.s32 s3, s2  }
0x8d: {  	s2 =	sadd.s32 s2, s16  }
0x8e: {  	[smem:$0x3FB3] =	sst s2  }
0x8f: {  	_ = 	snop  }
0x90: {  	(tm) =	ssettm $0x1  }
0x91: {  	s17 =	sld [smem:$0x3FFB];
	_ =	sdelay $0x3  }
0x92: {  	_ =	strace s17  }
0x93: {  	s2 =	sld [smem:$0x3FFC];
	_ =	sdelay $0x3  }
0x94: {  	_ =	strace s2  }
0x95: {  	s2 =	sld [smem:$0x3FFD];
	_ =	sdelay $0x3  }
0x96: {  	_ =	strace s2  }
0x97: {  	_ =	strace $0x8FFFFFFF  }
0x98: {  	s18 =	sld [smem:$0x3FDB];
	_ =	sdelay $0x1  }
0x99: {  	s19 =	simm.s32 $_scs_section_size  }
0x9a: {  	s4 =	simm.s32 $_size__tile_overlayer_lowered;
	s5 =	simm.s32 $_tile_overlayer_lowered  }
0x9b: {  	s22 =	simm.s32 $0x1BFF;
	s21 =	sshll.u32 s5, $0x1;
	s2 =	sadd.s32 s19, s18  }
0x9c: {  	s6 =	simm.s32 $0x0;
	s20 =	sshll.u32 s4, $0x1;
	s4 =	sadd.s32 s21, s2  }
0x9d: {  	[timem:s6], [sflag:s22] =	dma.local [hbm:s4], s20  }
0x9e: {  	_ =	swait.ge [sflag:s22], s20  }
0x9f: {  	s3 =	ssub.s32 $0x0, s20;
	[sflag:s22] =	ssyncset.done $0x0  }
0xa0: {  	[sflag:s22] =	ssyncadd.s32 s3;
	_ =	sdelay $0x1  }
0xa1: {  	s23 =	simm.s32 $0x1B8B  }
0xa2: {  	_ =	swait.ge [sflag:s23], $0x1  }
0xa3: {  	[sflag:s23] =	ssyncset.done $0x0  }
0xa4: {  	s25 =	simm.s32 $0x1B8E;
	s24 =	sld [smem:$0x3FFE];
	[sflag:s23] =	ssyncadd.s32 $0xFFFFFFFF  }
0xa5: {  	s26 =	simm.s32 $execute0_lowered;
	[smem:$0x3FD2] =	sst s25  }
0xa6: {  	s4 =	sshll.u32 s26, $0x1;
	_ =	strace $0x80000046;
	[dreg:$0x1] =	wrdreg $0xFFFFFFFF  }
0xa7: {  	s28 =	simm.s32 $_size_execute0_lowered;
	s2 =	sadd.s32 s2, s4;
	[dreg:$0x0] =	wrdreg $0x0  }
0xa8: {  	s4 =	sshll.u32 s28, $0x1;
	[dreg:$0x2] =	wrdreg s2  }
0xa9: {  	[dreg:$0x3] =	wrdreg s4  }
0xaa: {  	[dreg:$0x4] =	wrdreg $0xC0  }
0xab: {  	_ =	task [dreg:s6], $0x5FFFF  }
0xac: {  	[dreg:$0x1] =	wrdreg $0xFFFFFFFF  }
0xad: {  	[dreg:$0x0] =	wrdreg $0x60  }
0xae: {  	[dreg:$0x2] =	wrdreg s24  }
0xaf: {  	[dreg:$0x3] =	wrdreg $0x0  }
0xb0: {  	[dreg:$0x4] =	wrdreg $0x140000  }
0xb1: {  	[dreg:$0x5] =	wrdreg $0x9  }
0xb2: {  	_ =	task.clear_ibuf [dreg:s6], $0x6FFFF;
	_ =	strace $0x90000046  }
0xb3: {  	s29 =	simm.s32 $0x9;
	_ =	strace $0x80000048  }
0xb4: {  	_ =	swait.ge [sflag:s29], $0x1  }
0xb5: {  	[sflag:s29] =	ssyncadd.s32 $0xFFFFFFFF  }
0xb6: {  	_ =	strace $0x90000048  }
0xb7: {  	_ =	sfence  }
0xb8: {  	s30 =	sld [smem:$0x0];
	_ =	sdelay $0x2  }
0xb9: {  	s31 =	sshll.u32 s1, $0xD;
	s1 =	sshrl.u32 s1, $0x2  }
0xba: {  	s3 =	sand.u32 $0x4000, s31;
	s1 =	sadd.s32 s1, s30  }
0xbb: {  	s0 =	sor.u32 s3, s0;
	s1 =	sshll.u32 s1, $0x11  }
0xbc: {  	s0 =	sor.u32 s1, s0  }
0xbd: {  	s0 =	sadd.s32 $0x8F2B, s0  }
0xbe: {  	[sflag:s0] =	ssyncadd.remote.s32 $0x1  }
0xbf: {  	_ =	sfence.sel $0xFFFF  }
0xc0: {  	[dreg:$0x0] =	wrdreg $0xFFFFFFFF;
	(pc) =	sbr.abs _section_cstart, $3  }
0xc1: {  	[dreg:$0x1] =	wrdreg $0xFFFFFFFF  }
0xc2: {  	_ =	task.clear_ibuf [dreg:s6], $0x2FFFF;
	_ =	strace $0x9FFFFFFF  }
0xc3: {  	(tm) =	ssettm $0x7FFFFFFF  }
tec
execute0_lowered:
.L_overlay_start_1:
0x0: {  	(tag) =	ssettag $0x1  }
0x1: {  	s0 =	rddreg [dreg:$0x0]  }
0x2: {  	s1 =	rddreg [dreg:$0x1]  }
0x3: {  	s3 =	rddreg [dreg:$0x2];
	s4 =	simm.s32 $0x0  }
0x4: {  	s17 =	stileid.u32;
	s5 =	srdreg.scid;
	s19 =	simm.s32 $0x14280  }
0x5: {  	s20 =	simm.s32 $0x80;
	s21 =	simm.s32 $0x14400;
	s22 =	simm.s32 $0x18400  }
0x6: {  	s28 =	simm.s32 $0x3;
	s30 =	simm.s32 $0x10;
	s2 =	smul.u32 $0x14000, s17  }
0x7: {  	[smem:$0x7FF] =	sst s4;
	s10 =	smul.u32 $0x280, s17;
	s8 =	sand.u32 $0x1, s5  }
0x8: {  	s5 =	sadd.s32 $0x4200, s0;
	s6 =	sadd.s32 $0x27F200, s0;
	s23 =	smul.u32 $0x500, s17  }
0x9: {  	s7 =	sadd.s32 $0x275200, s0;
	s15 =	smul.u32 $0x50000, s17;
	s29 =	sshll.u32 s17, $0x6  }
0xa: {  	_ =	strace $0x80000047;
	s11 =	smul.u32 $0x140000, s8;
	s13 =	sshll.u32 s8, $0x7  }
0xb: {  	s24 =	ssub.s32 $0x2, s8;
	s8 =	sshll.u32 s8, $0x4;
	s9 =	sshrl.u32 s2, $0x3  }
0xc: {  	s12 =	sshrl.u32 s10, $0x3;
	s14 =	sshrl.u32 s24, $0x1;
	s25 =	sor.u32 s17, s8  }
0xd: {  	s26 =	sshrl.u32 s15, $0x2;
	s18 =	sadd.s32 s10, s3;
	s17 =	simm.s32 $0x4  }
0xe: {  	s9 =	sadd.s32 s9, s0;
	s2 =	sadd.s32 s2, s11;
	s12 =	sadd.s32 s12, s0  }
0xf: {  	s11 =	sor.u32 s13, s23;
	s16 =	ssub.s32 s24, s14;
	s31 =	sadd.s32 s26, s1  }
0x10: {  	s18 =	sshrl.u32 s18, $0x3;
	s23 =	simm.s32 $0x1;
	s24 =	simm.s32 $0x2  }
0x11: {  	s26 =	simm.s32 $0x14380;
	s2 =	sshrl.u32 s2, $0x3;
	s11 =	sshrl.u32 s11, $0x3  }
0x12: {  	s8 =	sadd.s32 $0x2C200, s9;
	s9 =	sor.u32 $0x1C04, s29;
	s10 =	sadd.s32 $0x54200, s12  }
0x13: {  	s12 =	smul.u32 $0x28, s25;
	s15 =	smax.u32 s16, $0x1;
	s16 =	sshrl.u32 s31, $0x3  }
0x14: {  	s2 =	sadd.s32 s2, s0;
	s0 =	sadd.s32 s11, s0;
	s11 =	smul.u32 $0x2800, s25  }
0x15: {  	v0 =	vimm.f32 $1.000000000e+00;
	s25 =	simm.s32 $0x14300;
	s13 =	sadd.s32 $0x55200, s2;
	s14 =	sadd.s32 $0x54800, s0  }
.LBB2_1:
0x16: {  	[spmem:s16], [sflag:s9] =	dma.local [hbm:s8], $0x2800  }
0x17: {  	_ =	swait.ge [sflag:s17], $0x2800  }
0x18: {  	[sflag:s17] =	ssyncset.done $0x0  }
0x19: {  	[sflag:s17] =	ssyncadd.s32 $0xFFFFD800  }
0x1a: {  	[spmem:s18], [sflag:s9] =	dma.local [hbm:s10], $0x50  }
0x1b: {  	_ =	swait.ge [sflag:s17], $0x50  }
0x1c: {  	[sflag:s17] =	ssyncset.done $0x0  }
0x1d: {  	[sflag:s17] =	ssyncadd.s32 $0xFFFFFFB0  }
0x1e: {  	[tilespmem:$0x14380] =	vst v0  }
0x1f: {  	[tilespmem:$0x14390] =	vst v0  }
0x20: {  	[tilespmem:$0x143A0] =	vst v0  }
0x21: {  	[tilespmem:$0x143B0] =	vst v0  }
0x22: {  	[tilespmem:$0x143C0] =	vst v0  }
0x23: {  	[tilespmem:$0x143D0] =	vst v0  }
0x24: {  	[tilespmem:$0x143E0] =	vst v0  }
0x25: {  	[tilespmem:$0x143F0] =	vst v0  }
0x26: {  	s31 =	simm.s32 $0x0;
	[bflag:$0x0] =	sbarrier.arrive $0xFFFF  }
.LBB2_2:
0x27: {  	s0 =	sshll.u32 s31, $0x8  }
0x28: {  	s0 =	sadd.s32 s11, s0  }
0x29: {  	s0 =	sshrl.u32 s0, $0x3  }
0x2a: {  	s2 =	simm.s32 $0x0;
	s0 =	sadd.s32 s7, s0  }
0x2b: {  	[tilespmem:s19], [sflag:$0x4] =	stream.linear.gather [hbm4b:s0+s2], $0x100, $0x38;
	[tilespmem:$0x1C400] =	vst v63  }
0x2c: {  	_ =	swait.ge [sflag:s17], $0x100  }
0x2d: {  	s29 =	sadd.s32 s12, s31;
	[sflag:s17] =	ssyncset.done $0x0  }
0x2e: {  	s0 =	sshll.u32 s29, $0xB;
	[sflag:s17] =	ssyncadd.s32 $0xFFFFFF00  }
0x2f: {  	[tilespmem:s21], [sflag:$0x1] =	stream.indirect.gather [hbm4b:s5+s20], $0x80, s19, s20, $0xb8;
	[tilespmem:$0x1C400] =	vst v63  }
0x30: {  	s0 =	sadd.s32 s6, s0  }
0x31: {  	[tilespmem:s22], [sflag:$0x2] =	stream.linear.gather [hbm4b:s0+s2], $0x4000, $0x38;
	[tilespmem:$0x1C400] =	vst v63  }
0x32: {  	_ =	swait.ge [sflag:s23], $0x4000  }
0x33: {  	[sflag:s23] =	ssyncset.done $0x0  }
0x34: {  	[sflag:s23] =	ssyncadd.s32 $0xFFFFC000  }
0x35: {  	_ =	swait.ge [sflag:s24], $0x4000  }
0x36: {  	[sflag:s24] =	ssyncset.done $0x0  }
0x37: {  	s0 =	simm.s32 $0x0;
	[sflag:s24] =	ssyncadd.s32 $0xFFFFC000  }
0x38: {  	v7 =	vld [tilespmem:s0+$0x18400]  }
0x39: {  	v12 =	vld [tilespmem:s0+$0x18410]  }
0x3a: {  	v6 =	vld [tilespmem:s0+$0x18420]  }
0x3b: {  	v5 =	vld [tilespmem:s0+$0x18430]  }
0x3c: {  	v4 =	vld [tilespmem:s0+$0x18440]  }
0x3d: {  	v3 =	vld [tilespmem:s0+$0x18450]  }
0x3e: {  	v2 =	vld [tilespmem:s0+$0x18460]  }
0x3f: {  	v1 =	vld [tilespmem:s0+$0x18470]  }
0x40: {  	v13 =	vld [tilespmem:s0+$0x14400]  }
0x41: {  	v14 =	vld [tilespmem:s0+$0x14410]  }
0x42: {  	v11 =	vld [tilespmem:s0+$0x14420]  }
0x43: {  	v10 =	vld [tilespmem:s0+$0x14430]  }
0x44: {  	v9 =	vld [tilespmem:s0+$0x14440]  }
0x45: {  	v8 =	vld [tilespmem:s0+$0x14450];
	v13 =	vadd.f32 v7, v13  }
0x46: {  	s2 =	simm.s32 $0x200;
	v12 =	vadd.f32 v12, v14;
	v7 =	vld [tilespmem:s0+$0x14460]  }
.LBB2_3:
0x47: {  	s29 =	sshra.s32 s2, $0x2;
	p0 =	sne.s32 s2, $0xFE00;
	v13 =	vmax.f32 v13, $0.0e+00;
	v6 =	vadd.f32 v6, v11;
	v11 =	vld [tilespmem:s0+$0x14470]  }
0x48: {  	v14 =	vld [tilespmem:s29+$0x18400];
	[tilespmem:s0+$0x14400] =	vst v13;
	v12 =	vmax.f32 v12, $0.0e+00;
	v5 =	vadd.f32 v5, v10  }
0x49: {  	v15 =	vld [tilespmem:s29+$0x18410];
	[tilespmem:s0+$0x14410] =	vst v12;
	v10 =	vmax.f32 v6, $0.0e+00;
	v4 =	vadd.f32 v4, v9  }
0x4a: {  	v6 =	vld [tilespmem:s29+$0x18420];
	[tilespmem:s0+$0x14420] =	vst v10;
	v9 =	vmax.f32 v5, $0.0e+00;
	v3 =	vadd.f32 v3, v8  }
0x4b: {  	v5 =	vld [tilespmem:s29+$0x18430];
	[tilespmem:s0+$0x14430] =	vst v9;
	v8 =	vmax.f32 v4, $0.0e+00;
	v2 =	vadd.f32 v2, v7  }
0x4c: {  	v4 =	vld [tilespmem:s29+$0x18440];
	[tilespmem:s0+$0x14440] =	vst v8;
	v7 =	vmax.f32 v3, $0.0e+00;
	v1 =	vadd.f32 v1, v11  }
0x4d: {  	v3 =	vld [tilespmem:s29+$0x18450];
	[tilespmem:s0+$0x14450] =	vst v7;
	v7 =	vmax.f32 v2, $0.0e+00  }
0x4e: {  	v2 =	vld [tilespmem:s29+$0x18460];
	[tilespmem:s0+$0x14460] =	vst v7;
	v7 =	vmax.f32 v1, $0.0e+00  }
0x4f: {  	v1 =	vld [tilespmem:s29+$0x18470];
	[tilespmem:s0+$0x14470] =	vst v7;
	s0 =	smov.u32 s29  }
0x50: {  	v7 =	vld [tilespmem:s0+$0x14400]  }
0x51: {  	v12 =	vld [tilespmem:s0+$0x14410]  }
.Ltmp0:
0x52: {  	v11 =	vld [tilespmem:s0+$0x14420];
	(pc) =	sbr.rel @p0 .LBB2_3-.Ltmp0, $4  }
0x53: {  	v10 =	vld [tilespmem:s0+$0x14430]  }
0x54: {  	v9 =	vld [tilespmem:s0+$0x14440]  }
0x55: {  	v13 =	vadd.f32 v14, v7;
	v8 =	vld [tilespmem:s0+$0x14450]  }
0x56: {  	s2 =	sadd.s32 $0x200, s2;
	v12 =	vadd.f32 v15, v12;
	v7 =	vld [tilespmem:s0+$0x14460]  }
0x57: {  	v13 =	vmax.f32 v13, $0.0e+00;
	v6 =	vadd.f32 v6, v11;
	v63 =	vld [tilespmem:s0+$0x14470]  }
0x58: {  	[tilespmem:s0+$0x14400] =	vst v13;
	v12 =	vmax.f32 v12, $0.0e+00;
	v5 =	vadd.f32 v5, v10  }
0x59: {  	[tilespmem:s0+$0x14410] =	vst v12;
	v6 =	vmax.f32 v6, $0.0e+00;
	v4 =	vadd.f32 v4, v9  }
0x5a: {  	[tilespmem:s0+$0x14420] =	vst v6;
	v5 =	vmax.f32 v5, $0.0e+00;
	v3 =	vadd.f32 v3, v8  }
0x5b: {  	[tilespmem:s0+$0x14430] =	vst v5;
	v4 =	vmax.f32 v4, $0.0e+00;
	v2 =	vadd.f32 v2, v7  }
0x5c: {  	[tilespmem:s0+$0x14440] =	vst v4;
	v3 =	vmax.f32 v3, $0.0e+00;
	v1 =	vadd.f32 v1, v63  }
0x5d: {  	[tilespmem:s0+$0x14450] =	vst v3;
	v2 =	vmax.f32 v2, $0.0e+00  }
0x5e: {  	[tilespmem:s0+$0x14460] =	vst v2;
	v1 =	vmax.f32 v1, $0.0e+00  }
0x5f: {  	[tilespmem:s0+$0x14470] =	vst v1  }
0x60: {  	[spmem:s1] =	stream.indirect.scatter.add.f32 [tilespmem:s21], [sflag:$0x3], $0x80, s25, s20, $0xb8;
	[tilespmem:$0x1C400] =	vst v63  }
0x61: {  	s31 =	sadd.s32 $0x1, s31  }
0x62: {  	[spmem:s3] =	stream.indirect.scatter.add.f32 [tilespmem:s26], [sflag:$0x3], $0x1, s25, s20, $0xb8;
	[tilespmem:$0x1C400] =	vst v63  }
0x63: {  	p0 =	sne.s32 s31, $0x28;
	_ =	swait.ge [sflag:s28], $0x4000  }
.Ltmp1:
0x64: {  	[sflag:s28] =	ssyncset.done $0x0;
	(pc) =	sbr.rel @p0 .LBB2_2-.Ltmp1, $4  }
0x65: {  	[sflag:s28] =	ssyncadd.s32 $0xFFFFC000  }
0x66: {  	_ =	swait.ge [sflag:s28], $0x80  }
0x67: {  	[sflag:s28] =	ssyncset.done $0x0  }
0x68: {  	[sflag:s28] =	ssyncadd.s32 $0xFFFFFF80  }
0x69: {  	[bflag:$0x0] =	sbarrier.arrive $0xFFFF  }
0x6a: {  	[hbm:s13], [sflag:s9] =	dma.local [spmem:s16], $0x2800  }
0x6b: {  	s4 =	sadd.s32 $0x1, s4;
	_ =	swait.ge [sflag:s17], $0x2800  }
0x6c: {  	p0 =	sne.s32 s4, s15;
	[sflag:s17] =	ssyncset.done $0x0  }
.Ltmp2:
0x6d: {  	s0 =	simm.s32 $0x20;
	[sflag:s17] =	ssyncadd.s32 $0xFFFFD800;
	(pc) =	sbr.rel @p0 .LBB2_1-.Ltmp2, $4  }
0x6e: {  	[hbm:s14@s0], [sflag:s9] =	dma.strided [spmem:s18@s30], $0x50, s23, $0x10   }
0x6f: {  	_ =	swait.ge [sflag:s17], $0x50  }
0x70: {  	[sflag:s17] =	ssyncset.done $0x0  }
0x71: {  	[sflag:s17] =	ssyncadd.s32 $0xFFFFFFB0  }
0x72: {  	_ =	sfence.sel $0x180000  }
0x73: {  	[bflag:$0x0] =	sbarrier.arrive $0xFFFF  }
0x74: {  	_ =	strace $0x90000047  }
0x75: {  	s0 =	stileid.u32;
	[bflag:$0x2] =	sbarrier.arrive $0xFFFF  }
0x76: {  	p0 =	sne.s32 s0, $0x0;
	s0 =	rddreg [dreg:$0x3]  }
0x77: {  	s0 =	sadd.s32 @!p0 $0x100000, s0  }
0x78: {  	[sflag:s0] =	ssyncadd.tile.s32 @!p0 $0x1;
	_ =	shalt  }
.Lfunc_end2:
_tile_overlayer_lowered:
.L_overlay_start_2:
0x79: {  	(tag) =	ssettag $0x2  }
0x7a: {  	s0 =	rddreg [dreg:$0x0];
	s2 =	stileid.u32  }
0x7b: {  	s1 =	rddreg [dreg:$0x1];
	p0 =	sne.s32 s2, $0x0  }
0x7c: {  	s3 =	rddreg [dreg:$0x2];
	[bflag:$0x3] =	sbarrier.arrive $0xFFFF;
	s2 =	simm.s32 @!p0 $0x1C04  }
0x7d: {  	[timem:s3], [sflag:s2] =	dma.local @!p0 [hbm:s0], s1  }
0x7e: {  	s0 =	simm.s32 @!p0 $0x4  }
0x7f: {  	_ =	swait.ge @!p0 [sflag:s0], s1  }
0x80: {  	s1 =	ssub.s32 @!p0 $0x0, s1;
	[sflag:s0] =	ssyncset.done @!p0 $0x0  }
0x81: {  	[sflag:s0] =	ssyncadd.s32 @!p0 s1  }
0x82: {  	[bflag:$0x3] =	sbarrier.arrive $0xFFFF  }
0x83: {  	_ =	shalt  }

// kernel: kernel.14.cloned.1.call-start
scs
__scs_entry_jumppad:
0x0: {  	(pc) =	sbr.rel $0x88, $3  }
0x1: {  	(tag) =	ssettag $0x0;
	lr =	simm.s32 $0x1  }
0x2: {  	[smem:$0x3F8C] =	sst lr;
	_ =	strace $0xD0000000  }
0x3: {  	_ = 	snop  }
0x4: {  	_ = 	snop  }
0x5: {  	_ = 	snop  }
0x6: {  	_ = 	snop  }
0x7: {  	_ = 	snop  }
__scs_overlays_trampoline_lowered:
0x8: {  	[smem:$0x3F9B] =	sst s0  }
0x9: {  	[smem:$0x3F9C] =	sst s1  }
0xa: {  	[smem:$0x3F9D] =	sst s2  }
0xb: {  	[smem:$0x3F9E] =	sst s3  }
0xc: {  	[smem:$0x3F9F] =	sst s4  }
0xd: {  	[smem:$0x3FA0] =	sst s5  }
0xe: {  	[smem:$0x3FA1] =	sst s6  }
0xf: {  	[smem:$0x3FA2] =	sst s7  }
0x10: {  	[smem:$0x3FA3] =	sst s8  }
0x11: {  	[smem:$0x3FA4] =	sst s9;
	s0 =	simm.s32 @!p0 $0x0  }
0x12: {  	s1 =	sld [smem:$0x3F8A];
	s0 =	simm.s32 @p0 $0x1  }
0x13: {  	[smem:$0x3FA5] =	sst s0;
	s0 =	simm.s32 @!p1 $0x0  }
0x14: {  	s2 =	sld [smem:$0x3F89];
	s0 =	simm.s32 @p1 $0x1  }
0x15: {  	[smem:$0x3FA6] =	sst s0;
	s0 =	simm.s32 @!p2 $0x0  }
0x16: {  	s3 =	sld [smem:$0x3FDB];
	s0 =	simm.s32 @p2 $0x1  }
0x17: {  	s4 =	simm.s32 $0x1BF5;
	[smem:$0x3FA8] =	sst s0  }
0x18: {  	s0 =	sld [smem:$0x3F8B];
	_ =	swait.ge [sflag:s4], $0x0  }
0x19: {  	s7 =	sld [smem:$0x3F8C]  }
0x1a: {  	s8 =	sadd.s32 $0xFFFFE003, lr  }
0x1b: {  	s9 =	sadd.s32 $0xFFFFFEF7, lr;
	s5 =	simm.s32 $0xFFFFFFFF;
	p2 =	slt.u32 s8, $0xFFFFF086  }
0x1c: {  	p1 =	slt.u32 s9, $0xF7A;
	s5 =	simm.s32 @!p2 $0x0  }
0x1d: {  	s5 =	simm.s32 @p1 $0x1;
	p0 =	seq.s32 s7, s2  }
0x1e: {  	s7 =	smul.u32 @!p0 $0xF7A, s2;
	p2 =	seq.s32 @!p0 s5, $0x0  }
0x1f: {  	s9 =	smul.u32 $0xF7A, s1;
	s8 =	simm.s32 @!p0 $0x1BF5;
	p2 =	por !p2, p0  }
0x20: {  	[sflag:s8] =	ssyncset.s32 @!p0 $0xFFFFF086;
	s6 =	sadd.s32 @!p0 s3, s7;
	s7 =	simm.s32 @!p0 $0x108  }
0x21: {  	s3 =	sadd.s32 s3, s9;
	s6 =	sadd.s32 @!p0 $0x88, s6;
	s7 =	simm.s32 @p2 $0x1082  }
0x22: {  	[simem:s7], [sflag:s8] =	dma.local @!p0 [hbm:s6], $0xF7A  }
0x23: {  	s9 =	sor.u32 $0xD0000000, s2;
	s6 =	simm.s32 $0x108;
	_ =	swait.ge @!p0 [sflag:s8], $0x0  }
0x24: {  	s3 =	sadd.s32 $0x88, s3;
	s6 =	simm.s32 @!p1 $0x1082;
	[sflag:s4] =	ssyncset.s32 $0xFFFFF086  }
0x25: {  	[simem:s6], [sflag:s4] =	dma.local [hbm:s3], $0xF7A  }
0x26: {  	[smem:$0x3F8C] =	sst s1;
	(tag) =	ssettag s2;
	_ =	strace s9  }
0x27: {  	s1 =	sld [smem:$0x3F9C]  }
0x28: {  	s2 =	sld [smem:$0x3F9D]  }
0x29: {  	s4 =	sld [smem:$0x3F9F]  }
0x2a: {  	p0 =	seq.s32 s5, $0x0;
	s5 =	sld [smem:$0x3FA0]  }
0x2b: {  	s6 =	sld [smem:$0x3FA1]  }
0x2c: {  	s7 =	sld [smem:$0x3FA2]  }
0x2d: {  	s3 =	simm.s32 $0x108;
	s8 =	sld [smem:$0x3FA3]  }
0x2e: {  	s3 =	simm.s32 @!p0 $0x1082;
	s9 =	sld [smem:$0x3FA4]  }
0x2f: {  	lr =	sadd.s32 s0, s3;
	s0 =	sld [smem:$0x3F9B]  }
0x30: {  	s3 =	sld [smem:$0x3F9E]  }
0x31: {  	[smem:$0x3FA7] =	sst s10  }
0x32: {  	s10 =	sld [smem:$0x3FA5];
	_ =	sdelay $0x3  }
0x33: {  	p0 =	seq.s32 s10, $0x1;
	s10 =	sld [smem:$0x3FA7];
	_ =	sdelay $0x3  }
0x34: {  	[smem:$0x3FA7] =	sst s10  }
0x35: {  	s10 =	sld [smem:$0x3FA6];
	_ =	sdelay $0x3  }
0x36: {  	p1 =	seq.s32 s10, $0x1;
	s10 =	sld [smem:$0x3FA7];
	_ =	sdelay $0x3  }
0x37: {  	[smem:$0x3FA7] =	sst s10  }
0x38: {  	s10 =	sld [smem:$0x3FA8]  }
0x39: {  	_ = 	snop;
	(pc) =	sbr.ind lr, $3  }
0x3a: {  	_ = 	snop  }
0x3b: {  	_ = 	snop  }
0x3c: {  	p2 =	seq.s32 s10, $0x1;
	s10 =	sld [smem:$0x3FA7]  }
0x3d: {  	_ =	shalt  }
0x3e: {  	_ =	shalt  }
0x3f: {  	_ =	shalt  }
0x40: {  	_ =	shalt  }
0x41: {  	_ =	shalt  }
0x42: {  	_ =	shalt  }
0x43: {  	_ =	shalt  }
0x44: {  	_ =	shalt  }
0x45: {  	_ =	shalt  }
0x46: {  	_ =	shalt  }
0x47: {  	_ =	shalt  }
0x48: {  	_ =	shalt  }
0x49: {  	_ =	shalt  }
0x4a: {  	_ =	shalt  }
0x4b: {  	_ =	shalt  }
0x4c: {  	_ =	shalt  }
0x4d: {  	_ =	shalt  }
0x4e: {  	_ =	shalt  }
0x4f: {  	_ =	shalt  }
0x50: {  	_ =	shalt  }
0x51: {  	_ =	shalt  }
0x52: {  	_ =	shalt  }
0x53: {  	_ =	shalt  }
0x54: {  	_ =	shalt  }
0x55: {  	_ =	shalt  }
0x56: {  	_ =	shalt  }
0x57: {  	_ =	shalt  }
0x58: {  	_ =	shalt  }
0x59: {  	_ =	shalt  }
0x5a: {  	_ =	shalt  }
0x5b: {  	_ =	shalt  }
0x5c: {  	_ =	shalt  }
0x5d: {  	_ =	shalt  }
0x5e: {  	_ =	shalt  }
0x5f: {  	_ =	shalt  }
0x60: {  	_ =	shalt  }
0x61: {  	_ =	shalt  }
0x62: {  	_ =	shalt  }
0x63: {  	_ =	shalt  }
0x64: {  	_ =	shalt  }
0x65: {  	_ =	shalt  }
0x66: {  	_ =	shalt  }
0x67: {  	_ =	shalt  }
0x68: {  	_ =	shalt  }
0x69: {  	_ =	shalt  }
0x6a: {  	_ =	shalt  }
0x6b: {  	_ =	shalt  }
0x6c: {  	_ =	shalt  }
0x6d: {  	_ =	shalt  }
0x6e: {  	_ =	shalt  }
0x6f: {  	_ =	shalt  }
0x70: {  	_ =	shalt  }
0x71: {  	_ =	shalt  }
0x72: {  	_ =	shalt  }
0x73: {  	_ =	shalt  }
0x74: {  	_ =	shalt  }
0x75: {  	_ =	shalt  }
0x76: {  	_ =	shalt  }
0x77: {  	_ =	shalt  }
0x78: {  	_ =	shalt  }
0x79: {  	_ =	shalt  }
0x7a: {  	_ =	shalt  }
0x7b: {  	_ =	shalt  }
0x7c: {  	_ =	shalt  }
0x7d: {  	_ =	shalt  }
0x7e: {  	_ =	shalt  }
0x7f: {  	_ =	shalt  }
0x80: {  	_ =	shalt  }
0x81: {  	_ =	shalt  }
0x82: {  	_ =	shalt  }
0x83: {  	_ =	shalt  }
0x84: {  	_ =	shalt  }
0x85: {  	_ =	shalt  }
0x86: {  	_ =	shalt  }
0x87: {  	_ =	shalt  }
.Lfunc_end0:
.L_simem_size_0:
called_computation.1_lowered:
.L_overlay_start_0:
0x88: {  	s2 =	sld [smem:$0x3FD9]  }
0x89: {  	s3 =	sld [smem:$0x3FFE];
	_ =	sdelay $0x1  }
0x8a: {  	s1 =	srdreg.scid  }
0x8b: {  	s0 =	sand.u32 $0x1, s1  }
0x8c: {  	s16 =	sshll.u32 s0, $0xA;
	s2 =	sadd.s32 s3, s2  }
0x8d: {  	s2 =	sadd.s32 s2, s16  }
0x8e: {  	[smem:$0x3FB3] =	sst s2  }
0x8f: {  	_ = 	snop  }
0x90: {  	(tm) =	ssettm $0x1  }
0x91: {  	s17 =	sld [smem:$0x3FFB];
	_ =	sdelay $0x3  }
0x92: {  	_ =	strace s17  }
0x93: {  	s2 =	sld [smem:$0x3FFC];
	_ =	sdelay $0x3  }
0x94: {  	_ =	strace s2  }
0x95: {  	s2 =	sld [smem:$0x3FFD];
	_ =	sdelay $0x3  }
0x96: {  	_ =	strace s2  }
0x97: {  	_ =	strace $0x8FFFFFFF  }
0x98: {  	s18 =	sld [smem:$0x3FDB];
	_ =	sdelay $0x1  }
0x99: {  	s19 =	simm.s32 $_scs_section_size  }
0x9a: {  	s4 =	simm.s32 $_size__tile_overlayer_lowered;
	s5 =	simm.s32 $_tile_overlayer_lowered  }
0x9b: {  	s22 =	simm.s32 $0x1BFF;
	s21 =	sshll.u32 s5, $0x1;
	s2 =	sadd.s32 s19, s18  }
0x9c: {  	s6 =	simm.s32 $0x0;
	s20 =	sshll.u32 s4, $0x1;
	s4 =	sadd.s32 s21, s2  }
0x9d: {  	[timem:s6], [sflag:s22] =	dma.local [hbm:s4], s20  }
0x9e: {  	_ =	swait.ge [sflag:s22], s20  }
0x9f: {  	s3 =	ssub.s32 $0x0, s20;
	[sflag:s22] =	ssyncset.done $0x0  }
0xa0: {  	[sflag:s22] =	ssyncadd.s32 s3;
	_ =	sdelay $0x1  }
0xa1: {  	s23 =	simm.s32 $0x1B8B  }
0xa2: {  	_ =	swait.ge [sflag:s23], $0x1  }
0xa3: {  	[sflag:s23] =	ssyncset.done $0x0  }
0xa4: {  	s25 =	simm.s32 $0x1B8E;
	s24 =	sld [smem:$0x3FFE];
	[sflag:s23] =	ssyncadd.s32 $0xFFFFFFFF  }
0xa5: {  	s26 =	simm.s32 $execute0_lowered;
	[smem:$0x3FD2] =	sst s25  }
0xa6: {  	s4 =	sshll.u32 s26, $0x1;
	_ =	strace $0x80000049;
	[dreg:$0x1] =	wrdreg $0xFFFFFFFF  }
0xa7: {  	s28 =	simm.s32 $_size_execute0_lowered;
	s2 =	sadd.s32 s2, s4;
	[dreg:$0x0] =	wrdreg $0x0  }
0xa8: {  	s4 =	sshll.u32 s28, $0x1;
	[dreg:$0x2] =	wrdreg s2  }
0xa9: {  	[dreg:$0x3] =	wrdreg s4  }
0xaa: {  	[dreg:$0x4] =	wrdreg $0xC0  }
0xab: {  	_ =	task [dreg:s6], $0x5FFFF  }
0xac: {  	[dreg:$0x1] =	wrdreg $0xFFFFFFFF  }
0xad: {  	[dreg:$0x0] =	wrdreg $0x60  }
0xae: {  	[dreg:$0x2] =	wrdreg s24  }
0xaf: {  	[dreg:$0x3] =	wrdreg $0x0  }
0xb0: {  	[dreg:$0x4] =	wrdreg $0x140000  }
0xb1: {  	[dreg:$0x5] =	wrdreg $0x9  }
0xb2: {  	_ =	task.clear_ibuf [dreg:s6], $0x6FFFF;
	_ =	strace $0x90000049  }
0xb3: {  	s29 =	simm.s32 $0x9;
	_ =	strace $0x8000004B  }
0xb4: {  	_ =	swait.ge [sflag:s29], $0x1  }
0xb5: {  	[sflag:s29] =	ssyncadd.s32 $0xFFFFFFFF  }
0xb6: {  	_ =	strace $0x9000004B  }
0xb7: {  	_ =	sfence  }
0xb8: {  	s30 =	sld [smem:$0x0];
	_ =	sdelay $0x2  }
0xb9: {  	s31 =	sshll.u32 s1, $0xD;
	s1 =	sshrl.u32 s1, $0x2  }
0xba: {  	s3 =	sand.u32 $0x4000, s31;
	s1 =	sadd.s32 s1, s30  }
0xbb: {  	s0 =	sor.u32 s3, s0;
	s1 =	sshll.u32 s1, $0x11  }
0xbc: {  	s0 =	sor.u32 s1, s0  }
0xbd: {  	s0 =	sadd.s32 $0x8F2B, s0  }
0xbe: {  	[sflag:s0] =	ssyncadd.remote.s32 $0x1  }
0xbf: {  	_ =	sfence.sel $0xFFFF  }
0xc0: {  	[dreg:$0x0] =	wrdreg $0xFFFFFFFF;
	(pc) =	sbr.abs _section_cstart, $3  }
0xc1: {  	[dreg:$0x1] =	wrdreg $0xFFFFFFFF  }
0xc2: {  	_ =	task.clear_ibuf [dreg:s6], $0x2FFFF;
	_ =	strace $0x9FFFFFFF  }
0xc3: {  	(tm) =	ssettm $0x7FFFFFFF  }
tec
execute0_lowered:
.L_overlay_start_1:
0x0: {  	(tag) =	ssettag $0x1  }
0x1: {  	s0 =	rddreg [dreg:$0x0]  }
0x2: {  	s1 =	rddreg [dreg:$0x1]  }
0x3: {  	s3 =	rddreg [dreg:$0x2];
	s4 =	simm.s32 $0x0  }
0x4: {  	s17 =	stileid.u32;
	s5 =	srdreg.scid;
	s19 =	simm.s32 $0x14280  }
0x5: {  	s20 =	simm.s32 $0x80;
	s21 =	simm.s32 $0x14400;
	s22 =	simm.s32 $0x18400  }
0x6: {  	s28 =	simm.s32 $0x3;
	s30 =	simm.s32 $0x10;
	s2 =	smul.u32 $0x14000, s17  }
0x7: {  	[smem:$0x7FF] =	sst s4;
	s10 =	smul.u32 $0x280, s17;
	s8 =	sand.u32 $0x1, s5  }
0x8: {  	s5 =	sadd.s32 $0x4200, s0;
	s6 =	sadd.s32 $0x27F200, s0;
	s23 =	smul.u32 $0x500, s17  }
0x9: {  	s7 =	sadd.s32 $0x275200, s0;
	s15 =	smul.u32 $0x50000, s17;
	s29 =	sshll.u32 s17, $0x6  }
0xa: {  	_ =	strace $0x8000004A;
	s11 =	smul.u32 $0x140000, s8;
	s13 =	sshll.u32 s8, $0x7  }
0xb: {  	s24 =	ssub.s32 $0x2, s8;
	s8 =	sshll.u32 s8, $0x4;
	s9 =	sshrl.u32 s2, $0x3  }
0xc: {  	s12 =	sshrl.u32 s10, $0x3;
	s14 =	sshrl.u32 s24, $0x1;
	s25 =	sor.u32 s17, s8  }
0xd: {  	s26 =	sshrl.u32 s15, $0x2;
	s18 =	sadd.s32 s10, s3;
	s17 =	simm.s32 $0x4  }
0xe: {  	s9 =	sadd.s32 s9, s0;
	s2 =	sadd.s32 s2, s11;
	s12 =	sadd.s32 s12, s0  }
0xf: {  	s11 =	sor.u32 s13, s23;
	s16 =	ssub.s32 s24, s14;
	s31 =	sadd.s32 s26, s1  }
0x10: {  	s18 =	sshrl.u32 s18, $0x3;
	s23 =	simm.s32 $0x1;
	s24 =	simm.s32 $0x2  }
0x11: {  	s26 =	simm.s32 $0x14380;
	s2 =	sshrl.u32 s2, $0x3;
	s11 =	sshrl.u32 s11, $0x3  }
0x12: {  	s8 =	sadd.s32 $0x2C200, s9;
	s9 =	sor.u32 $0x1C04, s29;
	s10 =	sadd.s32 $0x54200, s12  }
0x13: {  	s12 =	smul.u32 $0x28, s25;
	s15 =	smax.u32 s16, $0x1;
	s16 =	sshrl.u32 s31, $0x3  }
0x14: {  	s2 =	sadd.s32 s2, s0;
	s0 =	sadd.s32 s11, s0;
	s11 =	smul.u32 $0x2800, s25  }
0x15: {  	v0 =	vimm.f32 $1.000000000e+00;
	s25 =	simm.s32 $0x14300;
	s13 =	sadd.s32 $0x55200, s2;
	s14 =	sadd.s32 $0x54800, s0  }
.LBB2_1:
0x16: {  	[spmem:s16], [sflag:s9] =	dma.local [hbm:s8], $0x2800  }
0x17: {  	_ =	swait.ge [sflag:s17], $0x2800  }
0x18: {  	[sflag:s17] =	ssyncset.done $0x0  }
0x19: {  	[sflag:s17] =	ssyncadd.s32 $0xFFFFD800  }
0x1a: {  	[spmem:s18], [sflag:s9] =	dma.local [hbm:s10], $0x50  }
0x1b: {  	_ =	swait.ge [sflag:s17], $0x50  }
0x1c: {  	[sflag:s17] =	ssyncset.done $0x0  }
0x1d: {  	[sflag:s17] =	ssyncadd.s32 $0xFFFFFFB0  }
0x1e: {  	[tilespmem:$0x14380] =	vst v0  }
0x1f: {  	[tilespmem:$0x14390] =	vst v0  }
0x20: {  	[tilespmem:$0x143A0] =	vst v0  }
0x21: {  	[tilespmem:$0x143B0] =	vst v0  }
0x22: {  	[tilespmem:$0x143C0] =	vst v0  }
0x23: {  	[tilespmem:$0x143D0] =	vst v0  }
0x24: {  	[tilespmem:$0x143E0] =	vst v0  }
0x25: {  	[tilespmem:$0x143F0] =	vst v0  }
0x26: {  	s31 =	simm.s32 $0x0;
	[bflag:$0x0] =	sbarrier.arrive $0xFFFF  }
.LBB2_2:
0x27: {  	s0 =	sshll.u32 s31, $0x8  }
0x28: {  	s0 =	sadd.s32 s11, s0  }
0x29: {  	s0 =	sshrl.u32 s0, $0x3  }
0x2a: {  	s2 =	simm.s32 $0x0;
	s0 =	sadd.s32 s7, s0  }
0x2b: {  	[tilespmem:s19], [sflag:$0x4] =	stream.linear.gather [hbm4b:s0+s2], $0x100, $0x38;
	[tilespmem:$0x1C400] =	vst v63  }
0x2c: {  	_ =	swait.ge [sflag:s17], $0x100  }
0x2d: {  	s29 =	sadd.s32 s12, s31;
	[sflag:s17] =	ssyncset.done $0x0  }
0x2e: {  	s0 =	sshll.u32 s29, $0xB;
	[sflag:s17] =	ssyncadd.s32 $0xFFFFFF00  }
0x2f: {  	[tilespmem:s21], [sflag:$0x1] =	stream.indirect.gather [hbm4b:s5+s20], $0x80, s19, s20, $0xb8;
	[tilespmem:$0x1C400] =	vst v63  }
0x30: {  	s0 =	sadd.s32 s6, s0  }
0x31: {  	[tilespmem:s22], [sflag:$0x2] =	stream.linear.gather [hbm4b:s0+s2], $0x4000, $0x38;
	[tilespmem:$0x1C400] =	vst v63  }
0x32: {  	_ =	swait.ge [sflag:s23], $0x4000  }
0x33: {  	[sflag:s23] =	ssyncset.done $0x0  }
0x34: {  	[sflag:s23] =	ssyncadd.s32 $0xFFFFC000  }
0x35: {  	_ =	swait.ge [sflag:s24], $0x4000  }
0x36: {  	[sflag:s24] =	ssyncset.done $0x0  }
0x37: {  	s0 =	simm.s32 $0x0;
	[sflag:s24] =	ssyncadd.s32 $0xFFFFC000  }
0x38: {  	v7 =	vld [tilespmem:s0+$0x18400]  }
0x39: {  	v12 =	vld [tilespmem:s0+$0x18410]  }
0x3a: {  	v6 =	vld [tilespmem:s0+$0x18420]  }
0x3b: {  	v5 =	vld [tilespmem:s0+$0x18430]  }
0x3c: {  	v4 =	vld [tilespmem:s0+$0x18440]  }
0x3d: {  	v3 =	vld [tilespmem:s0+$0x18450]  }
0x3e: {  	v2 =	vld [tilespmem:s0+$0x18460]  }
0x3f: {  	v1 =	vld [tilespmem:s0+$0x18470]  }
0x40: {  	v13 =	vld [tilespmem:s0+$0x14400]  }
0x41: {  	v14 =	vld [tilespmem:s0+$0x14410]  }
0x42: {  	v11 =	vld [tilespmem:s0+$0x14420]  }
0x43: {  	v10 =	vld [tilespmem:s0+$0x14430]  }
0x44: {  	v9 =	vld [tilespmem:s0+$0x14440]  }
0x45: {  	v8 =	vld [tilespmem:s0+$0x14450];
	v13 =	vadd.f32 v7, v13  }
0x46: {  	s2 =	simm.s32 $0x200;
	v12 =	vadd.f32 v12, v14;
	v7 =	vld [tilespmem:s0+$0x14460]  }
.LBB2_3:
0x47: {  	s29 =	sshra.s32 s2, $0x2;
	p0 =	sne.s32 s2, $0xFE00;
	v13 =	vmax.f32 v13, $0.0e+00;
	v6 =	vadd.f32 v6, v11;
	v11 =	vld [tilespmem:s0+$0x14470]  }
0x48: {  	v14 =	vld [tilespmem:s29+$0x18400];
	[tilespmem:s0+$0x14400] =	vst v13;
	v12 =	vmax.f32 v12, $0.0e+00;
	v5 =	vadd.f32 v5, v10  }
0x49: {  	v15 =	vld [tilespmem:s29+$0x18410];
	[tilespmem:s0+$0x14410] =	vst v12;
	v10 =	vmax.f32 v6, $0.0e+00;
	v4 =	vadd.f32 v4, v9  }
0x4a: {  	v6 =	vld [tilespmem:s29+$0x18420];
	[tilespmem:s0+$0x14420] =	vst v10;
	v9 =	vmax.f32 v5, $0.0e+00;
	v3 =	vadd.f32 v3, v8  }
0x4b: {  	v5 =	vld [tilespmem:s29+$0x18430];
	[tilespmem:s0+$0x14430] =	vst v9;
	v8 =	vmax.f32 v4, $0.0e+00;
	v2 =	vadd.f32 v2, v7  }
0x4c: {  	v4 =	vld [tilespmem:s29+$0x18440];
	[tilespmem:s0+$0x14440] =	vst v8;
	v7 =	vmax.f32 v3, $0.0e+00;
	v1 =	vadd.f32 v1, v11  }
0x4d: {  	v3 =	vld [tilespmem:s29+$0x18450];
	[tilespmem:s0+$0x14450] =	vst v7;
	v7 =	vmax.f32 v2, $0.0e+00  }
0x4e: {  	v2 =	vld [tilespmem:s29+$0x18460];
	[tilespmem:s0+$0x14460] =	vst v7;
	v7 =	vmax.f32 v1, $0.0e+00  }
0x4f: {  	v1 =	vld [tilespmem:s29+$0x18470];
	[tilespmem:s0+$0x14470] =	vst v7;
	s0 =	smov.u32 s29  }
0x50: {  	v7 =	vld [tilespmem:s0+$0x14400]  }
0x51: {  	v12 =	vld [tilespmem:s0+$0x14410]  }
.Ltmp0:
0x52: {  	v11 =	vld [tilespmem:s0+$0x14420];
	(pc) =	sbr.rel @p0 .LBB2_3-.Ltmp0, $4  }
0x53: {  	v10 =	vld [tilespmem:s0+$0x14430]  }
0x54: {  	v9 =	vld [tilespmem:s0+$0x14440]  }
0x55: {  	v13 =	vadd.f32 v14, v7;
	v8 =	vld [tilespmem:s0+$0x14450]  }
0x56: {  	s2 =	sadd.s32 $0x200, s2;
	v12 =	vadd.f32 v15, v12;
	v7 =	vld [tilespmem:s0+$0x14460]  }
0x57: {  	v13 =	vmax.f32 v13, $0.0e+00;
	v6 =	vadd.f32 v6, v11;
	v63 =	vld [tilespmem:s0+$0x14470]  }
0x58: {  	[tilespmem:s0+$0x14400] =	vst v13;
	v12 =	vmax.f32 v12, $0.0e+00;
	v5 =	vadd.f32 v5, v10  }
0x59: {  	[tilespmem:s0+$0x14410] =	vst v12;
	v6 =	vmax.f32 v6, $0.0e+00;
	v4 =	vadd.f32 v4, v9  }
0x5a: {  	[tilespmem:s0+$0x14420] =	vst v6;
	v5 =	vmax.f32 v5, $0.0e+00;
	v3 =	vadd.f32 v3, v8  }
0x5b: {  	[tilespmem:s0+$0x14430] =	vst v5;
	v4 =	vmax.f32 v4, $0.0e+00;
	v2 =	vadd.f32 v2, v7  }
0x5c: {  	[tilespmem:s0+$0x14440] =	vst v4;
	v3 =	vmax.f32 v3, $0.0e+00;
	v1 =	vadd.f32 v1, v63  }
0x5d: {  	[tilespmem:s0+$0x14450] =	vst v3;
	v2 =	vmax.f32 v2, $0.0e+00  }
0x5e: {  	[tilespmem:s0+$0x14460] =	vst v2;
	v1 =	vmax.f32 v1, $0.0e+00  }
0x5f: {  	[tilespmem:s0+$0x14470] =	vst v1  }
0x60: {  	[spmem:s1] =	stream.indirect.scatter.add.f32 [tilespmem:s21], [sflag:$0x3], $0x80, s25, s20, $0xb8;
	[tilespmem:$0x1C400] =	vst v63  }
0x61: {  	s31 =	sadd.s32 $0x1, s31  }
0x62: {  	[spmem:s3] =	stream.indirect.scatter.add.f32 [tilespmem:s26], [sflag:$0x3], $0x1, s25, s20, $0xb8;
	[tilespmem:$0x1C400] =	vst v63  }
0x63: {  	p0 =	sne.s32 s31, $0x28;
	_ =	swait.ge [sflag:s28], $0x4000  }
.Ltmp1:
0x64: {  	[sflag:s28] =	ssyncset.done $0x0;
	(pc) =	sbr.rel @p0 .LBB2_2-.Ltmp1, $4  }
0x65: {  	[sflag:s28] =	ssyncadd.s32 $0xFFFFC000  }
0x66: {  	_ =	swait.ge [sflag:s28], $0x80  }
0x67: {  	[sflag:s28] =	ssyncset.done $0x0  }
0x68: {  	[sflag:s28] =	ssyncadd.s32 $0xFFFFFF80  }
0x69: {  	[bflag:$0x0] =	sbarrier.arrive $0xFFFF  }
0x6a: {  	[hbm:s13], [sflag:s9] =	dma.local [spmem:s16], $0x2800  }
0x6b: {  	s4 =	sadd.s32 $0x1, s4;
	_ =	swait.ge [sflag:s17], $0x2800  }
0x6c: {  	p0 =	sne.s32 s4, s15;
	[sflag:s17] =	ssyncset.done $0x0  }
.Ltmp2:
0x6d: {  	s0 =	simm.s32 $0x20;
	[sflag:s17] =	ssyncadd.s32 $0xFFFFD800;
	(pc) =	sbr.rel @p0 .LBB2_1-.Ltmp2, $4  }
0x6e: {  	[hbm:s14@s0], [sflag:s9] =	dma.strided [spmem:s18@s30], $0x50, s23, $0x10   }
0x6f: {  	_ =	swait.ge [sflag:s17], $0x50  }
0x70: {  	[sflag:s17] =	ssyncset.done $0x0  }
0x71: {  	[sflag:s17] =	ssyncadd.s32 $0xFFFFFFB0  }
0x72: {  	_ =	sfence.sel $0x180000  }
0x73: {  	[bflag:$0x0] =	sbarrier.arrive $0xFFFF  }
0x74: {  	_ =	strace $0x9000004A  }
0x75: {  	s0 =	stileid.u32;
	[bflag:$0x2] =	sbarrier.arrive $0xFFFF  }
0x76: {  	p0 =	sne.s32 s0, $0x0;
	s0 =	rddreg [dreg:$0x3]  }
0x77: {  	s0 =	sadd.s32 @!p0 $0x100000, s0  }
0x78: {  	[sflag:s0] =	ssyncadd.tile.s32 @!p0 $0x1;
	_ =	shalt  }
.Lfunc_end2:
_tile_overlayer_lowered:
.L_overlay_start_2:
0x79: {  	(tag) =	ssettag $0x2  }
0x7a: {  	s0 =	rddreg [dreg:$0x0];
	s2 =	stileid.u32  }
0x7b: {  	s1 =	rddreg [dreg:$0x1];
	p0 =	sne.s32 s2, $0x0  }
0x7c: {  	s3 =	rddreg [dreg:$0x2];
	[bflag:$0x3] =	sbarrier.arrive $0xFFFF;
	s2 =	simm.s32 @!p0 $0x1C04  }
0x7d: {  	[timem:s3], [sflag:s2] =	dma.local @!p0 [hbm:s0], s1  }
0x7e: {  	s0 =	simm.s32 @!p0 $0x4  }
0x7f: {  	_ =	swait.ge @!p0 [sflag:s0], s1  }
0x80: {  	s1 =	ssub.s32 @!p0 $0x0, s1;
	[sflag:s0] =	ssyncset.done @!p0 $0x0  }
0x81: {  	[sflag:s0] =	ssyncadd.s32 @!p0 s1  }
0x82: {  	[bflag:$0x3] =	sbarrier.arrive $0xFFFF  }
0x83: {  	_ =	shalt  }

// kernel: kernel.17.cloned.1.call-start
scs
__scs_entry_jumppad:
0x0: {  	(pc) =	sbr.rel $0x88, $3  }
0x1: {  	(tag) =	ssettag $0x0;
	lr =	simm.s32 $0x1  }
0x2: {  	[smem:$0x3F8C] =	sst lr;
	_ =	strace $0xD0000000  }
0x3: {  	_ = 	snop  }
0x4: {  	_ = 	snop  }
0x5: {  	_ = 	snop  }
0x6: {  	_ = 	snop  }
0x7: {  	_ = 	snop  }
__scs_overlays_trampoline_lowered:
0x8: {  	[smem:$0x3F9B] =	sst s0  }
0x9: {  	[smem:$0x3F9C] =	sst s1  }
0xa: {  	[smem:$0x3F9D] =	sst s2  }
0xb: {  	[smem:$0x3F9E] =	sst s3  }
0xc: {  	[smem:$0x3F9F] =	sst s4  }
0xd: {  	[smem:$0x3FA0] =	sst s5  }
0xe: {  	[smem:$0x3FA1] =	sst s6  }
0xf: {  	[smem:$0x3FA2] =	sst s7  }
0x10: {  	[smem:$0x3FA3] =	sst s8  }
0x11: {  	[smem:$0x3FA4] =	sst s9;
	s0 =	simm.s32 @!p0 $0x0  }
0x12: {  	s1 =	sld [smem:$0x3F8A];
	s0 =	simm.s32 @p0 $0x1  }
0x13: {  	[smem:$0x3FA5] =	sst s0;
	s0 =	simm.s32 @!p1 $0x0  }
0x14: {  	s2 =	sld [smem:$0x3F89];
	s0 =	simm.s32 @p1 $0x1  }
0x15: {  	[smem:$0x3FA6] =	sst s0;
	s0 =	simm.s32 @!p2 $0x0  }
0x16: {  	s3 =	sld [smem:$0x3FDB];
	s0 =	simm.s32 @p2 $0x1  }
0x17: {  	s4 =	simm.s32 $0x1BF5;
	[smem:$0x3FA8] =	sst s0  }
0x18: {  	s0 =	sld [smem:$0x3F8B];
	_ =	swait.ge [sflag:s4], $0x0  }
0x19: {  	s7 =	sld [smem:$0x3F8C]  }
0x1a: {  	s8 =	sadd.s32 $0xFFFFE003, lr  }
0x1b: {  	s9 =	sadd.s32 $0xFFFFFEF7, lr;
	s5 =	simm.s32 $0xFFFFFFFF;
	p2 =	slt.u32 s8, $0xFFFFF086  }
0x1c: {  	p1 =	slt.u32 s9, $0xF7A;
	s5 =	simm.s32 @!p2 $0x0  }
0x1d: {  	s5 =	simm.s32 @p1 $0x1;
	p0 =	seq.s32 s7, s2  }
0x1e: {  	s7 =	smul.u32 @!p0 $0xF7A, s2;
	p2 =	seq.s32 @!p0 s5, $0x0  }
0x1f: {  	s9 =	smul.u32 $0xF7A, s1;
	s8 =	simm.s32 @!p0 $0x1BF5;
	p2 =	por !p2, p0  }
0x20: {  	[sflag:s8] =	ssyncset.s32 @!p0 $0xFFFFF086;
	s6 =	sadd.s32 @!p0 s3, s7;
	s7 =	simm.s32 @!p0 $0x108  }
0x21: {  	s3 =	sadd.s32 s3, s9;
	s6 =	sadd.s32 @!p0 $0x88, s6;
	s7 =	simm.s32 @p2 $0x1082  }
0x22: {  	[simem:s7], [sflag:s8] =	dma.local @!p0 [hbm:s6], $0xF7A  }
0x23: {  	s9 =	sor.u32 $0xD0000000, s2;
	s6 =	simm.s32 $0x108;
	_ =	swait.ge @!p0 [sflag:s8], $0x0  }
0x24: {  	s3 =	sadd.s32 $0x88, s3;
	s6 =	simm.s32 @!p1 $0x1082;
	[sflag:s4] =	ssyncset.s32 $0xFFFFF086  }
0x25: {  	[simem:s6], [sflag:s4] =	dma.local [hbm:s3], $0xF7A  }
0x26: {  	[smem:$0x3F8C] =	sst s1;
	(tag) =	ssettag s2;
	_ =	strace s9  }
0x27: {  	s1 =	sld [smem:$0x3F9C]  }
0x28: {  	s2 =	sld [smem:$0x3F9D]  }
0x29: {  	s4 =	sld [smem:$0x3F9F]  }
0x2a: {  	p0 =	seq.s32 s5, $0x0;
	s5 =	sld [smem:$0x3FA0]  }
0x2b: {  	s6 =	sld [smem:$0x3FA1]  }
0x2c: {  	s7 =	sld [smem:$0x3FA2]  }
0x2d: {  	s3 =	simm.s32 $0x108;
	s8 =	sld [smem:$0x3FA3]  }
0x2e: {  	s3 =	simm.s32 @!p0 $0x1082;
	s9 =	sld [smem:$0x3FA4]  }
0x2f: {  	lr =	sadd.s32 s0, s3;
	s0 =	sld [smem:$0x3F9B]  }
0x30: {  	s3 =	sld [smem:$0x3F9E]  }
0x31: {  	[smem:$0x3FA7] =	sst s10  }
0x32: {  	s10 =	sld [smem:$0x3FA5];
	_ =	sdelay $0x3  }
0x33: {  	p0 =	seq.s32 s10, $0x1;
	s10 =	sld [smem:$0x3FA7];
	_ =	sdelay $0x3  }
0x34: {  	[smem:$0x3FA7] =	sst s10  }
0x35: {  	s10 =	sld [smem:$0x3FA6];
	_ =	sdelay $0x3  }
0x36: {  	p1 =	seq.s32 s10, $0x1;
	s10 =	sld [smem:$0x3FA7];
	_ =	sdelay $0x3  }
0x37: {  	[smem:$0x3FA7] =	sst s10  }
0x38: {  	s10 =	sld [smem:$0x3FA8]  }
0x39: {  	_ = 	snop;
	(pc) =	sbr.ind lr, $3  }
0x3a: {  	_ = 	snop  }
0x3b: {  	_ = 	snop  }
0x3c: {  	p2 =	seq.s32 s10, $0x1;
	s10 =	sld [smem:$0x3FA7]  }
0x3d: {  	_ =	shalt  }
0x3e: {  	_ =	shalt  }
0x3f: {  	_ =	shalt  }
0x40: {  	_ =	shalt  }
0x41: {  	_ =	shalt  }
0x42: {  	_ =	shalt  }
0x43: {  	_ =	shalt  }
0x44: {  	_ =	shalt  }
0x45: {  	_ =	shalt  }
0x46: {  	_ =	shalt  }
0x47: {  	_ =	shalt  }
0x48: {  	_ =	shalt  }
0x49: {  	_ =	shalt  }
0x4a: {  	_ =	shalt  }
0x4b: {  	_ =	shalt  }
0x4c: {  	_ =	shalt  }
0x4d: {  	_ =	shalt  }
0x4e: {  	_ =	shalt  }
0x4f: {  	_ =	shalt  }
0x50: {  	_ =	shalt  }
0x51: {  	_ =	shalt  }
0x52: {  	_ =	shalt  }
0x53: {  	_ =	shalt  }
0x54: {  	_ =	shalt  }
0x55: {  	_ =	shalt  }
0x56: {  	_ =	shalt  }
0x57: {  	_ =	shalt  }
0x58: {  	_ =	shalt  }
0x59: {  	_ =	shalt  }
0x5a: {  	_ =	shalt  }
0x5b: {  	_ =	shalt  }
0x5c: {  	_ =	shalt  }
0x5d: {  	_ =	shalt  }
0x5e: {  	_ =	shalt  }
0x5f: {  	_ =	shalt  }
0x60: {  	_ =	shalt  }
0x61: {  	_ =	shalt  }
0x62: {  	_ =	shalt  }
0x63: {  	_ =	shalt  }
0x64: {  	_ =	shalt  }
0x65: {  	_ =	shalt  }
0x66: {  	_ =	shalt  }
0x67: {  	_ =	shalt  }
0x68: {  	_ =	shalt  }
0x69: {  	_ =	shalt  }
0x6a: {  	_ =	shalt  }
0x6b: {  	_ =	shalt  }
0x6c: {  	_ =	shalt  }
0x6d: {  	_ =	shalt  }
0x6e: {  	_ =	shalt  }
0x6f: {  	_ =	shalt  }
0x70: {  	_ =	shalt  }
0x71: {  	_ =	shalt  }
0x72: {  	_ =	shalt  }
0x73: {  	_ =	shalt  }
0x74: {  	_ =	shalt  }
0x75: {  	_ =	shalt  }
0x76: {  	_ =	shalt  }
0x77: {  	_ =	shalt  }
0x78: {  	_ =	shalt  }
0x79: {  	_ =	shalt  }
0x7a: {  	_ =	shalt  }
0x7b: {  	_ =	shalt  }
0x7c: {  	_ =	shalt  }
0x7d: {  	_ =	shalt  }
0x7e: {  	_ =	shalt  }
0x7f: {  	_ =	shalt  }
0x80: {  	_ =	shalt  }
0x81: {  	_ =	shalt  }
0x82: {  	_ =	shalt  }
0x83: {  	_ =	shalt  }
0x84: {  	_ =	shalt  }
0x85: {  	_ =	shalt  }
0x86: {  	_ =	shalt  }
0x87: {  	_ =	shalt  }
.Lfunc_end0:
.L_simem_size_0:
called_computation.2_lowered:
.L_overlay_start_0:
0x88: {  	s2 =	sld [smem:$0x3FD9]  }
0x89: {  	s3 =	sld [smem:$0x3FFE];
	_ =	sdelay $0x1  }
0x8a: {  	s1 =	srdreg.scid  }
0x8b: {  	s0 =	sand.u32 $0x1, s1  }
0x8c: {  	s16 =	sshll.u32 s0, $0xA;
	s2 =	sadd.s32 s3, s2  }
0x8d: {  	s2 =	sadd.s32 s2, s16  }
0x8e: {  	[smem:$0x3FB3] =	sst s2  }
0x8f: {  	_ = 	snop  }
0x90: {  	(tm) =	ssettm $0x1  }
0x91: {  	s17 =	sld [smem:$0x3FFB];
	_ =	sdelay $0x3  }
0x92: {  	_ =	strace s17  }
0x93: {  	s2 =	sld [smem:$0x3FFC];
	_ =	sdelay $0x3  }
0x94: {  	_ =	strace s2  }
0x95: {  	s2 =	sld [smem:$0x3FFD];
	_ =	sdelay $0x3  }
0x96: {  	_ =	strace s2  }
0x97: {  	_ =	strace $0x8FFFFFFF  }
0x98: {  	s18 =	sld [smem:$0x3FDB];
	_ =	sdelay $0x1  }
0x99: {  	s19 =	simm.s32 $_scs_section_size  }
0x9a: {  	s4 =	simm.s32 $_size__tile_overlayer_lowered;
	s5 =	simm.s32 $_tile_overlayer_lowered  }
0x9b: {  	s22 =	simm.s32 $0x1BFF;
	s21 =	sshll.u32 s5, $0x1;
	s2 =	sadd.s32 s19, s18  }
0x9c: {  	s6 =	simm.s32 $0x0;
	s20 =	sshll.u32 s4, $0x1;
	s4 =	sadd.s32 s21, s2  }
0x9d: {  	[timem:s6], [sflag:s22] =	dma.local [hbm:s4], s20  }
0x9e: {  	_ =	swait.ge [sflag:s22], s20  }
0x9f: {  	s3 =	ssub.s32 $0x0, s20;
	[sflag:s22] =	ssyncset.done $0x0  }
0xa0: {  	[sflag:s22] =	ssyncadd.s32 s3;
	_ =	sdelay $0x1  }
0xa1: {  	s23 =	simm.s32 $0x1B8B  }
0xa2: {  	_ =	swait.ge [sflag:s23], $0x1  }
0xa3: {  	[sflag:s23] =	ssyncset.done $0x0  }
0xa4: {  	s25 =	simm.s32 $0x1B8E;
	s24 =	sld [smem:$0x3FFE];
	[sflag:s23] =	ssyncadd.s32 $0xFFFFFFFF  }
0xa5: {  	s26 =	simm.s32 $execute0_lowered;
	[smem:$0x3FD2] =	sst s25  }
0xa6: {  	s4 =	sshll.u32 s26, $0x1;
	_ =	strace $0x8000004C;
	[dreg:$0x1] =	wrdreg $0xFFFFFFFF  }
0xa7: {  	s28 =	simm.s32 $_size_execute0_lowered;
	s2 =	sadd.s32 s2, s4;
	[dreg:$0x0] =	wrdreg $0x0  }
0xa8: {  	s4 =	sshll.u32 s28, $0x1;
	[dreg:$0x2] =	wrdreg s2  }
0xa9: {  	[dreg:$0x3] =	wrdreg s4  }
0xaa: {  	[dreg:$0x4] =	wrdreg $0xC0  }
0xab: {  	_ =	task [dreg:s6], $0x5FFFF  }
0xac: {  	[dreg:$0x1] =	wrdreg $0xFFFFFFFF  }
0xad: {  	[dreg:$0x0] =	wrdreg $0x60  }
0xae: {  	[dreg:$0x2] =	wrdreg s24  }
0xaf: {  	[dreg:$0x3] =	wrdreg $0x0  }
0xb0: {  	[dreg:$0x4] =	wrdreg $0x140000  }
0xb1: {  	[dreg:$0x5] =	wrdreg $0x9  }
0xb2: {  	_ =	task.clear_ibuf [dreg:s6], $0x6FFFF;
	_ =	strace $0x9000004C  }
0xb3: {  	s29 =	simm.s32 $0x9;
	_ =	strace $0x8000004E  }
0xb4: {  	_ =	swait.ge [sflag:s29], $0x1  }
0xb5: {  	[sflag:s29] =	ssyncadd.s32 $0xFFFFFFFF  }
0xb6: {  	_ =	strace $0x9000004E  }
0xb7: {  	_ =	sfence  }
0xb8: {  	s30 =	sld [smem:$0x0];
	_ =	sdelay $0x2  }
0xb9: {  	s31 =	sshll.u32 s1, $0xD;
	s1 =	sshrl.u32 s1, $0x2  }
0xba: {  	s3 =	sand.u32 $0x4000, s31;
	s1 =	sadd.s32 s1, s30  }
0xbb: {  	s0 =	sor.u32 s3, s0;
	s1 =	sshll.u32 s1, $0x11  }
0xbc: {  	s0 =	sor.u32 s1, s0  }
0xbd: {  	s0 =	sadd.s32 $0x8F2B, s0  }
0xbe: {  	[sflag:s0] =	ssyncadd.remote.s32 $0x1  }
0xbf: {  	_ =	sfence.sel $0xFFFF  }
0xc0: {  	[dreg:$0x0] =	wrdreg $0xFFFFFFFF;
	(pc) =	sbr.abs _section_cstart, $3  }
0xc1: {  	[dreg:$0x1] =	wrdreg $0xFFFFFFFF  }
0xc2: {  	_ =	task.clear_ibuf [dreg:s6], $0x2FFFF;
	_ =	strace $0x9FFFFFFF  }
0xc3: {  	(tm) =	ssettm $0x7FFFFFFF  }
tec
execute0_lowered:
.L_overlay_start_1:
0x0: {  	(tag) =	ssettag $0x1  }
0x1: {  	s0 =	rddreg [dreg:$0x0]  }
0x2: {  	s1 =	rddreg [dreg:$0x1]  }
0x3: {  	s3 =	rddreg [dreg:$0x2];
	s4 =	simm.s32 $0x0  }
0x4: {  	s17 =	stileid.u32;
	s5 =	srdreg.scid;
	s19 =	simm.s32 $0x14280  }
0x5: {  	s20 =	simm.s32 $0x80;
	s21 =	simm.s32 $0x14400;
	s22 =	simm.s32 $0x18400  }
0x6: {  	s28 =	simm.s32 $0x3;
	s30 =	simm.s32 $0x10;
	s2 =	smul.u32 $0x14000, s17  }
0x7: {  	[smem:$0x7FF] =	sst s4;
	s10 =	smul.u32 $0x280, s17;
	s8 =	sand.u32 $0x1, s5  }
0x8: {  	s5 =	sadd.s32 $0x4200, s0;
	s6 =	sadd.s32 $0x27F200, s0;
	s23 =	smul.u32 $0x500, s17  }
0x9: {  	s7 =	sadd.s32 $0x275200, s0;
	s15 =	smul.u32 $0x50000, s17;
	s29 =	sshll.u32 s17, $0x6  }
0xa: {  	_ =	strace $0x8000004D;
	s11 =	smul.u32 $0x140000, s8;
	s13 =	sshll.u32 s8, $0x7  }
0xb: {  	s24 =	ssub.s32 $0x2, s8;
	s8 =	sshll.u32 s8, $0x4;
	s9 =	sshrl.u32 s2, $0x3  }
0xc: {  	s12 =	sshrl.u32 s10, $0x3;
	s14 =	sshrl.u32 s24, $0x1;
	s25 =	sor.u32 s17, s8  }
0xd: {  	s26 =	sshrl.u32 s15, $0x2;
	s18 =	sadd.s32 s10, s3;
	s17 =	simm.s32 $0x4  }
0xe: {  	s9 =	sadd.s32 s9, s0;
	s2 =	sadd.s32 s2, s11;
	s12 =	sadd.s32 s12, s0  }
0xf: {  	s11 =	sor.u32 s13, s23;
	s16 =	ssub.s32 s24, s14;
	s31 =	sadd.s32 s26, s1  }
0x10: {  	s18 =	sshrl.u32 s18, $0x3;
	s23 =	simm.s32 $0x1;
	s24 =	simm.s32 $0x2  }
0x11: {  	s26 =	simm.s32 $0x14380;
	s2 =	sshrl.u32 s2, $0x3;
	s11 =	sshrl.u32 s11, $0x3  }
0x12: {  	s8 =	sadd.s32 $0x2C200, s9;
	s9 =	sor.u32 $0x1C04, s29;
	s10 =	sadd.s32 $0x54200, s12  }
0x13: {  	s12 =	smul.u32 $0x28, s25;
	s15 =	smax.u32 s16, $0x1;
	s16 =	sshrl.u32 s31, $0x3  }
0x14: {  	s2 =	sadd.s32 s2, s0;
	s0 =	sadd.s32 s11, s0;
	s11 =	smul.u32 $0x2800, s25  }
0x15: {  	v0 =	vimm.f32 $1.000000000e+00;
	s25 =	simm.s32 $0x14300;
	s13 =	sadd.s32 $0x55200, s2;
	s14 =	sadd.s32 $0x54800, s0  }
.LBB2_1:
0x16: {  	[spmem:s16], [sflag:s9] =	dma.local [hbm:s8], $0x2800  }
0x17: {  	_ =	swait.ge [sflag:s17], $0x2800  }
0x18: {  	[sflag:s17] =	ssyncset.done $0x0  }
0x19: {  	[sflag:s17] =	ssyncadd.s32 $0xFFFFD800  }
0x1a: {  	[spmem:s18], [sflag:s9] =	dma.local [hbm:s10], $0x50  }
0x1b: {  	_ =	swait.ge [sflag:s17], $0x50  }
0x1c: {  	[sflag:s17] =	ssyncset.done $0x0  }
0x1d: {  	[sflag:s17] =	ssyncadd.s32 $0xFFFFFFB0  }
0x1e: {  	[tilespmem:$0x14380] =	vst v0  }
0x1f: {  	[tilespmem:$0x14390] =	vst v0  }
0x20: {  	[tilespmem:$0x143A0] =	vst v0  }
0x21: {  	[tilespmem:$0x143B0] =	vst v0  }
0x22: {  	[tilespmem:$0x143C0] =	vst v0  }
0x23: {  	[tilespmem:$0x143D0] =	vst v0  }
0x24: {  	[tilespmem:$0x143E0] =	vst v0  }
0x25: {  	[tilespmem:$0x143F0] =	vst v0  }
0x26: {  	s31 =	simm.s32 $0x0;
	[bflag:$0x0] =	sbarrier.arrive $0xFFFF  }
.LBB2_2:
0x27: {  	s0 =	sshll.u32 s31, $0x8  }
0x28: {  	s0 =	sadd.s32 s11, s0  }
0x29: {  	s0 =	sshrl.u32 s0, $0x3  }
0x2a: {  	s2 =	simm.s32 $0x0;
	s0 =	sadd.s32 s7, s0  }
0x2b: {  	[tilespmem:s19], [sflag:$0x4] =	stream.linear.gather [hbm4b:s0+s2], $0x100, $0x38;
	[tilespmem:$0x1C400] =	vst v63  }
0x2c: {  	_ =	swait.ge [sflag:s17], $0x100  }
0x2d: {  	s29 =	sadd.s32 s12, s31;
	[sflag:s17] =	ssyncset.done $0x0  }
0x2e: {  	s0 =	sshll.u32 s29, $0xB;
	[sflag:s17] =	ssyncadd.s32 $0xFFFFFF00  }
0x2f: {  	[tilespmem:s21], [sflag:$0x1] =	stream.indirect.gather [hbm4b:s5+s20], $0x80, s19, s20, $0xb8;
	[tilespmem:$0x1C400] =	vst v63  }
0x30: {  	s0 =	sadd.s32 s6, s0  }
0x31: {  	[tilespmem:s22], [sflag:$0x2] =	stream.linear.gather [hbm4b:s0+s2], $0x4000, $0x38;
	[tilespmem:$0x1C400] =	vst v63  }
0x32: {  	_ =	swait.ge [sflag:s23], $0x4000  }
0x33: {  	[sflag:s23] =	ssyncset.done $0x0  }
0x34: {  	[sflag:s23] =	ssyncadd.s32 $0xFFFFC000  }
0x35: {  	_ =	swait.ge [sflag:s24], $0x4000  }
0x36: {  	[sflag:s24] =	ssyncset.done $0x0  }
0x37: {  	s0 =	simm.s32 $0x0;
	[sflag:s24] =	ssyncadd.s32 $0xFFFFC000  }
0x38: {  	v7 =	vld [tilespmem:s0+$0x18400]  }
0x39: {  	v12 =	vld [tilespmem:s0+$0x18410]  }
0x3a: {  	v6 =	vld [tilespmem:s0+$0x18420]  }
0x3b: {  	v5 =	vld [tilespmem:s0+$0x18430]  }
0x3c: {  	v4 =	vld [tilespmem:s0+$0x18440]  }
0x3d: {  	v3 =	vld [tilespmem:s0+$0x18450]  }
0x3e: {  	v2 =	vld [tilespmem:s0+$0x18460]  }
0x3f: {  	v1 =	vld [tilespmem:s0+$0x18470]  }
0x40: {  	v13 =	vld [tilespmem:s0+$0x14400]  }
0x41: {  	v14 =	vld [tilespmem:s0+$0x14410]  }
0x42: {  	v11 =	vld [tilespmem:s0+$0x14420]  }
0x43: {  	v10 =	vld [tilespmem:s0+$0x14430]  }
0x44: {  	v9 =	vld [tilespmem:s0+$0x14440]  }
0x45: {  	v8 =	vld [tilespmem:s0+$0x14450];
	v13 =	vadd.f32 v7, v13  }
0x46: {  	s2 =	simm.s32 $0x200;
	v12 =	vadd.f32 v12, v14;
	v7 =	vld [tilespmem:s0+$0x14460]  }
.LBB2_3:
0x47: {  	s29 =	sshra.s32 s2, $0x2;
	p0 =	sne.s32 s2, $0xFE00;
	v13 =	vmax.f32 v13, $0.0e+00;
	v6 =	vadd.f32 v6, v11;
	v11 =	vld [tilespmem:s0+$0x14470]  }
0x48: {  	v14 =	vld [tilespmem:s29+$0x18400];
	[tilespmem:s0+$0x14400] =	vst v13;
	v12 =	vmax.f32 v12, $0.0e+00;
	v5 =	vadd.f32 v5, v10  }
0x49: {  	v15 =	vld [tilespmem:s29+$0x18410];
	[tilespmem:s0+$0x14410] =	vst v12;
	v10 =	vmax.f32 v6, $0.0e+00;
	v4 =	vadd.f32 v4, v9  }
0x4a: {  	v6 =	vld [tilespmem:s29+$0x18420];
	[tilespmem:s0+$0x14420] =	vst v10;
	v9 =	vmax.f32 v5, $0.0e+00;
	v3 =	vadd.f32 v3, v8  }
0x4b: {  	v5 =	vld [tilespmem:s29+$0x18430];
	[tilespmem:s0+$0x14430] =	vst v9;
	v8 =	vmax.f32 v4, $0.0e+00;
	v2 =	vadd.f32 v2, v7  }
0x4c: {  	v4 =	vld [tilespmem:s29+$0x18440];
	[tilespmem:s0+$0x14440] =	vst v8;
	v7 =	vmax.f32 v3, $0.0e+00;
	v1 =	vadd.f32 v1, v11  }
0x4d: {  	v3 =	vld [tilespmem:s29+$0x18450];
	[tilespmem:s0+$0x14450] =	vst v7;
	v7 =	vmax.f32 v2, $0.0e+00  }
0x4e: {  	v2 =	vld [tilespmem:s29+$0x18460];
	[tilespmem:s0+$0x14460] =	vst v7;
	v7 =	vmax.f32 v1, $0.0e+00  }
0x4f: {  	v1 =	vld [tilespmem:s29+$0x18470];
	[tilespmem:s0+$0x14470] =	vst v7;
	s0 =	smov.u32 s29  }
0x50: {  	v7 =	vld [tilespmem:s0+$0x14400]  }
0x51: {  	v12 =	vld [tilespmem:s0+$0x14410]  }
.Ltmp0:
0x52: {  	v11 =	vld [tilespmem:s0+$0x14420];
	(pc) =	sbr.rel @p0 .LBB2_3-.Ltmp0, $4  }
0x53: {  	v10 =	vld [tilespmem:s0+$0x14430]  }
0x54: {  	v9 =	vld [tilespmem:s0+$0x14440]  }
0x55: {  	v13 =	vadd.f32 v14, v7;
	v8 =	vld [tilespmem:s0+$0x14450]  }
0x56: {  	s2 =	sadd.s32 $0x200, s2;
	v12 =	vadd.f32 v15, v12;
	v7 =	vld [tilespmem:s0+$0x14460]  }
0x57: {  	v13 =	vmax.f32 v13, $0.0e+00;
	v6 =	vadd.f32 v6, v11;
	v63 =	vld [tilespmem:s0+$0x14470]  }
0x58: {  	[tilespmem:s0+$0x14400] =	vst v13;
	v12 =	vmax.f32 v12, $0.0e+00;
	v5 =	vadd.f32 v5, v10  }
0x59: {  	[tilespmem:s0+$0x14410] =	vst v12;
	v6 =	vmax.f32 v6, $0.0e+00;
	v4 =	vadd.f32 v4, v9  }
0x5a: {  	[tilespmem:s0+$0x14420] =	vst v6;
	v5 =	vmax.f32 v5, $0.0e+00;
	v3 =	vadd.f32 v3, v8  }
0x5b: {  	[tilespmem:s0+$0x14430] =	vst v5;
	v4 =	vmax.f32 v4, $0.0e+00;
	v2 =	vadd.f32 v2, v7  }
0x5c: {  	[tilespmem:s0+$0x14440] =	vst v4;
	v3 =	vmax.f32 v3, $0.0e+00;
	v1 =	vadd.f32 v1, v63  }
0x5d: {  	[tilespmem:s0+$0x14450] =	vst v3;
	v2 =	vmax.f32 v2, $0.0e+00  }
0x5e: {  	[tilespmem:s0+$0x14460] =	vst v2;
	v1 =	vmax.f32 v1, $0.0e+00  }
0x5f: {  	[tilespmem:s0+$0x14470] =	vst v1  }
0x60: {  	[spmem:s1] =	stream.indirect.scatter.add.f32 [tilespmem:s21], [sflag:$0x3], $0x80, s25, s20, $0xb8;
	[tilespmem:$0x1C400] =	vst v63  }
0x61: {  	s31 =	sadd.s32 $0x1, s31  }
0x62: {  	[spmem:s3] =	stream.indirect.scatter.add.f32 [tilespmem:s26], [sflag:$0x3], $0x1, s25, s20, $0xb8;
	[tilespmem:$0x1C400] =	vst v63  }
0x63: {  	p0 =	sne.s32 s31, $0x28;
	_ =	swait.ge [sflag:s28], $0x4000  }
.Ltmp1:
0x64: {  	[sflag:s28] =	ssyncset.done $0x0;
	(pc) =	sbr.rel @p0 .LBB2_2-.Ltmp1, $4  }
0x65: {  	[sflag:s28] =	ssyncadd.s32 $0xFFFFC000  }
0x66: {  	_ =	swait.ge [sflag:s28], $0x80  }
0x67: {  	[sflag:s28] =	ssyncset.done $0x0  }
0x68: {  	[sflag:s28] =	ssyncadd.s32 $0xFFFFFF80  }
0x69: {  	[bflag:$0x0] =	sbarrier.arrive $0xFFFF  }
0x6a: {  	[hbm:s13], [sflag:s9] =	dma.local [spmem:s16], $0x2800  }
0x6b: {  	s4 =	sadd.s32 $0x1, s4;
	_ =	swait.ge [sflag:s17], $0x2800  }
0x6c: {  	p0 =	sne.s32 s4, s15;
	[sflag:s17] =	ssyncset.done $0x0  }
.Ltmp2:
0x6d: {  	s0 =	simm.s32 $0x20;
	[sflag:s17] =	ssyncadd.s32 $0xFFFFD800;
	(pc) =	sbr.rel @p0 .LBB2_1-.Ltmp2, $4  }
0x6e: {  	[hbm:s14@s0], [sflag:s9] =	dma.strided [spmem:s18@s30], $0x50, s23, $0x10   }
0x6f: {  	_ =	swait.ge [sflag:s17], $0x50  }
0x70: {  	[sflag:s17] =	ssyncset.done $0x0  }
0x71: {  	[sflag:s17] =	ssyncadd.s32 $0xFFFFFFB0  }
0x72: {  	_ =	sfence.sel $0x180000  }
0x73: {  	[bflag:$0x0] =	sbarrier.arrive $0xFFFF  }
0x74: {  	_ =	strace $0x9000004D  }
0x75: {  	s0 =	stileid.u32;
	[bflag:$0x2] =	sbarrier.arrive $0xFFFF  }
0x76: {  	p0 =	sne.s32 s0, $0x0;
	s0 =	rddreg [dreg:$0x3]  }
0x77: {  	s0 =	sadd.s32 @!p0 $0x100000, s0  }
0x78: {  	[sflag:s0] =	ssyncadd.tile.s32 @!p0 $0x1;
	_ =	shalt  }
.Lfunc_end2:
_tile_overlayer_lowered:
.L_overlay_start_2:
0x79: {  	(tag) =	ssettag $0x2  }
0x7a: {  	s0 =	rddreg [dreg:$0x0];
	s2 =	stileid.u32  }
0x7b: {  	s1 =	rddreg [dreg:$0x1];
	p0 =	sne.s32 s2, $0x0  }
0x7c: {  	s3 =	rddreg [dreg:$0x2];
	[bflag:$0x3] =	sbarrier.arrive $0xFFFF;
	s2 =	simm.s32 @!p0 $0x1C04  }
0x7d: {  	[timem:s3], [sflag:s2] =	dma.local @!p0 [hbm:s0], s1  }
0x7e: {  	s0 =	simm.s32 @!p0 $0x4  }
0x7f: {  	_ =	swait.ge @!p0 [sflag:s0], s1  }
0x80: {  	s1 =	ssub.s32 @!p0 $0x0, s1;
	[sflag:s0] =	ssyncset.done @!p0 $0x0  }
0x81: {  	[sflag:s0] =	ssyncadd.s32 @!p0 s1  }
0x82: {  	[bflag:$0x3] =	sbarrier.arrive $0xFFFF  }
0x83: {  	_ =	shalt  }

</sc_bundles>
